<compile_context>
chip_gen: v7x
topology: tpu7x:2x2x1
jax: 0.10.2.dev20260603
libtpu: 0.0.44.dev20260713+nightly
codegen_flags: <defaults>
</compile_context>

<pallas_src>
import functools

import jax
import jax.numpy as jnp
from jax import lax
from jax.experimental import pallas as pl
from jax.experimental.pallas import tpu as pltpu
from jax.experimental.pallas import tpu_sc as plsc

N = 10000
E = 320000
D = 128

NC = 2
NS = 16
NW = NC * NS
CHUNK = 128
NPAD = 10112
ROWS_PER_SUBCORE = NPAD // NS


def _segment_sum_sc(h, src, dst):
    mesh = plsc.VectorSubcoreMesh(core_axis_name="c", subcore_axis_name="s")

    @functools.partial(
        pl.kernel,
        out_type=jax.ShapeDtypeStruct((NC, N, D), jnp.float32),
        mesh=mesh,
        scratch_types=[
            pltpu.VMEM((CHUNK,), jnp.int32),
            pltpu.VMEM((CHUNK,), jnp.int32),
            pltpu.VMEM((CHUNK,), jnp.int32),
            pltpu.VMEM((CHUNK,), jnp.int32),
            pltpu.VMEM((CHUNK, D), jnp.float32),
            pltpu.VMEM((CHUNK, D), jnp.float32),
            pltpu.VMEM_SHARED((NPAD, D), jnp.float32),
            pltpu.SemaphoreType.DMA,
            pltpu.SemaphoreType.DMA,
        ],
    )
    def seg_kernel(h_hbm, src_hbm, dst_hbm, out_hbm,
                   srcA, dstA, srcB, dstB, rows0, rows1, table,
                   semA, semB):
        cid = lax.axis_index("c")
        sid = lax.axis_index("s")
        wid = sid * NC + cid

        @pl.loop(0, CHUNK)
        def _(r):
            @pl.loop(0, D, step=16)
            def _(c0):
                rows0.at[r, pl.ds(c0, 16)][...] = jnp.zeros(
                    (16,), jnp.float32)

        row0 = sid * ROWS_PER_SUBCORE
        for k in range(ROWS_PER_SUBCORE // CHUNK):
            pltpu.sync_copy(rows0,
                            table.at[pl.ds(row0 + k * CHUNK, CHUNK)])
        _rem = ROWS_PER_SUBCORE % CHUNK
        pltpu.sync_copy(
            rows0.at[pl.ds(0, _rem)],
            table.at[pl.ds(row0 + ROWS_PER_SUBCORE - _rem, _rem)])
        plsc.subcore_barrier()

        @pl.loop(wid * 2 * CHUNK, E, step=NW * 2 * CHUNK)
        def _(e0):
            e1 = e0 + CHUNK
            pltpu.sync_copy(src_hbm.at[pl.ds(e0, CHUNK)], srcA)
            pltpu.sync_copy(dst_hbm.at[pl.ds(e0, CHUNK)], dstA)
            hA = pltpu.async_copy(h_hbm.at[srcA], rows0, semA)
            pltpu.sync_copy(src_hbm.at[pl.ds(e1, CHUNK)], srcB)
            pltpu.sync_copy(dst_hbm.at[pl.ds(e1, CHUNK)], dstB)
            hB = pltpu.async_copy(h_hbm.at[srcB], rows1, semB)
            hA.wait()
            pltpu.sync_copy(rows0, table.at[dstA], add=True)
            hB.wait()
            pltpu.sync_copy(rows1, table.at[dstB], add=True)

        plsc.subcore_barrier()

        @pl.when(row0 + ROWS_PER_SUBCORE <= N)
        def _():
            pltpu.sync_copy(table.at[pl.ds(row0, ROWS_PER_SUBCORE)],
                            out_hbm.at[cid, pl.ds(row0, ROWS_PER_SUBCORE)])

        @pl.when(row0 + ROWS_PER_SUBCORE > N)
        def _():
            pltpu.sync_copy(table.at[pl.ds(row0, N % ROWS_PER_SUBCORE)],
                            out_hbm.at[cid, pl.ds(row0, N % ROWS_PER_SUBCORE)])

    return seg_kernel(h, src, dst)


_BLK = 1000


def _mlp_body(eps_ref, h_ref, agg_ref, w1_ref, b1_ref, w2_ref, b2_ref, o_ref):
    z = (1.0 + eps_ref[0]) * h_ref[...] + agg_ref[0] + agg_ref[1]
    t = jnp.maximum(
        jnp.dot(z, w1_ref[...], preferred_element_type=jnp.float32)
        + b1_ref[...], 0.0)
    o = jnp.maximum(
        jnp.dot(t, w2_ref[...], preferred_element_type=jnp.float32)
        + b2_ref[...], 0.0)
    o_ref[...] = o


def _gin_mlp_tc(h, agg, W1, b1, W2, b2, eps):
    grid = (N // _BLK,)
    return pl.pallas_call(
        _mlp_body,
        grid=grid,
        in_specs=[
            pl.BlockSpec(memory_space=pltpu.SMEM),
            pl.BlockSpec((_BLK, D), lambda i: (i, 0)),
            pl.BlockSpec((NC, _BLK, D), lambda i: (0, i, 0)),
            pl.BlockSpec((D, 2 * D), lambda i: (0, 0)),
            pl.BlockSpec((1, 2 * D), lambda i: (0, 0)),
            pl.BlockSpec((2 * D, D), lambda i: (0, 0)),
            pl.BlockSpec((1, D), lambda i: (0, 0)),
        ],
        out_specs=pl.BlockSpec((_BLK, D), lambda i: (i, 0)),
        out_shape=jax.ShapeDtypeStruct((N, D), jnp.float32),
    )(eps.reshape(1), h, agg, W1, b1.reshape(1, -1), W2, b2.reshape(1, -1))


def _final_body(h0_ref, h1_ref, h2_ref, h3_ref, w_ref, b_ref, o_ref):
    w = w_ref[...]
    o = jnp.dot(h0_ref[...], w[0 * D:1 * D], preferred_element_type=jnp.float32)
    o += jnp.dot(h1_ref[...], w[1 * D:2 * D], preferred_element_type=jnp.float32)
    o += jnp.dot(h2_ref[...], w[2 * D:3 * D], preferred_element_type=jnp.float32)
    o += jnp.dot(h3_ref[...], w[3 * D:4 * D], preferred_element_type=jnp.float32)
    o_ref[...] = o + b_ref[...]


def _final_linear_tc(h0, h1, h2, h3, lin_W, lin_b):
    grid = (N // _BLK,)
    row_spec = pl.BlockSpec((_BLK, D), lambda i: (i, 0))
    return pl.pallas_call(
        _final_body,
        grid=grid,
        in_specs=[
            row_spec, row_spec, row_spec, row_spec,
            pl.BlockSpec((4 * D, D), lambda i: (0, 0)),
            pl.BlockSpec((1, D), lambda i: (0, 0)),
        ],
        out_specs=row_spec,
        out_shape=jax.ShapeDtypeStruct((N, D), jnp.float32),
    )(h0, h1, h2, h3, lin_W, lin_b.reshape(1, -1))


def kernel(x, edge_index, W1_0, b1_0, W2_0, b2_0, eps_0,
           W1_1, b1_1, W2_1, b2_1, eps_1,
           W1_2, b1_2, W2_2, b2_2, eps_2, lin_W, lin_b):
    params = [
        (W1_0, b1_0, W2_0, b2_0, eps_0),
        (W1_1, b1_1, W2_1, b2_1, eps_1),
        (W1_2, b1_2, W2_2, b2_2, eps_2),
    ]
    src = edge_index[0]
    dst = edge_index[1]
    h = x
    h_list = [x]
    for (W1, b1, W2, b2, eps) in params:
        agg = _segment_sum_sc(h, src, dst)
        h = _gin_mlp_tc(h, agg, W1, b1, W2, b2, eps)
        h_list.append(h)
    return _final_linear_tc(h_list[0], h_list[1], h_list[2], h_list[3],
                            lin_W, lin_b)

# --- scband reference (transcript-rebuilt; emitter-appended) ---
"""Pipeline reference for scband-gin-68367289418045 (READ-ONLY COPY).

The authoritative reference and input builder live on the scoring server;
editing this copy changes nothing except your own understanding.
"""

import jax, jax.numpy as jnp
import numpy as np

N = 10000
E = 320000
D = 128
L = 3


def setup_inputs(seed: int = 0) -> dict:
    key = jax.random.key(seed)
    ks = jax.random.split(key, 4 + 5 * L + 2)
    inp = {}
    inp["x"] = jax.random.normal(ks[0], (N, D), dtype=jnp.float32)
    inp["edge_index"] = jax.random.randint(ks[1], (2, E), 0, N, dtype=jnp.int32)
    for i in range(L):
        base = 2 + 5 * i
        inp[f"W1_{i}"] = jax.random.normal(ks[base + 0], (D, 2 * D), dtype=jnp.float32) * 0.05
        inp[f"b1_{i}"] = jnp.zeros((2 * D,), dtype=jnp.float32)
        inp[f"W2_{i}"] = jax.random.normal(ks[base + 1], (2 * D, D), dtype=jnp.float32) * 0.05
        inp[f"b2_{i}"] = jnp.zeros((D,), dtype=jnp.float32)
        inp[f"eps_{i}"] = jnp.zeros((), dtype=jnp.float32)
    inp["lin_W"] = jax.random.normal(ks[2 + 5 * L], (D * (L + 1), D), dtype=jnp.float32) * 0.05
    inp["lin_b"] = jnp.zeros((D,), dtype=jnp.float32)
    return inp


def reference(x, edge_index, W1_0, b1_0, W2_0, b2_0, eps_0, W1_1, b1_1, W2_1, b2_1, eps_1, W1_2, b1_2, W2_2, b2_2, eps_2, lin_W, lin_b):
    params = [
        (W1_0, b1_0, W2_0, b2_0, eps_0),
        (W1_1, b1_1, W2_1, b2_1, eps_1),
        (W1_2, b1_2, W2_2, b2_2, eps_2),
    ]
    src = edge_index[0]
    dst = edge_index[1]
    h_list = [x]
    h = x
    for (W1, b1, W2, b2, eps) in params:
        # GINConv: aggregate neighbor messages (sum over source nodes into dst)
        agg = jax.ops.segment_sum(h[src], dst, num_segments=h.shape[0])
        z = (1.0 + eps) * h + agg
        z = jnp.maximum(z @ W1 + b1, 0.0) @ W2 + b2
        h = jnp.maximum(z, 0.0)  # outer F.relu; dropout p=0.0 is a no-op
        h_list.append(h)
    node_representation = jnp.concatenate(h_list, axis=1)
    return node_representation @ lin_W + lin_b

if __name__ == "__main__":
    import jax
    _d = setup_inputs()
    print(jax.jit(kernel)(*tuple(_d.values())))

</pallas_src>

<mosaic_0001>
#map = affine_map<(d0, d1) -> (0, 0)>
#map1 = affine_map<(d0, d1) -> (0)>
#map2 = affine_map<(d0, d1) -> (0, 0, 0)>
module attributes {stable_mosaic.version = 14 : i64} {
  func.func @seg_kernel(%arg0: i32, %arg1: i32, %arg2: memref<10000x128xf32, #tpu.memory_space<hbm>>, %arg3: memref<320000xi32, #tpu.memory_space<hbm>>, %arg4: memref<320000xi32, #tpu.memory_space<hbm>>, %arg5: memref<2x10000x128xf32, #tpu.memory_space<hbm>>, %arg6: memref<128xi32, #tpu.memory_space<vmem>>, %arg7: memref<128xi32, #tpu.memory_space<vmem>>, %arg8: memref<128xi32, #tpu.memory_space<vmem>>, %arg9: memref<128xi32, #tpu.memory_space<vmem>>, %arg10: memref<128x128xf32, #tpu.memory_space<vmem>>, %arg11: memref<128x128xf32, #tpu.memory_space<vmem>>, %arg12: memref<10112x128xf32, #tpu.memory_space<vmem_shared>>, %arg13: memref<!tpu.dma_semaphore, #tpu.memory_space<semaphore_mem>>, %arg14: memref<!tpu.dma_semaphore, #tpu.memory_space<semaphore_mem>>) attributes {dimension_semantics = [#tpu.dimension_semantics<core_parallel>, #tpu.dimension_semantics<subcore_parallel>], iteration_bounds = array<i64: 2, 16>, scalar_prefetch = 0 : i64, scratch_operands = 9 : i64, tpu.core_type = #tpu.core_type<sc_vector_subcore>, window_params = [{transform_indices = #map}, {transform_indices = #map1}, {transform_indices = #map1}, {transform_indices = #map2}]} {
    %mul3A = arith.constant 2 : i32
    %mul3A_0 = arith.muli %arg1, %mul3A : i32
    %add3A = arith.addi %mul3A_0, %arg0 : i32
    %scan3A = arith.constant 0 : i32
    %scan3A_1 = arith.constant 128 : i32
    %scan3A_2 = arith.addi %scan3A, %scan3A_1 : i32
    %scan3A_3 = arith.constant 1 : i32
    scf.for %scan3A_49 = %scan3A to %scan3A_2 step %scan3A_3  : i32 {
      %mul3A_50 = arith.constant 1 : i32
      %mul3A_51 = arith.muli %scan3A_49, %mul3A_50 : i32
      %add3A_52 = arith.constant 0 : i32
      %add3A_53 = arith.addi %add3A_52, %mul3A_51 : i32
      %scan3A_54 = arith.constant 0 : i32
      %scan3A_55 = arith.constant 8 : i32
      %scan3A_56 = arith.addi %scan3A_54, %scan3A_55 : i32
      %scan3A_57 = arith.constant 1 : i32
      scf.for %scan3A_59 = %scan3A_54 to %scan3A_56 step %scan3A_57  : i32 {
        %mul3A_60 = arith.constant 16 : i32
        %mul3A_61 = arith.muli %scan3A_59, %mul3A_60 : i32
        %add3A_62 = arith.constant 0 : i32
        %add3A_63 = arith.addi %add3A_62, %mul3A_61 : i32
        %broadcast_in_dim3A = arith.constant 0.000000e+00 : f32
        %broadcast_in_dim3A_64 = vector.broadcast %broadcast_in_dim3A : f32 to vector<16xf32>
        %swap3A = arith.index_cast %add3A_53 : i32 to index
        %swap3A_65 = arith.index_cast %add3A_63 : i32 to index
        %swap3A_66 = tpu.vector_load %arg10[%swap3A, %swap3A_65] {strides = array<i32>} : memref<128x128xf32, #tpu.memory_space<vmem>>, vector<1x16xf32>,
        %swap3A_67 = vector.shape_cast %swap3A_66 : vector<1x16xf32> to vector<16xf32>
        %swap3A_68 = vector.shape_cast %broadcast_in_dim3A_64 : vector<16xf32> to vector<1x16xf32>
        tpu.vector_store %arg10[%swap3A, %swap3A_65], %swap3A_68 {strides = array<i32>} : memref<128x128xf32, #tpu.memory_space<vmem>>, vector<1x16xf32>,
      }
      %scan3A_58 = arith.constant 8 : i32
    }
    %scan3A_4 = arith.constant 128 : i32
    %mul3A_5 = arith.constant 632 : i32
    %mul3A_6 = arith.muli %arg1, %mul3A_5 : i32
    %add3A_7 = arith.constant 0 : i32
    %add3A_8 = arith.addi %mul3A_6, %add3A_7 : i32
    "tpu.region"() ({
      %run_scoped3A = tpu.sem_alloc : memref<!tpu.dma_semaphore, #tpu.memory_space<semaphore_mem>>
      %dma_start3A = arith.constant 0 : i32
      %dma_start3A_49 = tpu.memref_slice %arg12[%add3A_8, %dma_start3A] : memref<10112x128xf32, #tpu.memory_space<vmem_shared>> -> memref<128x128xf32, #tpu.memory_space<vmem_shared>>
      %dma_start3A_50 = arith.constant 0 : i32
      %dma_start3A_51 = tpu.memref_slice %arg12[%add3A_8, %dma_start3A_50] : memref<10112x128xf32, #tpu.memory_space<vmem_shared>> -> memref<128x128xf32, #tpu.memory_space<vmem_shared>>
      tpu.enqueue_dma source(%arg10 : memref<128x128xf32, #tpu.memory_space<vmem>>) target(%dma_start3A_51 : memref<128x128xf32, #tpu.memory_space<vmem_shared>>) target_semaphore(%run_scoped3A : memref<!tpu.dma_semaphore, #tpu.memory_space<semaphore_mem>>)
      %dma_wait3A = arith.constant 0 : i32
      %dma_wait3A_52 = tpu.memref_slice %arg12[%add3A_8, %dma_wait3A] : memref<10112x128xf32, #tpu.memory_space<vmem_shared>> -> memref<128x128xf32, #tpu.memory_space<vmem_shared>>
      %dma_wait3A_53 = arith.constant 0 : i32
      %dma_wait3A_54 = tpu.memref_slice %arg12[%add3A_8, %dma_wait3A_53] : memref<10112x128xf32, #tpu.memory_space<vmem_shared>> -> memref<128x128xf32, #tpu.memory_space<vmem_shared>>
      tpu.wait_dma2 semaphore(%run_scoped3A : memref<!tpu.dma_semaphore, #tpu.memory_space<semaphore_mem>>) src(%arg10 : memref<128x128xf32, #tpu.memory_space<vmem>>) dst(%dma_wait3A_54 : memref<128x128xf32, #tpu.memory_space<vmem_shared>>)
      tpu.yield
    }) : () -> ()
    %add3A_9 = arith.constant 128 : i32
    %add3A_10 = arith.addi %mul3A_6, %add3A_9 : i32
    "tpu.region"() ({
      %run_scoped3A = tpu.sem_alloc : memref<!tpu.dma_semaphore, #tpu.memory_space<semaphore_mem>>
      %dma_start3A = arith.constant 0 : i32
      %dma_start3A_49 = tpu.memref_slice %arg12[%add3A_10, %dma_start3A] : memref<10112x128xf32, #tpu.memory_space<vmem_shared>> -> memref<128x128xf32, #tpu.memory_space<vmem_shared>>
      %dma_start3A_50 = arith.constant 0 : i32
      %dma_start3A_51 = tpu.memref_slice %arg12[%add3A_10, %dma_start3A_50] : memref<10112x128xf32, #tpu.memory_space<vmem_shared>> -> memref<128x128xf32, #tpu.memory_space<vmem_shared>>
      tpu.enqueue_dma source(%arg10 : memref<128x128xf32, #tpu.memory_space<vmem>>) target(%dma_start3A_51 : memref<128x128xf32, #tpu.memory_space<vmem_shared>>) target_semaphore(%run_scoped3A : memref<!tpu.dma_semaphore, #tpu.memory_space<semaphore_mem>>)
      %dma_wait3A = arith.constant 0 : i32
      %dma_wait3A_52 = tpu.memref_slice %arg12[%add3A_10, %dma_wait3A] : memref<10112x128xf32, #tpu.memory_space<vmem_shared>> -> memref<128x128xf32, #tpu.memory_space<vmem_shared>>
      %dma_wait3A_53 = arith.constant 0 : i32
      %dma_wait3A_54 = tpu.memref_slice %arg12[%add3A_10, %dma_wait3A_53] : memref<10112x128xf32, #tpu.memory_space<vmem_shared>> -> memref<128x128xf32, #tpu.memory_space<vmem_shared>>
      tpu.wait_dma2 semaphore(%run_scoped3A : memref<!tpu.dma_semaphore, #tpu.memory_space<semaphore_mem>>) src(%arg10 : memref<128x128xf32, #tpu.memory_space<vmem>>) dst(%dma_wait3A_54 : memref<128x128xf32, #tpu.memory_space<vmem_shared>>)
      tpu.yield
    }) : () -> ()
    %add3A_11 = arith.constant 256 : i32
    %add3A_12 = arith.addi %mul3A_6, %add3A_11 : i32
    "tpu.region"() ({
      %run_scoped3A = tpu.sem_alloc : memref<!tpu.dma_semaphore, #tpu.memory_space<semaphore_mem>>
      %dma_start3A = arith.constant 0 : i32
      %dma_start3A_49 = tpu.memref_slice %arg12[%add3A_12, %dma_start3A] : memref<10112x128xf32, #tpu.memory_space<vmem_shared>> -> memref<128x128xf32, #tpu.memory_space<vmem_shared>>
      %dma_start3A_50 = arith.constant 0 : i32
      %dma_start3A_51 = tpu.memref_slice %arg12[%add3A_12, %dma_start3A_50] : memref<10112x128xf32, #tpu.memory_space<vmem_shared>> -> memref<128x128xf32, #tpu.memory_space<vmem_shared>>
      tpu.enqueue_dma source(%arg10 : memref<128x128xf32, #tpu.memory_space<vmem>>) target(%dma_start3A_51 : memref<128x128xf32, #tpu.memory_space<vmem_shared>>) target_semaphore(%run_scoped3A : memref<!tpu.dma_semaphore, #tpu.memory_space<semaphore_mem>>)
      %dma_wait3A = arith.constant 0 : i32
      %dma_wait3A_52 = tpu.memref_slice %arg12[%add3A_12, %dma_wait3A] : memref<10112x128xf32, #tpu.memory_space<vmem_shared>> -> memref<128x128xf32, #tpu.memory_space<vmem_shared>>
      %dma_wait3A_53 = arith.constant 0 : i32
      %dma_wait3A_54 = tpu.memref_slice %arg12[%add3A_12, %dma_wait3A_53] : memref<10112x128xf32, #tpu.memory_space<vmem_shared>> -> memref<128x128xf32, #tpu.memory_space<vmem_shared>>
      tpu.wait_dma2 semaphore(%run_scoped3A : memref<!tpu.dma_semaphore, #tpu.memory_space<semaphore_mem>>) src(%arg10 : memref<128x128xf32, #tpu.memory_space<vmem>>) dst(%dma_wait3A_54 : memref<128x128xf32, #tpu.memory_space<vmem_shared>>)
      tpu.yield
    }) : () -> ()
    %add3A_13 = arith.constant 384 : i32
    %add3A_14 = arith.addi %mul3A_6, %add3A_13 : i32
    "tpu.region"() ({
      %run_scoped3A = tpu.sem_alloc : memref<!tpu.dma_semaphore, #tpu.memory_space<semaphore_mem>>
      %dma_start3A = arith.constant 0 : i32
      %dma_start3A_49 = tpu.memref_slice %arg12[%add3A_14, %dma_start3A] : memref<10112x128xf32, #tpu.memory_space<vmem_shared>> -> memref<128x128xf32, #tpu.memory_space<vmem_shared>>
      %dma_start3A_50 = arith.constant 0 : i32
      %dma_start3A_51 = tpu.memref_slice %arg12[%add3A_14, %dma_start3A_50] : memref<10112x128xf32, #tpu.memory_space<vmem_shared>> -> memref<128x128xf32, #tpu.memory_space<vmem_shared>>
      tpu.enqueue_dma source(%arg10 : memref<128x128xf32, #tpu.memory_space<vmem>>) target(%dma_start3A_51 : memref<128x128xf32, #tpu.memory_space<vmem_shared>>) target_semaphore(%run_scoped3A : memref<!tpu.dma_semaphore, #tpu.memory_space<semaphore_mem>>)
      %dma_wait3A = arith.constant 0 : i32
      %dma_wait3A_52 = tpu.memref_slice %arg12[%add3A_14, %dma_wait3A] : memref<10112x128xf32, #tpu.memory_space<vmem_shared>> -> memref<128x128xf32, #tpu.memory_space<vmem_shared>>
      %dma_wait3A_53 = arith.constant 0 : i32
      %dma_wait3A_54 = tpu.memref_slice %arg12[%add3A_14, %dma_wait3A_53] : memref<10112x128xf32, #tpu.memory_space<vmem_shared>> -> memref<128x128xf32, #tpu.memory_space<vmem_shared>>
      tpu.wait_dma2 semaphore(%run_scoped3A : memref<!tpu.dma_semaphore, #tpu.memory_space<semaphore_mem>>) src(%arg10 : memref<128x128xf32, #tpu.memory_space<vmem>>) dst(%dma_wait3A_54 : memref<128x128xf32, #tpu.memory_space<vmem_shared>>)
      tpu.yield
    }) : () -> ()
    %add3A_15 = arith.constant 632 : i32
    %add3A_16 = arith.addi %mul3A_6, %add3A_15 : i32
    %sub3A = arith.constant 120 : i32
    %sub3A_17 = arith.subi %add3A_16, %sub3A : i32
    "tpu.region"() ({
      %run_scoped3A = tpu.sem_alloc : memref<!tpu.dma_semaphore, #tpu.memory_space<semaphore_mem>>
      %dma_start3A = arith.constant 0 : i32
      %dma_start3A_49 = arith.constant 0 : i32
      %dma_start3A_50 = tpu.memref_slice %arg10[%dma_start3A, %dma_start3A_49] : memref<128x128xf32, #tpu.memory_space<vmem>> -> memref<120x128xf32, #tpu.memory_space<vmem>>
      %dma_start3A_51 = arith.constant 0 : i32
      %dma_start3A_52 = tpu.memref_slice %arg12[%sub3A_17, %dma_start3A_51] : memref<10112x128xf32, #tpu.memory_space<vmem_shared>> -> memref<120x128xf32, #tpu.memory_space<vmem_shared>>
      %dma_start3A_53 = arith.constant 0 : i32
      %dma_start3A_54 = tpu.memref_slice %arg12[%sub3A_17, %dma_start3A_53] : memref<10112x128xf32, #tpu.memory_space<vmem_shared>> -> memref<120x128xf32, #tpu.memory_space<vmem_shared>>
      %dma_start3A_55 = arith.constant 0 : i32
      %dma_start3A_56 = arith.constant 0 : i32
      %dma_start3A_57 = tpu.memref_slice %arg10[%dma_start3A_55, %dma_start3A_56] : memref<128x128xf32, #tpu.memory_space<vmem>> -> memref<120x128xf32, #tpu.memory_space<vmem>>
      tpu.enqueue_dma source(%dma_start3A_57 : memref<120x128xf32, #tpu.memory_space<vmem>>) target(%dma_start3A_54 : memref<120x128xf32, #tpu.memory_space<vmem_shared>>) target_semaphore(%run_scoped3A : memref<!tpu.dma_semaphore, #tpu.memory_space<semaphore_mem>>)
      %dma_wait3A = arith.constant 0 : i32
      %dma_wait3A_58 = arith.constant 0 : i32
      %dma_wait3A_59 = tpu.memref_slice %arg10[%dma_wait3A, %dma_wait3A_58] : memref<128x128xf32, #tpu.memory_space<vmem>> -> memref<120x128xf32, #tpu.memory_space<vmem>>
      %dma_wait3A_60 = arith.constant 0 : i32
      %dma_wait3A_61 = tpu.memref_slice %arg12[%sub3A_17, %dma_wait3A_60] : memref<10112x128xf32, #tpu.memory_space<vmem_shared>> -> memref<120x128xf32, #tpu.memory_space<vmem_shared>>
      %dma_wait3A_62 = arith.constant 0 : i32
      %dma_wait3A_63 = tpu.memref_slice %arg12[%sub3A_17, %dma_wait3A_62] : memref<10112x128xf32, #tpu.memory_space<vmem_shared>> -> memref<120x128xf32, #tpu.memory_space<vmem_shared>>
      %dma_wait3A_64 = arith.constant 0 : i32
      %dma_wait3A_65 = arith.constant 0 : i32
      %dma_wait3A_66 = tpu.memref_slice %arg10[%dma_wait3A_64, %dma_wait3A_65] : memref<128x128xf32, #tpu.memory_space<vmem>> -> memref<120x128xf32, #tpu.memory_space<vmem>>
      tpu.wait_dma2 semaphore(%run_scoped3A : memref<!tpu.dma_semaphore, #tpu.memory_space<semaphore_mem>>) src(%dma_wait3A_66 : memref<120x128xf32, #tpu.memory_space<vmem>>) dst(%dma_wait3A_63 : memref<120x128xf32, #tpu.memory_space<vmem_shared>>)
      tpu.yield
    }) : () -> ()
    %barrier3A = arith.constant 0 : index
    tpu.barrier barrier_id(%barrier3A)
    %mul3A_18 = arith.constant 2 : i32
    %mul3A_19 = arith.muli %add3A, %mul3A_18 : i32
    %mul3A_20 = arith.constant 128 : i32
    %mul3A_21 = arith.muli %mul3A_19, %mul3A_20 : i32
    %sub3A_22 = arith.constant 320000 : i32
    %sub3A_23 = arith.subi %sub3A_22, %mul3A_21 : i32
    %sub3A_24 = arith.constant 8192 : i32
    %sub3A_25 = arith.constant 1 : i32
    %sub3A_26 = arith.subi %sub3A_24, %sub3A_25 : i32
    %add3A_27 = arith.addi %sub3A_23, %sub3A_26 : i32
    %div3A = arith.constant 8192 : i32
    %div3A_28 = arith.divsi %add3A_27, %div3A : i32
    %while3A = arith.constant 8192 : i32
    %while3A_29 = arith.constant 0 : i32
    %while3A_30 = arith.subi %div3A_28, %while3A_29 : i32
    %while3A_31 = arith.addi %while3A_29, %while3A_30 : i32
    %while3A_32 = arith.constant 1 : i32
    %while3A_33 = arith.divsi %while3A_30, %while3A_32 : i32
    %while3A_34 = arith.muli %while3A_33, %while3A_32 : i32
    %while3A_35 = arith.addi %while3A_29, %while3A_34 : i32
    %while3A_36 = arith.constant 1 : i32
    scf.for %while3A_49 = %while3A_29 to %while3A_35 step %while3A_36  : i32 {
      %mul3A_50 = arith.muli %while3A_49, %while3A : i32
      %add3A_51 = arith.addi %mul3A_21, %mul3A_50 : i32
      %add3A_52 = arith.constant 128 : i32
      %add3A_53 = arith.addi %add3A_51, %add3A_52 : i32
      "tpu.region"() ({
        %run_scoped3A = tpu.sem_alloc : memref<!tpu.dma_semaphore, #tpu.memory_space<semaphore_mem>>
        %dma_start3A_64 = tpu.memref_slice %arg3[%add3A_51] : memref<320000xi32, #tpu.memory_space<hbm>> -> memref<128xi32, #tpu.memory_space<hbm>>
        %dma_start3A_65 = tpu.memref_slice %arg3[%add3A_51] : memref<320000xi32, #tpu.memory_space<hbm>> -> memref<128xi32, #tpu.memory_space<hbm>>
        tpu.enqueue_dma source(%dma_start3A_65 : memref<128xi32, #tpu.memory_space<hbm>>) target(%arg6 : memref<128xi32, #tpu.memory_space<vmem>>) target_semaphore(%run_scoped3A : memref<!tpu.dma_semaphore, #tpu.memory_space<semaphore_mem>>)
        %dma_wait3A_66 = tpu.memref_slice %arg3[%add3A_51] : memref<320000xi32, #tpu.memory_space<hbm>> -> memref<128xi32, #tpu.memory_space<hbm>>
        %dma_wait3A_67 = tpu.memref_slice %arg3[%add3A_51] : memref<320000xi32, #tpu.memory_space<hbm>> -> memref<128xi32, #tpu.memory_space<hbm>>
        tpu.wait_dma2 semaphore(%run_scoped3A : memref<!tpu.dma_semaphore, #tpu.memory_space<semaphore_mem>>) src(%dma_wait3A_67 : memref<128xi32, #tpu.memory_space<hbm>>) dst(%arg6 : memref<128xi32, #tpu.memory_space<vmem>>)
        tpu.yield
      }) : () -> ()
      "tpu.region"() ({
        %run_scoped3A = tpu.sem_alloc : memref<!tpu.dma_semaphore, #tpu.memory_space<semaphore_mem>>
        %dma_start3A_64 = tpu.memref_slice %arg4[%add3A_51] : memref<320000xi32, #tpu.memory_space<hbm>> -> memref<128xi32, #tpu.memory_space<hbm>>
        %dma_start3A_65 = tpu.memref_slice %arg4[%add3A_51] : memref<320000xi32, #tpu.memory_space<hbm>> -> memref<128xi32, #tpu.memory_space<hbm>>
        tpu.enqueue_dma source(%dma_start3A_65 : memref<128xi32, #tpu.memory_space<hbm>>) target(%arg7 : memref<128xi32, #tpu.memory_space<vmem>>) target_semaphore(%run_scoped3A : memref<!tpu.dma_semaphore, #tpu.memory_space<semaphore_mem>>)
        %dma_wait3A_66 = tpu.memref_slice %arg4[%add3A_51] : memref<320000xi32, #tpu.memory_space<hbm>> -> memref<128xi32, #tpu.memory_space<hbm>>
        %dma_wait3A_67 = tpu.memref_slice %arg4[%add3A_51] : memref<320000xi32, #tpu.memory_space<hbm>> -> memref<128xi32, #tpu.memory_space<hbm>>
        tpu.wait_dma2 semaphore(%run_scoped3A : memref<!tpu.dma_semaphore, #tpu.memory_space<semaphore_mem>>) src(%dma_wait3A_67 : memref<128xi32, #tpu.memory_space<hbm>>) dst(%arg7 : memref<128xi32, #tpu.memory_space<vmem>>)
        tpu.yield
      }) : () -> ()
      %dma_start3A = arith.constant 0 : i32
      %dma_start3A_54 = arith.constant 0 : i32
      %dma_start3A_55 = tpu.memref_slice %arg2[%dma_start3A, %dma_start3A_54] : memref<10000x128xf32, #tpu.memory_space<hbm>> -> memref<10000x128xf32, #tpu.memory_space<hbm>>
      tpu.enqueue_indirect_dma source(%dma_start3A_55 : memref<10000x128xf32, #tpu.memory_space<hbm>>) target(%arg10 : memref<128x128xf32, #tpu.memory_space<vmem>>) offsets(%arg6 : memref<128xi32, #tpu.memory_space<vmem>>) semaphore(%arg13 : memref<!tpu.dma_semaphore, #tpu.memory_space<semaphore_mem>>)
      "tpu.region"() ({
        %run_scoped3A = tpu.sem_alloc : memref<!tpu.dma_semaphore, #tpu.memory_space<semaphore_mem>>
        %dma_start3A_64 = tpu.memref_slice %arg3[%add3A_53] : memref<320000xi32, #tpu.memory_space<hbm>> -> memref<128xi32, #tpu.memory_space<hbm>>
        %dma_start3A_65 = tpu.memref_slice %arg3[%add3A_53] : memref<320000xi32, #tpu.memory_space<hbm>> -> memref<128xi32, #tpu.memory_space<hbm>>
        tpu.enqueue_dma source(%dma_start3A_65 : memref<128xi32, #tpu.memory_space<hbm>>) target(%arg8 : memref<128xi32, #tpu.memory_space<vmem>>) target_semaphore(%run_scoped3A : memref<!tpu.dma_semaphore, #tpu.memory_space<semaphore_mem>>)
        %dma_wait3A_66 = tpu.memref_slice %arg3[%add3A_53] : memref<320000xi32, #tpu.memory_space<hbm>> -> memref<128xi32, #tpu.memory_space<hbm>>
        %dma_wait3A_67 = tpu.memref_slice %arg3[%add3A_53] : memref<320000xi32, #tpu.memory_space<hbm>> -> memref<128xi32, #tpu.memory_space<hbm>>
        tpu.wait_dma2 semaphore(%run_scoped3A : memref<!tpu.dma_semaphore, #tpu.memory_space<semaphore_mem>>) src(%dma_wait3A_67 : memref<128xi32, #tpu.memory_space<hbm>>) dst(%arg8 : memref<128xi32, #tpu.memory_space<vmem>>)
        tpu.yield
      }) : () -> ()
      "tpu.region"() ({
        %run_scoped3A = tpu.sem_alloc : memref<!tpu.dma_semaphore, #tpu.memory_space<semaphore_mem>>
        %dma_start3A_64 = tpu.memref_slice %arg4[%add3A_53] : memref<320000xi32, #tpu.memory_space<hbm>> -> memref<128xi32, #tpu.memory_space<hbm>>
        %dma_start3A_65 = tpu.memref_slice %arg4[%add3A_53] : memref<320000xi32, #tpu.memory_space<hbm>> -> memref<128xi32, #tpu.memory_space<hbm>>
        tpu.enqueue_dma source(%dma_start3A_65 : memref<128xi32, #tpu.memory_space<hbm>>) target(%arg9 : memref<128xi32, #tpu.memory_space<vmem>>) target_semaphore(%run_scoped3A : memref<!tpu.dma_semaphore, #tpu.memory_space<semaphore_mem>>)
        %dma_wait3A_66 = tpu.memref_slice %arg4[%add3A_53] : memref<320000xi32, #tpu.memory_space<hbm>> -> memref<128xi32, #tpu.memory_space<hbm>>
        %dma_wait3A_67 = tpu.memref_slice %arg4[%add3A_53] : memref<320000xi32, #tpu.memory_space<hbm>> -> memref<128xi32, #tpu.memory_space<hbm>>
        tpu.wait_dma2 semaphore(%run_scoped3A : memref<!tpu.dma_semaphore, #tpu.memory_space<semaphore_mem>>) src(%dma_wait3A_67 : memref<128xi32, #tpu.memory_space<hbm>>) dst(%arg9 : memref<128xi32, #tpu.memory_space<vmem>>)
        tpu.yield
      }) : () -> ()
      %dma_start3A_56 = arith.constant 0 : i32
      %dma_start3A_57 = arith.constant 0 : i32
      %dma_start3A_58 = tpu.memref_slice %arg2[%dma_start3A_56, %dma_start3A_57] : memref<10000x128xf32, #tpu.memory_space<hbm>> -> memref<10000x128xf32, #tpu.memory_space<hbm>>
      tpu.enqueue_indirect_dma source(%dma_start3A_58 : memref<10000x128xf32, #tpu.memory_space<hbm>>) target(%arg11 : memref<128x128xf32, #tpu.memory_space<vmem>>) offsets(%arg8 : memref<128xi32, #tpu.memory_space<vmem>>) semaphore(%arg14 : memref<!tpu.dma_semaphore, #tpu.memory_space<semaphore_mem>>)
      %dma_wait3A = arith.constant 0 : i32
      %dma_wait3A_59 = arith.constant 0 : i32
      %dma_wait3A_60 = tpu.memref_slice %arg2[%dma_wait3A, %dma_wait3A_59] : memref<10000x128xf32, #tpu.memory_space<hbm>> -> memref<10000x128xf32, #tpu.memory_space<hbm>>
      tpu.wait_indirect_dma semaphore(%arg13 : memref<!tpu.dma_semaphore, #tpu.memory_space<semaphore_mem>>) src(%dma_wait3A_60 : memref<10000x128xf32, #tpu.memory_space<hbm>>) dst(%arg10 : memref<128x128xf32, #tpu.memory_space<vmem>>)
      "tpu.region"() ({
        %run_scoped3A = tpu.sem_alloc : memref<!tpu.dma_semaphore, #tpu.memory_space<semaphore_mem>>
        %dma_start3A_64 = arith.constant 0 : i32
        %dma_start3A_65 = arith.constant 0 : i32
        %dma_start3A_66 = tpu.memref_slice %arg12[%dma_start3A_64, %dma_start3A_65] : memref<10112x128xf32, #tpu.memory_space<vmem_shared>> -> memref<10112x128xf32, #tpu.memory_space<vmem_shared>>
        tpu.enqueue_indirect_dma source(%arg10 : memref<128x128xf32, #tpu.memory_space<vmem>>) target(%dma_start3A_66 : memref<10112x128xf32, #tpu.memory_space<vmem_shared>>) offsets(%arg7 : memref<128xi32, #tpu.memory_space<vmem>>) semaphore(%run_scoped3A : memref<!tpu.dma_semaphore, #tpu.memory_space<semaphore_mem>>) {add = true}
        %dma_wait3A_67 = arith.constant 0 : i32
        %dma_wait3A_68 = arith.constant 0 : i32
        %dma_wait3A_69 = tpu.memref_slice %arg12[%dma_wait3A_67, %dma_wait3A_68] : memref<10112x128xf32, #tpu.memory_space<vmem_shared>> -> memref<10112x128xf32, #tpu.memory_space<vmem_shared>>
        tpu.wait_indirect_dma semaphore(%run_scoped3A : memref<!tpu.dma_semaphore, #tpu.memory_space<semaphore_mem>>) src(%arg10 : memref<128x128xf32, #tpu.memory_space<vmem>>) dst(%dma_wait3A_69 : memref<10112x128xf32, #tpu.memory_space<vmem_shared>>)
        tpu.yield
      }) : () -> ()
      %dma_wait3A_61 = arith.constant 0 : i32
      %dma_wait3A_62 = arith.constant 0 : i32
      %dma_wait3A_63 = tpu.memref_slice %arg2[%dma_wait3A_61, %dma_wait3A_62] : memref<10000x128xf32, #tpu.memory_space<hbm>> -> memref<10000x128xf32, #tpu.memory_space<hbm>>
      tpu.wait_indirect_dma semaphore(%arg14 : memref<!tpu.dma_semaphore, #tpu.memory_space<semaphore_mem>>) src(%dma_wait3A_63 : memref<10000x128xf32, #tpu.memory_space<hbm>>) dst(%arg11 : memref<128x128xf32, #tpu.memory_space<vmem>>)
      "tpu.region"() ({
        %run_scoped3A = tpu.sem_alloc : memref<!tpu.dma_semaphore, #tpu.memory_space<semaphore_mem>>
        %dma_start3A_64 = arith.constant 0 : i32
        %dma_start3A_65 = arith.constant 0 : i32
        %dma_start3A_66 = tpu.memref_slice %arg12[%dma_start3A_64, %dma_start3A_65] : memref<10112x128xf32, #tpu.memory_space<vmem_shared>> -> memref<10112x128xf32, #tpu.memory_space<vmem_shared>>
        tpu.enqueue_indirect_dma source(%arg11 : memref<128x128xf32, #tpu.memory_space<vmem>>) target(%dma_start3A_66 : memref<10112x128xf32, #tpu.memory_space<vmem_shared>>) offsets(%arg9 : memref<128xi32, #tpu.memory_space<vmem>>) semaphore(%run_scoped3A : memref<!tpu.dma_semaphore, #tpu.memory_space<semaphore_mem>>) {add = true}
        %dma_wait3A_67 = arith.constant 0 : i32
        %dma_wait3A_68 = arith.constant 0 : i32
        %dma_wait3A_69 = tpu.memref_slice %arg12[%dma_wait3A_67, %dma_wait3A_68] : memref<10112x128xf32, #tpu.memory_space<vmem_shared>> -> memref<10112x128xf32, #tpu.memory_space<vmem_shared>>
        tpu.wait_indirect_dma semaphore(%run_scoped3A : memref<!tpu.dma_semaphore, #tpu.memory_space<semaphore_mem>>) src(%arg11 : memref<128x128xf32, #tpu.memory_space<vmem>>) dst(%dma_wait3A_69 : memref<10112x128xf32, #tpu.memory_space<vmem_shared>>)
        tpu.yield
      }) : () -> ()
    }
    %while3A_37 = arith.constant 1 : i32
    scf.for %while3A_49 = %while3A_35 to %while3A_31 step %while3A_37  : i32 {
      %mul3A_50 = arith.muli %while3A_49, %while3A : i32
      %add3A_51 = arith.addi %mul3A_21, %mul3A_50 : i32
      %add3A_52 = arith.constant 128 : i32
      %add3A_53 = arith.addi %add3A_51, %add3A_52 : i32
      "tpu.region"() ({
        %run_scoped3A = tpu.sem_alloc : memref<!tpu.dma_semaphore, #tpu.memory_space<semaphore_mem>>
        %dma_start3A_64 = tpu.memref_slice %arg3[%add3A_51] : memref<320000xi32, #tpu.memory_space<hbm>> -> memref<128xi32, #tpu.memory_space<hbm>>
        %dma_start3A_65 = tpu.memref_slice %arg3[%add3A_51] : memref<320000xi32, #tpu.memory_space<hbm>> -> memref<128xi32, #tpu.memory_space<hbm>>
        tpu.enqueue_dma source(%dma_start3A_65 : memref<128xi32, #tpu.memory_space<hbm>>) target(%arg6 : memref<128xi32, #tpu.memory_space<vmem>>) target_semaphore(%run_scoped3A : memref<!tpu.dma_semaphore, #tpu.memory_space<semaphore_mem>>)
        %dma_wait3A_66 = tpu.memref_slice %arg3[%add3A_51] : memref<320000xi32, #tpu.memory_space<hbm>> -> memref<128xi32, #tpu.memory_space<hbm>>
        %dma_wait3A_67 = tpu.memref_slice %arg3[%add3A_51] : memref<320000xi32, #tpu.memory_space<hbm>> -> memref<128xi32, #tpu.memory_space<hbm>>
        tpu.wait_dma2 semaphore(%run_scoped3A : memref<!tpu.dma_semaphore, #tpu.memory_space<semaphore_mem>>) src(%dma_wait3A_67 : memref<128xi32, #tpu.memory_space<hbm>>) dst(%arg6 : memref<128xi32, #tpu.memory_space<vmem>>)
        tpu.yield
      }) : () -> ()
      "tpu.region"() ({
        %run_scoped3A = tpu.sem_alloc : memref<!tpu.dma_semaphore, #tpu.memory_space<semaphore_mem>>
        %dma_start3A_64 = tpu.memref_slice %arg4[%add3A_51] : memref<320000xi32, #tpu.memory_space<hbm>> -> memref<128xi32, #tpu.memory_space<hbm>>
        %dma_start3A_65 = tpu.memref_slice %arg4[%add3A_51] : memref<320000xi32, #tpu.memory_space<hbm>> -> memref<128xi32, #tpu.memory_space<hbm>>
        tpu.enqueue_dma source(%dma_start3A_65 : memref<128xi32, #tpu.memory_space<hbm>>) target(%arg7 : memref<128xi32, #tpu.memory_space<vmem>>) target_semaphore(%run_scoped3A : memref<!tpu.dma_semaphore, #tpu.memory_space<semaphore_mem>>)
        %dma_wait3A_66 = tpu.memref_slice %arg4[%add3A_51] : memref<320000xi32, #tpu.memory_space<hbm>> -> memref<128xi32, #tpu.memory_space<hbm>>
        %dma_wait3A_67 = tpu.memref_slice %arg4[%add3A_51] : memref<320000xi32, #tpu.memory_space<hbm>> -> memref<128xi32, #tpu.memory_space<hbm>>
        tpu.wait_dma2 semaphore(%run_scoped3A : memref<!tpu.dma_semaphore, #tpu.memory_space<semaphore_mem>>) src(%dma_wait3A_67 : memref<128xi32, #tpu.memory_space<hbm>>) dst(%arg7 : memref<128xi32, #tpu.memory_space<vmem>>)
        tpu.yield
      }) : () -> ()
      %dma_start3A = arith.constant 0 : i32
      %dma_start3A_54 = arith.constant 0 : i32
      %dma_start3A_55 = tpu.memref_slice %arg2[%dma_start3A, %dma_start3A_54] : memref<10000x128xf32, #tpu.memory_space<hbm>> -> memref<10000x128xf32, #tpu.memory_space<hbm>>
      tpu.enqueue_indirect_dma source(%dma_start3A_55 : memref<10000x128xf32, #tpu.memory_space<hbm>>) target(%arg10 : memref<128x128xf32, #tpu.memory_space<vmem>>) offsets(%arg6 : memref<128xi32, #tpu.memory_space<vmem>>) semaphore(%arg13 : memref<!tpu.dma_semaphore, #tpu.memory_space<semaphore_mem>>)
      "tpu.region"() ({
        %run_scoped3A = tpu.sem_alloc : memref<!tpu.dma_semaphore, #tpu.memory_space<semaphore_mem>>
        %dma_start3A_64 = tpu.memref_slice %arg3[%add3A_53] : memref<320000xi32, #tpu.memory_space<hbm>> -> memref<128xi32, #tpu.memory_space<hbm>>
        %dma_start3A_65 = tpu.memref_slice %arg3[%add3A_53] : memref<320000xi32, #tpu.memory_space<hbm>> -> memref<128xi32, #tpu.memory_space<hbm>>
        tpu.enqueue_dma source(%dma_start3A_65 : memref<128xi32, #tpu.memory_space<hbm>>) target(%arg8 : memref<128xi32, #tpu.memory_space<vmem>>) target_semaphore(%run_scoped3A : memref<!tpu.dma_semaphore, #tpu.memory_space<semaphore_mem>>)
        %dma_wait3A_66 = tpu.memref_slice %arg3[%add3A_53] : memref<320000xi32, #tpu.memory_space<hbm>> -> memref<128xi32, #tpu.memory_space<hbm>>
        %dma_wait3A_67 = tpu.memref_slice %arg3[%add3A_53] : memref<320000xi32, #tpu.memory_space<hbm>> -> memref<128xi32, #tpu.memory_space<hbm>>
        tpu.wait_dma2 semaphore(%run_scoped3A : memref<!tpu.dma_semaphore, #tpu.memory_space<semaphore_mem>>) src(%dma_wait3A_67 : memref<128xi32, #tpu.memory_space<hbm>>) dst(%arg8 : memref<128xi32, #tpu.memory_space<vmem>>)
        tpu.yield
      }) : () -> ()
      "tpu.region"() ({
        %run_scoped3A = tpu.sem_alloc : memref<!tpu.dma_semaphore, #tpu.memory_space<semaphore_mem>>
        %dma_start3A_64 = tpu.memref_slice %arg4[%add3A_53] : memref<320000xi32, #tpu.memory_space<hbm>> -> memref<128xi32, #tpu.memory_space<hbm>>
        %dma_start3A_65 = tpu.memref_slice %arg4[%add3A_53] : memref<320000xi32, #tpu.memory_space<hbm>> -> memref<128xi32, #tpu.memory_space<hbm>>
        tpu.enqueue_dma source(%dma_start3A_65 : memref<128xi32, #tpu.memory_space<hbm>>) target(%arg9 : memref<128xi32, #tpu.memory_space<vmem>>) target_semaphore(%run_scoped3A : memref<!tpu.dma_semaphore, #tpu.memory_space<semaphore_mem>>)
        %dma_wait3A_66 = tpu.memref_slice %arg4[%add3A_53] : memref<320000xi32, #tpu.memory_space<hbm>> -> memref<128xi32, #tpu.memory_space<hbm>>
        %dma_wait3A_67 = tpu.memref_slice %arg4[%add3A_53] : memref<320000xi32, #tpu.memory_space<hbm>> -> memref<128xi32, #tpu.memory_space<hbm>>
        tpu.wait_dma2 semaphore(%run_scoped3A : memref<!tpu.dma_semaphore, #tpu.memory_space<semaphore_mem>>) src(%dma_wait3A_67 : memref<128xi32, #tpu.memory_space<hbm>>) dst(%arg9 : memref<128xi32, #tpu.memory_space<vmem>>)
        tpu.yield
      }) : () -> ()
      %dma_start3A_56 = arith.constant 0 : i32
      %dma_start3A_57 = arith.constant 0 : i32
      %dma_start3A_58 = tpu.memref_slice %arg2[%dma_start3A_56, %dma_start3A_57] : memref<10000x128xf32, #tpu.memory_space<hbm>> -> memref<10000x128xf32, #tpu.memory_space<hbm>>
      tpu.enqueue_indirect_dma source(%dma_start3A_58 : memref<10000x128xf32, #tpu.memory_space<hbm>>) target(%arg11 : memref<128x128xf32, #tpu.memory_space<vmem>>) offsets(%arg8 : memref<128xi32, #tpu.memory_space<vmem>>) semaphore(%arg14 : memref<!tpu.dma_semaphore, #tpu.memory_space<semaphore_mem>>)
      %dma_wait3A = arith.constant 0 : i32
      %dma_wait3A_59 = arith.constant 0 : i32
      %dma_wait3A_60 = tpu.memref_slice %arg2[%dma_wait3A, %dma_wait3A_59] : memref<10000x128xf32, #tpu.memory_space<hbm>> -> memref<10000x128xf32, #tpu.memory_space<hbm>>
      tpu.wait_indirect_dma semaphore(%arg13 : memref<!tpu.dma_semaphore, #tpu.memory_space<semaphore_mem>>) src(%dma_wait3A_60 : memref<10000x128xf32, #tpu.memory_space<hbm>>) dst(%arg10 : memref<128x128xf32, #tpu.memory_space<vmem>>)
      "tpu.region"() ({
        %run_scoped3A = tpu.sem_alloc : memref<!tpu.dma_semaphore, #tpu.memory_space<semaphore_mem>>
        %dma_start3A_64 = arith.constant 0 : i32
        %dma_start3A_65 = arith.constant 0 : i32
        %dma_start3A_66 = tpu.memref_slice %arg12[%dma_start3A_64, %dma_start3A_65] : memref<10112x128xf32, #tpu.memory_space<vmem_shared>> -> memref<10112x128xf32, #tpu.memory_space<vmem_shared>>
        tpu.enqueue_indirect_dma source(%arg10 : memref<128x128xf32, #tpu.memory_space<vmem>>) target(%dma_start3A_66 : memref<10112x128xf32, #tpu.memory_space<vmem_shared>>) offsets(%arg7 : memref<128xi32, #tpu.memory_space<vmem>>) semaphore(%run_scoped3A : memref<!tpu.dma_semaphore, #tpu.memory_space<semaphore_mem>>) {add = true}
        %dma_wait3A_67 = arith.constant 0 : i32
        %dma_wait3A_68 = arith.constant 0 : i32
        %dma_wait3A_69 = tpu.memref_slice %arg12[%dma_wait3A_67, %dma_wait3A_68] : memref<10112x128xf32, #tpu.memory_space<vmem_shared>> -> memref<10112x128xf32, #tpu.memory_space<vmem_shared>>
        tpu.wait_indirect_dma semaphore(%run_scoped3A : memref<!tpu.dma_semaphore, #tpu.memory_space<semaphore_mem>>) src(%arg10 : memref<128x128xf32, #tpu.memory_space<vmem>>) dst(%dma_wait3A_69 : memref<10112x128xf32, #tpu.memory_space<vmem_shared>>)
        tpu.yield
      }) : () -> ()
      %dma_wait3A_61 = arith.constant 0 : i32
      %dma_wait3A_62 = arith.constant 0 : i32
      %dma_wait3A_63 = tpu.memref_slice %arg2[%dma_wait3A_61, %dma_wait3A_62] : memref<10000x128xf32, #tpu.memory_space<hbm>> -> memref<10000x128xf32, #tpu.memory_space<hbm>>
      tpu.wait_indirect_dma semaphore(%arg14 : memref<!tpu.dma_semaphore, #tpu.memory_space<semaphore_mem>>) src(%dma_wait3A_63 : memref<10000x128xf32, #tpu.memory_space<hbm>>) dst(%arg11 : memref<128x128xf32, #tpu.memory_space<vmem>>)
      "tpu.region"() ({
        %run_scoped3A = tpu.sem_alloc : memref<!tpu.dma_semaphore, #tpu.memory_space<semaphore_mem>>
        %dma_start3A_64 = arith.constant 0 : i32
        %dma_start3A_65 = arith.constant 0 : i32
        %dma_start3A_66 = tpu.memref_slice %arg12[%dma_start3A_64, %dma_start3A_65] : memref<10112x128xf32, #tpu.memory_space<vmem_shared>> -> memref<10112x128xf32, #tpu.memory_space<vmem_shared>>
        tpu.enqueue_indirect_dma source(%arg11 : memref<128x128xf32, #tpu.memory_space<vmem>>) target(%dma_start3A_66 : memref<10112x128xf32, #tpu.memory_space<vmem_shared>>) offsets(%arg9 : memref<128xi32, #tpu.memory_space<vmem>>) semaphore(%run_scoped3A : memref<!tpu.dma_semaphore, #tpu.memory_space<semaphore_mem>>) {add = true}
        %dma_wait3A_67 = arith.constant 0 : i32
        %dma_wait3A_68 = arith.constant 0 : i32
        %dma_wait3A_69 = tpu.memref_slice %arg12[%dma_wait3A_67, %dma_wait3A_68] : memref<10112x128xf32, #tpu.memory_space<vmem_shared>> -> memref<10112x128xf32, #tpu.memory_space<vmem_shared>>
        tpu.wait_indirect_dma semaphore(%run_scoped3A : memref<!tpu.dma_semaphore, #tpu.memory_space<semaphore_mem>>) src(%arg11 : memref<128x128xf32, #tpu.memory_space<vmem>>) dst(%dma_wait3A_69 : memref<10112x128xf32, #tpu.memory_space<vmem_shared>>)
        tpu.yield
      }) : () -> ()
    }
    %barrier3A_38 = arith.constant 0 : index
    tpu.barrier barrier_id(%barrier3A_38)
    %add3A_39 = arith.constant 632 : i32
    %add3A_40 = arith.addi %mul3A_6, %add3A_39 : i32
    %le3A = arith.constant 10000 : i32
    %le3A_41 = arith.cmpi sle, %add3A_40, %le3A : i32
    %convert_element_type3A = arith.extui %le3A_41 : i1 to i32
    %cond3A = arith.constant 0 : i32
    %cond3A_42 = arith.cmpi ne, %convert_element_type3A, %cond3A : i32
    scf.if %cond3A_42 {
      "tpu.region"() ({
        %run_scoped3A = tpu.sem_alloc : memref<!tpu.dma_semaphore, #tpu.memory_space<semaphore_mem>>
        %dma_start3A = arith.constant 0 : i32
        %dma_start3A_49 = tpu.memref_slice %arg5[%arg0, %mul3A_6, %dma_start3A] : memref<2x10000x128xf32, #tpu.memory_space<hbm>> -> memref<1x632x128xf32, #tpu.memory_space<hbm>>
        %dma_start3A_50 = tpu.memref_squeeze %dma_start3A_49 : memref<1x632x128xf32, #tpu.memory_space<hbm>> -> memref<632x128xf32, #tpu.memory_space<hbm>>
        %dma_start3A_51 = arith.constant 0 : i32
        %dma_start3A_52 = tpu.memref_slice %arg12[%mul3A_6, %dma_start3A_51] : memref<10112x128xf32, #tpu.memory_space<vmem_shared>> -> memref<632x128xf32, #tpu.memory_space<vmem_shared>>
        tpu.enqueue_dma source(%dma_start3A_52 : memref<632x128xf32, #tpu.memory_space<vmem_shared>>) target(%dma_start3A_50 : memref<632x128xf32, #tpu.memory_space<hbm>>) target_semaphore(%run_scoped3A : memref<!tpu.dma_semaphore, #tpu.memory_space<semaphore_mem>>)
        %dma_wait3A = arith.constant 0 : i32
        %dma_wait3A_53 = tpu.memref_slice %arg5[%arg0, %mul3A_6, %dma_wait3A] : memref<2x10000x128xf32, #tpu.memory_space<hbm>> -> memref<1x632x128xf32, #tpu.memory_space<hbm>>
        %dma_wait3A_54 = tpu.memref_squeeze %dma_wait3A_53 : memref<1x632x128xf32, #tpu.memory_space<hbm>> -> memref<632x128xf32, #tpu.memory_space<hbm>>
        %dma_wait3A_55 = arith.constant 0 : i32
        %dma_wait3A_56 = tpu.memref_slice %arg12[%mul3A_6, %dma_wait3A_55] : memref<10112x128xf32, #tpu.memory_space<vmem_shared>> -> memref<632x128xf32, #tpu.memory_space<vmem_shared>>
        tpu.wait_dma2 semaphore(%run_scoped3A : memref<!tpu.dma_semaphore, #tpu.memory_space<semaphore_mem>>) src(%dma_wait3A_56 : memref<632x128xf32, #tpu.memory_space<vmem_shared>>) dst(%dma_wait3A_54 : memref<632x128xf32, #tpu.memory_space<hbm>>)
        tpu.yield
      }) : () -> ()
    } else {
    }
    %add3A_43 = arith.constant 632 : i32
    %add3A_44 = arith.addi %mul3A_6, %add3A_43 : i32
    %gt3A = arith.constant 10000 : i32
    %gt3A_45 = arith.cmpi sgt, %add3A_44, %gt3A : i32
    %convert_element_type3A_46 = arith.extui %gt3A_45 : i1 to i32
    %cond3A_47 = arith.constant 0 : i32
    %cond3A_48 = arith.cmpi ne, %convert_element_type3A_46, %cond3A_47 : i32
    scf.if %cond3A_48 {
      "tpu.region"() ({
        %run_scoped3A = tpu.sem_alloc : memref<!tpu.dma_semaphore, #tpu.memory_space<semaphore_mem>>
        %dma_start3A = arith.constant 0 : i32
        %dma_start3A_49 = tpu.memref_slice %arg5[%arg0, %mul3A_6, %dma_start3A] : memref<2x10000x128xf32, #tpu.memory_space<hbm>> -> memref<1x520x128xf32, #tpu.memory_space<hbm>>
        %dma_start3A_50 = tpu.memref_squeeze %dma_start3A_49 : memref<1x520x128xf32, #tpu.memory_space<hbm>> -> memref<520x128xf32, #tpu.memory_space<hbm>>
        %dma_start3A_51 = arith.constant 0 : i32
        %dma_start3A_52 = tpu.memref_slice %arg12[%mul3A_6, %dma_start3A_51] : memref<10112x128xf32, #tpu.memory_space<vmem_shared>> -> memref<520x128xf32, #tpu.memory_space<vmem_shared>>
        tpu.enqueue_dma source(%dma_start3A_52 : memref<520x128xf32, #tpu.memory_space<vmem_shared>>) target(%dma_start3A_50 : memref<520x128xf32, #tpu.memory_space<hbm>>) target_semaphore(%run_scoped3A : memref<!tpu.dma_semaphore, #tpu.memory_space<semaphore_mem>>)
        %dma_wait3A = arith.constant 0 : i32
        %dma_wait3A_53 = tpu.memref_slice %arg5[%arg0, %mul3A_6, %dma_wait3A] : memref<2x10000x128xf32, #tpu.memory_space<hbm>> -> memref<1x520x128xf32, #tpu.memory_space<hbm>>
        %dma_wait3A_54 = tpu.memref_squeeze %dma_wait3A_53 : memref<1x520x128xf32, #tpu.memory_space<hbm>> -> memref<520x128xf32, #tpu.memory_space<hbm>>
        %dma_wait3A_55 = arith.constant 0 : i32
        %dma_wait3A_56 = tpu.memref_slice %arg12[%mul3A_6, %dma_wait3A_55] : memref<10112x128xf32, #tpu.memory_space<vmem_shared>> -> memref<520x128xf32, #tpu.memory_space<vmem_shared>>
        tpu.wait_dma2 semaphore(%run_scoped3A : memref<!tpu.dma_semaphore, #tpu.memory_space<semaphore_mem>>) src(%dma_wait3A_56 : memref<520x128xf32, #tpu.memory_space<vmem_shared>>) dst(%dma_wait3A_54 : memref<520x128xf32, #tpu.memory_space<hbm>>)
        tpu.yield
      }) : () -> ()
    } else {
    }
    return
  }
}

#map = affine_map<(d0, d1) -> (0, 0)>
#map1 = affine_map<(d0, d1) -> (0)>
#map2 = affine_map<(d0, d1) -> (0, 0, 0)>
module attributes {stable_mosaic.version = 14 : i64} {
  func.func @seg_kernel(%arg0: i32, %arg1: i32, %arg2: memref<10000x128xf32, #tpu.memory_space<hbm>>, %arg3: memref<320000xi32, #tpu.memory_space<hbm>>, %arg4: memref<320000xi32, #tpu.memory_space<hbm>>, %arg5: memref<2x10000x128xf32, #tpu.memory_space<hbm>>, %arg6: memref<128xi32, #tpu.memory_space<vmem>>, %arg7: memref<128xi32, #tpu.memory_space<vmem>>, %arg8: memref<128xi32, #tpu.memory_space<vmem>>, %arg9: memref<128xi32, #tpu.memory_space<vmem>>, %arg10: memref<128x128xf32, #tpu.memory_space<vmem>>, %arg11: memref<128x128xf32, #tpu.memory_space<vmem>>, %arg12: memref<10112x128xf32, #tpu.memory_space<vmem_shared>>, %arg13: memref<!tpu.dma_semaphore, #tpu.memory_space<semaphore_mem>>, %arg14: memref<!tpu.dma_semaphore, #tpu.memory_space<semaphore_mem>>) attributes {dimension_semantics = [#tpu.dimension_semantics<core_parallel>, #tpu.dimension_semantics<subcore_parallel>], iteration_bounds = array<i64: 2, 16>, scalar_prefetch = 0 : i64, scratch_operands = 9 : i64, tpu.core_type = #tpu.core_type<sc_vector_subcore>, window_params = [{transform_indices = #map}, {transform_indices = #map1}, {transform_indices = #map1}, {transform_indices = #map2}]} {
    %mul3A = arith.constant 2 : i32
    %mul3A_0 = arith.muli %arg1, %mul3A : i32
    %add3A = arith.addi %mul3A_0, %arg0 : i32
    %scan3A = arith.constant 0 : i32
    %scan3A_1 = arith.constant 128 : i32
    %scan3A_2 = arith.addi %scan3A, %scan3A_1 : i32
    %scan3A_3 = arith.constant 1 : i32
    scf.for %scan3A_49 = %scan3A to %scan3A_2 step %scan3A_3  : i32 {
      %mul3A_50 = arith.constant 1 : i32
      %mul3A_51 = arith.muli %scan3A_49, %mul3A_50 : i32
      %add3A_52 = arith.constant 0 : i32
      %add3A_53 = arith.addi %add3A_52, %mul3A_51 : i32
      %scan3A_54 = arith.constant 0 : i32
      %scan3A_55 = arith.constant 8 : i32
      %scan3A_56 = arith.addi %scan3A_54, %scan3A_55 : i32
      %scan3A_57 = arith.constant 1 : i32
      scf.for %scan3A_59 = %scan3A_54 to %scan3A_56 step %scan3A_57  : i32 {
        %mul3A_60 = arith.constant 16 : i32
        %mul3A_61 = arith.muli %scan3A_59, %mul3A_60 : i32
        %add3A_62 = arith.constant 0 : i32
        %add3A_63 = arith.addi %add3A_62, %mul3A_61 : i32
        %broadcast_in_dim3A = arith.constant 0.000000e+00 : f32
        %broadcast_in_dim3A_64 = vector.broadcast %broadcast_in_dim3A : f32 to vector<16xf32>
        %swap3A = arith.index_cast %add3A_53 : i32 to index
        %swap3A_65 = arith.index_cast %add3A_63 : i32 to index
        %swap3A_66 = tpu.vector_load %arg10[%swap3A, %swap3A_65] {strides = array<i32>} : memref<128x128xf32, #tpu.memory_space<vmem>>, vector<1x16xf32>,
        %swap3A_67 = vector.shape_cast %swap3A_66 : vector<1x16xf32> to vector<16xf32>
        %swap3A_68 = vector.shape_cast %broadcast_in_dim3A_64 : vector<16xf32> to vector<1x16xf32>
        tpu.vector_store %arg10[%swap3A, %swap3A_65], %swap3A_68 {strides = array<i32>} : memref<128x128xf32, #tpu.memory_space<vmem>>, vector<1x16xf32>,
      }
      %scan3A_58 = arith.constant 8 : i32
    }
    %scan3A_4 = arith.constant 128 : i32
    %mul3A_5 = arith.constant 632 : i32
    %mul3A_6 = arith.muli %arg1, %mul3A_5 : i32
    %add3A_7 = arith.constant 0 : i32
    %add3A_8 = arith.addi %mul3A_6, %add3A_7 : i32
    "tpu.region"() ({
      %run_scoped3A = tpu.sem_alloc : memref<!tpu.dma_semaphore, #tpu.memory_space<semaphore_mem>>
      %dma_start3A = arith.constant 0 : i32
      %dma_start3A_49 = tpu.memref_slice %arg12[%add3A_8, %dma_start3A] : memref<10112x128xf32, #tpu.memory_space<vmem_shared>> -> memref<128x128xf32, #tpu.memory_space<vmem_shared>>
      %dma_start3A_50 = arith.constant 0 : i32
      %dma_start3A_51 = tpu.memref_slice %arg12[%add3A_8, %dma_start3A_50] : memref<10112x128xf32, #tpu.memory_space<vmem_shared>> -> memref<128x128xf32, #tpu.memory_space<vmem_shared>>
      tpu.enqueue_dma source(%arg10 : memref<128x128xf32, #tpu.memory_space<vmem>>) target(%dma_start3A_51 : memref<128x128xf32, #tpu.memory_space<vmem_shared>>) target_semaphore(%run_scoped3A : memref<!tpu.dma_semaphore, #tpu.memory_space<semaphore_mem>>)
      %dma_wait3A = arith.constant 0 : i32
      %dma_wait3A_52 = tpu.memref_slice %arg12[%add3A_8, %dma_wait3A] : memref<10112x128xf32, #tpu.memory_space<vmem_shared>> -> memref<128x128xf32, #tpu.memory_space<vmem_shared>>
      %dma_wait3A_53 = arith.constant 0 : i32
      %dma_wait3A_54 = tpu.memref_slice %arg12[%add3A_8, %dma_wait3A_53] : memref<10112x128xf32, #tpu.memory_space<vmem_shared>> -> memref<128x128xf32, #tpu.memory_space<vmem_shared>>
      tpu.wait_dma2 semaphore(%run_scoped3A : memref<!tpu.dma_semaphore, #tpu.memory_space<semaphore_mem>>) src(%arg10 : memref<128x128xf32, #tpu.memory_space<vmem>>) dst(%dma_wait3A_54 : memref<128x128xf32, #tpu.memory_space<vmem_shared>>)
      tpu.yield
    }) : () -> ()
    %add3A_9 = arith.constant 128 : i32
    %add3A_10 = arith.addi %mul3A_6, %add3A_9 : i32
    "tpu.region"() ({
      %run_scoped3A = tpu.sem_alloc : memref<!tpu.dma_semaphore, #tpu.memory_space<semaphore_mem>>
      %dma_start3A = arith.constant 0 : i32
      %dma_start3A_49 = tpu.memref_slice %arg12[%add3A_10, %dma_start3A] : memref<10112x128xf32, #tpu.memory_space<vmem_shared>> -> memref<128x128xf32, #tpu.memory_space<vmem_shared>>
      %dma_start3A_50 = arith.constant 0 : i32
      %dma_start3A_51 = tpu.memref_slice %arg12[%add3A_10, %dma_start3A_50] : memref<10112x128xf32, #tpu.memory_space<vmem_shared>> -> memref<128x128xf32, #tpu.memory_space<vmem_shared>>
      tpu.enqueue_dma source(%arg10 : memref<128x128xf32, #tpu.memory_space<vmem>>) target(%dma_start3A_51 : memref<128x128xf32, #tpu.memory_space<vmem_shared>>) target_semaphore(%run_scoped3A : memref<!tpu.dma_semaphore, #tpu.memory_space<semaphore_mem>>)
      %dma_wait3A = arith.constant 0 : i32
      %dma_wait3A_52 = tpu.memref_slice %arg12[%add3A_10, %dma_wait3A] : memref<10112x128xf32, #tpu.memory_space<vmem_shared>> -> memref<128x128xf32, #tpu.memory_space<vmem_shared>>
      %dma_wait3A_53 = arith.constant 0 : i32
      %dma_wait3A_54 = tpu.memref_slice %arg12[%add3A_10, %dma_wait3A_53] : memref<10112x128xf32, #tpu.memory_space<vmem_shared>> -> memref<128x128xf32, #tpu.memory_space<vmem_shared>>
      tpu.wait_dma2 semaphore(%run_scoped3A : memref<!tpu.dma_semaphore, #tpu.memory_space<semaphore_mem>>) src(%arg10 : memref<128x128xf32, #tpu.memory_space<vmem>>) dst(%dma_wait3A_54 : memref<128x128xf32, #tpu.memory_space<vmem_shared>>)
      tpu.yield
    }) : () -> ()
    %add3A_11 = arith.constant 256 : i32
    %add3A_12 = arith.addi %mul3A_6, %add3A_11 : i32
    "tpu.region"() ({
      %run_scoped3A = tpu.sem_alloc : memref<!tpu.dma_semaphore, #tpu.memory_space<semaphore_mem>>
      %dma_start3A = arith.constant 0 : i32
      %dma_start3A_49 = tpu.memref_slice %arg12[%add3A_12, %dma_start3A] : memref<10112x128xf32, #tpu.memory_space<vmem_shared>> -> memref<128x128xf32, #tpu.memory_space<vmem_shared>>
      %dma_start3A_50 = arith.constant 0 : i32
      %dma_start3A_51 = tpu.memref_slice %arg12[%add3A_12, %dma_start3A_50] : memref<10112x128xf32, #tpu.memory_space<vmem_shared>> -> memref<128x128xf32, #tpu.memory_space<vmem_shared>>
      tpu.enqueue_dma source(%arg10 : memref<128x128xf32, #tpu.memory_space<vmem>>) target(%dma_start3A_51 : memref<128x128xf32, #tpu.memory_space<vmem_shared>>) target_semaphore(%run_scoped3A : memref<!tpu.dma_semaphore, #tpu.memory_space<semaphore_mem>>)
      %dma_wait3A = arith.constant 0 : i32
      %dma_wait3A_52 = tpu.memref_slice %arg12[%add3A_12, %dma_wait3A] : memref<10112x128xf32, #tpu.memory_space<vmem_shared>> -> memref<128x128xf32, #tpu.memory_space<vmem_shared>>
      %dma_wait3A_53 = arith.constant 0 : i32
      %dma_wait3A_54 = tpu.memref_slice %arg12[%add3A_12, %dma_wait3A_53] : memref<10112x128xf32, #tpu.memory_space<vmem_shared>> -> memref<128x128xf32, #tpu.memory_space<vmem_shared>>
      tpu.wait_dma2 semaphore(%run_scoped3A : memref<!tpu.dma_semaphore, #tpu.memory_space<semaphore_mem>>) src(%arg10 : memref<128x128xf32, #tpu.memory_space<vmem>>) dst(%dma_wait3A_54 : memref<128x128xf32, #tpu.memory_space<vmem_shared>>)
      tpu.yield
    }) : () -> ()
    %add3A_13 = arith.constant 384 : i32
    %add3A_14 = arith.addi %mul3A_6, %add3A_13 : i32
    "tpu.region"() ({
      %run_scoped3A = tpu.sem_alloc : memref<!tpu.dma_semaphore, #tpu.memory_space<semaphore_mem>>
      %dma_start3A = arith.constant 0 : i32
      %dma_start3A_49 = tpu.memref_slice %arg12[%add3A_14, %dma_start3A] : memref<10112x128xf32, #tpu.memory_space<vmem_shared>> -> memref<128x128xf32, #tpu.memory_space<vmem_shared>>
      %dma_start3A_50 = arith.constant 0 : i32
      %dma_start3A_51 = tpu.memref_slice %arg12[%add3A_14, %dma_start3A_50] : memref<10112x128xf32, #tpu.memory_space<vmem_shared>> -> memref<128x128xf32, #tpu.memory_space<vmem_shared>>
      tpu.enqueue_dma source(%arg10 : memref<128x128xf32, #tpu.memory_space<vmem>>) target(%dma_start3A_51 : memref<128x128xf32, #tpu.memory_space<vmem_shared>>) target_semaphore(%run_scoped3A : memref<!tpu.dma_semaphore, #tpu.memory_space<semaphore_mem>>)
      %dma_wait3A = arith.constant 0 : i32
      %dma_wait3A_52 = tpu.memref_slice %arg12[%add3A_14, %dma_wait3A] : memref<10112x128xf32, #tpu.memory_space<vmem_shared>> -> memref<128x128xf32, #tpu.memory_space<vmem_shared>>
      %dma_wait3A_53 = arith.constant 0 : i32
      %dma_wait3A_54 = tpu.memref_slice %arg12[%add3A_14, %dma_wait3A_53] : memref<10112x128xf32, #tpu.memory_space<vmem_shared>> -> memref<128x128xf32, #tpu.memory_space<vmem_shared>>
      tpu.wait_dma2 semaphore(%run_scoped3A : memref<!tpu.dma_semaphore, #tpu.memory_space<semaphore_mem>>) src(%arg10 : memref<128x128xf32, #tpu.memory_space<vmem>>) dst(%dma_wait3A_54 : memref<128x128xf32, #tpu.memory_space<vmem_shared>>)
      tpu.yield
    }) : () -> ()
    %add3A_15 = arith.constant 632 : i32
    %add3A_16 = arith.addi %mul3A_6, %add3A_15 : i32
    %sub3A = arith.constant 120 : i32
    %sub3A_17 = arith.subi %add3A_16, %sub3A : i32
    "tpu.region"() ({
      %run_scoped3A = tpu.sem_alloc : memref<!tpu.dma_semaphore, #tpu.memory_space<semaphore_mem>>
      %dma_start3A = arith.constant 0 : i32
      %dma_start3A_49 = arith.constant 0 : i32
      %dma_start3A_50 = tpu.memref_slice %arg10[%dma_start3A, %dma_start3A_49] : memref<128x128xf32, #tpu.memory_space<vmem>> -> memref<120x128xf32, #tpu.memory_space<vmem>>
      %dma_start3A_51 = arith.constant 0 : i32
      %dma_start3A_52 = tpu.memref_slice %arg12[%sub3A_17, %dma_start3A_51] : memref<10112x128xf32, #tpu.memory_space<vmem_shared>> -> memref<120x128xf32, #tpu.memory_space<vmem_shared>>
      %dma_start3A_53 = arith.constant 0 : i32
      %dma_start3A_54 = tpu.memref_slice %arg12[%sub3A_17, %dma_start3A_53] : memref<10112x128xf32, #tpu.memory_space<vmem_shared>> -> memref<120x128xf32, #tpu.memory_space<vmem_shared>>
      %dma_start3A_55 = arith.constant 0 : i32
      %dma_start3A_56 = arith.constant 0 : i32
      %dma_start3A_57 = tpu.memref_slice %arg10[%dma_start3A_55, %dma_start3A_56] : memref<128x128xf32, #tpu.memory_space<vmem>> -> memref<120x128xf32, #tpu.memory_space<vmem>>
      tpu.enqueue_dma source(%dma_start3A_57 : memref<120x128xf32, #tpu.memory_space<vmem>>) target(%dma_start3A_54 : memref<120x128xf32, #tpu.memory_space<vmem_shared>>) target_semaphore(%run_scoped3A : memref<!tpu.dma_semaphore, #tpu.memory_space<semaphore_mem>>)
      %dma_wait3A = arith.constant 0 : i32
      %dma_wait3A_58 = arith.constant 0 : i32
      %dma_wait3A_59 = tpu.memref_slice %arg10[%dma_wait3A, %dma_wait3A_58] : memref<128x128xf32, #tpu.memory_space<vmem>> -> memref<120x128xf32, #tpu.memory_space<vmem>>
      %dma_wait3A_60 = arith.constant 0 : i32
      %dma_wait3A_61 = tpu.memref_slice %arg12[%sub3A_17, %dma_wait3A_60] : memref<10112x128xf32, #tpu.memory_space<vmem_shared>> -> memref<120x128xf32, #tpu.memory_space<vmem_shared>>
      %dma_wait3A_62 = arith.constant 0 : i32
      %dma_wait3A_63 = tpu.memref_slice %arg12[%sub3A_17, %dma_wait3A_62] : memref<10112x128xf32, #tpu.memory_space<vmem_shared>> -> memref<120x128xf32, #tpu.memory_space<vmem_shared>>
      %dma_wait3A_64 = arith.constant 0 : i32
      %dma_wait3A_65 = arith.constant 0 : i32
      %dma_wait3A_66 = tpu.memref_slice %arg10[%dma_wait3A_64, %dma_wait3A_65] : memref<128x128xf32, #tpu.memory_space<vmem>> -> memref<120x128xf32, #tpu.memory_space<vmem>>
      tpu.wait_dma2 semaphore(%run_scoped3A : memref<!tpu.dma_semaphore, #tpu.memory_space<semaphore_mem>>) src(%dma_wait3A_66 : memref<120x128xf32, #tpu.memory_space<vmem>>) dst(%dma_wait3A_63 : memref<120x128xf32, #tpu.memory_space<vmem_shared>>)
      tpu.yield
    }) : () -> ()
    %barrier3A = arith.constant 0 : index
    tpu.barrier barrier_id(%barrier3A)
    %mul3A_18 = arith.constant 2 : i32
    %mul3A_19 = arith.muli %add3A, %mul3A_18 : i32
    %mul3A_20 = arith.constant 128 : i32
    %mul3A_21 = arith.muli %mul3A_19, %mul3A_20 : i32
    %sub3A_22 = arith.constant 320000 : i32
    %sub3A_23 = arith.subi %sub3A_22, %mul3A_21 : i32
    %sub3A_24 = arith.constant 8192 : i32
    %sub3A_25 = arith.constant 1 : i32
    %sub3A_26 = arith.subi %sub3A_24, %sub3A_25 : i32
    %add3A_27 = arith.addi %sub3A_23, %sub3A_26 : i32
    %div3A = arith.constant 8192 : i32
    %div3A_28 = arith.divsi %add3A_27, %div3A : i32
    %while3A = arith.constant 8192 : i32
    %while3A_29 = arith.constant 0 : i32
    %while3A_30 = arith.subi %div3A_28, %while3A_29 : i32
    %while3A_31 = arith.addi %while3A_29, %while3A_30 : i32
    %while3A_32 = arith.constant 1 : i32
    %while3A_33 = arith.divsi %while3A_30, %while3A_32 : i32
    %while3A_34 = arith.muli %while3A_33, %while3A_32 : i32
    %while3A_35 = arith.addi %while3A_29, %while3A_34 : i32
    %while3A_36 = arith.constant 1 : i32
    scf.for %while3A_49 = %while3A_29 to %while3A_35 step %while3A_36  : i32 {
      %mul3A_50 = arith.muli %while3A_49, %while3A : i32
      %add3A_51 = arith.addi %mul3A_21, %mul3A_50 : i32
      %add3A_52 = arith.constant 128 : i32
      %add3A_53 = arith.addi %add3A_51, %add3A_52 : i32
      "tpu.region"() ({
        %run_scoped3A = tpu.sem_alloc : memref<!tpu.dma_semaphore, #tpu.memory_space<semaphore_mem>>
        %dma_start3A_64 = tpu.memref_slice %arg3[%add3A_51] : memref<320000xi32, #tpu.memory_space<hbm>> -> memref<128xi32, #tpu.memory_space<hbm>>
        %dma_start3A_65 = tpu.memref_slice %arg3[%add3A_51] : memref<320000xi32, #tpu.memory_space<hbm>> -> memref<128xi32, #tpu.memory_space<hbm>>
        tpu.enqueue_dma source(%dma_start3A_65 : memref<128xi32, #tpu.memory_space<hbm>>) target(%arg6 : memref<128xi32, #tpu.memory_space<vmem>>) target_semaphore(%run_scoped3A : memref<!tpu.dma_semaphore, #tpu.memory_space<semaphore_mem>>)
        %dma_wait3A_66 = tpu.memref_slice %arg3[%add3A_51] : memref<320000xi32, #tpu.memory_space<hbm>> -> memref<128xi32, #tpu.memory_space<hbm>>
        %dma_wait3A_67 = tpu.memref_slice %arg3[%add3A_51] : memref<320000xi32, #tpu.memory_space<hbm>> -> memref<128xi32, #tpu.memory_space<hbm>>
        tpu.wait_dma2 semaphore(%run_scoped3A : memref<!tpu.dma_semaphore, #tpu.memory_space<semaphore_mem>>) src(%dma_wait3A_67 : memref<128xi32, #tpu.memory_space<hbm>>) dst(%arg6 : memref<128xi32, #tpu.memory_space<vmem>>)
        tpu.yield
      }) : () -> ()
      "tpu.region"() ({
        %run_scoped3A = tpu.sem_alloc : memref<!tpu.dma_semaphore, #tpu.memory_space<semaphore_mem>>
        %dma_start3A_64 = tpu.memref_slice %arg4[%add3A_51] : memref<320000xi32, #tpu.memory_space<hbm>> -> memref<128xi32, #tpu.memory_space<hbm>>
        %dma_start3A_65 = tpu.memref_slice %arg4[%add3A_51] : memref<320000xi32, #tpu.memory_space<hbm>> -> memref<128xi32, #tpu.memory_space<hbm>>
        tpu.enqueue_dma source(%dma_start3A_65 : memref<128xi32, #tpu.memory_space<hbm>>) target(%arg7 : memref<128xi32, #tpu.memory_space<vmem>>) target_semaphore(%run_scoped3A : memref<!tpu.dma_semaphore, #tpu.memory_space<semaphore_mem>>)
        %dma_wait3A_66 = tpu.memref_slice %arg4[%add3A_51] : memref<320000xi32, #tpu.memory_space<hbm>> -> memref<128xi32, #tpu.memory_space<hbm>>
        %dma_wait3A_67 = tpu.memref_slice %arg4[%add3A_51] : memref<320000xi32, #tpu.memory_space<hbm>> -> memref<128xi32, #tpu.memory_space<hbm>>
        tpu.wait_dma2 semaphore(%run_scoped3A : memref<!tpu.dma_semaphore, #tpu.memory_space<semaphore_mem>>) src(%dma_wait3A_67 : memref<128xi32, #tpu.memory_space<hbm>>) dst(%arg7 : memref<128xi32, #tpu.memory_space<vmem>>)
        tpu.yield
      }) : () -> ()
      %dma_start3A = arith.constant 0 : i32
      %dma_start3A_54 = arith.constant 0 : i32
      %dma_start3A_55 = tpu.memref_slice %arg2[%dma_start3A, %dma_start3A_54] : memref<10000x128xf32, #tpu.memory_space<hbm>> -> memref<10000x128xf32, #tpu.memory_space<hbm>>
      tpu.enqueue_indirect_dma source(%dma_start3A_55 : memref<10000x128xf32, #tpu.memory_space<hbm>>) target(%arg10 : memref<128x128xf32, #tpu.memory_space<vmem>>) offsets(%arg6 : memref<128xi32, #tpu.memory_space<vmem>>) semaphore(%arg13 : memref<!tpu.dma_semaphore, #tpu.memory_space<semaphore_mem>>)
      "tpu.region"() ({
        %run_scoped3A = tpu.sem_alloc : memref<!tpu.dma_semaphore, #tpu.memory_space<semaphore_mem>>
        %dma_start3A_64 = tpu.memref_slice %arg3[%add3A_53] : memref<320000xi32, #tpu.memory_space<hbm>> -> memref<128xi32, #tpu.memory_space<hbm>>
        %dma_start3A_65 = tpu.memref_slice %arg3[%add3A_53] : memref<320000xi32, #tpu.memory_space<hbm>> -> memref<128xi32, #tpu.memory_space<hbm>>
        tpu.enqueue_dma source(%dma_start3A_65 : memref<128xi32, #tpu.memory_space<hbm>>) target(%arg8 : memref<128xi32, #tpu.memory_space<vmem>>) target_semaphore(%run_scoped3A : memref<!tpu.dma_semaphore, #tpu.memory_space<semaphore_mem>>)
        %dma_wait3A_66 = tpu.memref_slice %arg3[%add3A_53] : memref<320000xi32, #tpu.memory_space<hbm>> -> memref<128xi32, #tpu.memory_space<hbm>>
        %dma_wait3A_67 = tpu.memref_slice %arg3[%add3A_53] : memref<320000xi32, #tpu.memory_space<hbm>> -> memref<128xi32, #tpu.memory_space<hbm>>
        tpu.wait_dma2 semaphore(%run_scoped3A : memref<!tpu.dma_semaphore, #tpu.memory_space<semaphore_mem>>) src(%dma_wait3A_67 : memref<128xi32, #tpu.memory_space<hbm>>) dst(%arg8 : memref<128xi32, #tpu.memory_space<vmem>>)
        tpu.yield
      }) : () -> ()
      "tpu.region"() ({
        %run_scoped3A = tpu.sem_alloc : memref<!tpu.dma_semaphore, #tpu.memory_space<semaphore_mem>>
        %dma_start3A_64 = tpu.memref_slice %arg4[%add3A_53] : memref<320000xi32, #tpu.memory_space<hbm>> -> memref<128xi32, #tpu.memory_space<hbm>>
        %dma_start3A_65 = tpu.memref_slice %arg4[%add3A_53] : memref<320000xi32, #tpu.memory_space<hbm>> -> memref<128xi32, #tpu.memory_space<hbm>>
        tpu.enqueue_dma source(%dma_start3A_65 : memref<128xi32, #tpu.memory_space<hbm>>) target(%arg9 : memref<128xi32, #tpu.memory_space<vmem>>) target_semaphore(%run_scoped3A : memref<!tpu.dma_semaphore, #tpu.memory_space<semaphore_mem>>)
        %dma_wait3A_66 = tpu.memref_slice %arg4[%add3A_53] : memref<320000xi32, #tpu.memory_space<hbm>> -> memref<128xi32, #tpu.memory_space<hbm>>
        %dma_wait3A_67 = tpu.memref_slice %arg4[%add3A_53] : memref<320000xi32, #tpu.memory_space<hbm>> -> memref<128xi32, #tpu.memory_space<hbm>>
        tpu.wait_dma2 semaphore(%run_scoped3A : memref<!tpu.dma_semaphore, #tpu.memory_space<semaphore_mem>>) src(%dma_wait3A_67 : memref<128xi32, #tpu.memory_space<hbm>>) dst(%arg9 : memref<128xi32, #tpu.memory_space<vmem>>)
        tpu.yield
      }) : () -> ()
      %dma_start3A_56 = arith.constant 0 : i32
      %dma_start3A_57 = arith.constant 0 : i32
      %dma_start3A_58 = tpu.memref_slice %arg2[%dma_start3A_56, %dma_start3A_57] : memref<10000x128xf32, #tpu.memory_space<hbm>> -> memref<10000x128xf32, #tpu.memory_space<hbm>>
      tpu.enqueue_indirect_dma source(%dma_start3A_58 : memref<10000x128xf32, #tpu.memory_space<hbm>>) target(%arg11 : memref<128x128xf32, #tpu.memory_space<vmem>>) offsets(%arg8 : memref<128xi32, #tpu.memory_space<vmem>>) semaphore(%arg14 : memref<!tpu.dma_semaphore, #tpu.memory_space<semaphore_mem>>)
      %dma_wait3A = arith.constant 0 : i32
      %dma_wait3A_59 = arith.constant 0 : i32
      %dma_wait3A_60 = tpu.memref_slice %arg2[%dma_wait3A, %dma_wait3A_59] : memref<10000x128xf32, #tpu.memory_space<hbm>> -> memref<10000x128xf32, #tpu.memory_space<hbm>>
      tpu.wait_indirect_dma semaphore(%arg13 : memref<!tpu.dma_semaphore, #tpu.memory_space<semaphore_mem>>) src(%dma_wait3A_60 : memref<10000x128xf32, #tpu.memory_space<hbm>>) dst(%arg10 : memref<128x128xf32, #tpu.memory_space<vmem>>)
      "tpu.region"() ({
        %run_scoped3A = tpu.sem_alloc : memref<!tpu.dma_semaphore, #tpu.memory_space<semaphore_mem>>
        %dma_start3A_64 = arith.constant 0 : i32
        %dma_start3A_65 = arith.constant 0 : i32
        %dma_start3A_66 = tpu.memref_slice %arg12[%dma_start3A_64, %dma_start3A_65] : memref<10112x128xf32, #tpu.memory_space<vmem_shared>> -> memref<10112x128xf32, #tpu.memory_space<vmem_shared>>
        tpu.enqueue_indirect_dma source(%arg10 : memref<128x128xf32, #tpu.memory_space<vmem>>) target(%dma_start3A_66 : memref<10112x128xf32, #tpu.memory_space<vmem_shared>>) offsets(%arg7 : memref<128xi32, #tpu.memory_space<vmem>>) semaphore(%run_scoped3A : memref<!tpu.dma_semaphore, #tpu.memory_space<semaphore_mem>>) {add = true}
        %dma_wait3A_67 = arith.constant 0 : i32
        %dma_wait3A_68 = arith.constant 0 : i32
        %dma_wait3A_69 = tpu.memref_slice %arg12[%dma_wait3A_67, %dma_wait3A_68] : memref<10112x128xf32, #tpu.memory_space<vmem_shared>> -> memref<10112x128xf32, #tpu.memory_space<vmem_shared>>
        tpu.wait_indirect_dma semaphore(%run_scoped3A : memref<!tpu.dma_semaphore, #tpu.memory_space<semaphore_mem>>) src(%arg10 : memref<128x128xf32, #tpu.memory_space<vmem>>) dst(%dma_wait3A_69 : memref<10112x128xf32, #tpu.memory_space<vmem_shared>>)
        tpu.yield
      }) : () -> ()
      %dma_wait3A_61 = arith.constant 0 : i32
      %dma_wait3A_62 = arith.constant 0 : i32
      %dma_wait3A_63 = tpu.memref_slice %arg2[%dma_wait3A_61, %dma_wait3A_62] : memref<10000x128xf32, #tpu.memory_space<hbm>> -> memref<10000x128xf32, #tpu.memory_space<hbm>>
      tpu.wait_indirect_dma semaphore(%arg14 : memref<!tpu.dma_semaphore, #tpu.memory_space<semaphore_mem>>) src(%dma_wait3A_63 : memref<10000x128xf32, #tpu.memory_space<hbm>>) dst(%arg11 : memref<128x128xf32, #tpu.memory_space<vmem>>)
      "tpu.region"() ({
        %run_scoped3A = tpu.sem_alloc : memref<!tpu.dma_semaphore, #tpu.memory_space<semaphore_mem>>
        %dma_start3A_64 = arith.constant 0 : i32
        %dma_start3A_65 = arith.constant 0 : i32
        %dma_start3A_66 = tpu.memref_slice %arg12[%dma_start3A_64, %dma_start3A_65] : memref<10112x128xf32, #tpu.memory_space<vmem_shared>> -> memref<10112x128xf32, #tpu.memory_space<vmem_shared>>
        tpu.enqueue_indirect_dma source(%arg11 : memref<128x128xf32, #tpu.memory_space<vmem>>) target(%dma_start3A_66 : memref<10112x128xf32, #tpu.memory_space<vmem_shared>>) offsets(%arg9 : memref<128xi32, #tpu.memory_space<vmem>>) semaphore(%run_scoped3A : memref<!tpu.dma_semaphore, #tpu.memory_space<semaphore_mem>>) {add = true}
        %dma_wait3A_67 = arith.constant 0 : i32
        %dma_wait3A_68 = arith.constant 0 : i32
        %dma_wait3A_69 = tpu.memref_slice %arg12[%dma_wait3A_67, %dma_wait3A_68] : memref<10112x128xf32, #tpu.memory_space<vmem_shared>> -> memref<10112x128xf32, #tpu.memory_space<vmem_shared>>
        tpu.wait_indirect_dma semaphore(%run_scoped3A : memref<!tpu.dma_semaphore, #tpu.memory_space<semaphore_mem>>) src(%arg11 : memref<128x128xf32, #tpu.memory_space<vmem>>) dst(%dma_wait3A_69 : memref<10112x128xf32, #tpu.memory_space<vmem_shared>>)
        tpu.yield
      }) : () -> ()
    }
    %while3A_37 = arith.constant 1 : i32
    scf.for %while3A_49 = %while3A_35 to %while3A_31 step %while3A_37  : i32 {
      %mul3A_50 = arith.muli %while3A_49, %while3A : i32
      %add3A_51 = arith.addi %mul3A_21, %mul3A_50 : i32
      %add3A_52 = arith.constant 128 : i32
      %add3A_53 = arith.addi %add3A_51, %add3A_52 : i32
      "tpu.region"() ({
        %run_scoped3A = tpu.sem_alloc : memref<!tpu.dma_semaphore, #tpu.memory_space<semaphore_mem>>
        %dma_start3A_64 = tpu.memref_slice %arg3[%add3A_51] : memref<320000xi32, #tpu.memory_space<hbm>> -> memref<128xi32, #tpu.memory_space<hbm>>
        %dma_start3A_65 = tpu.memref_slice %arg3[%add3A_51] : memref<320000xi32, #tpu.memory_space<hbm>> -> memref<128xi32, #tpu.memory_space<hbm>>
        tpu.enqueue_dma source(%dma_start3A_65 : memref<128xi32, #tpu.memory_space<hbm>>) target(%arg6 : memref<128xi32, #tpu.memory_space<vmem>>) target_semaphore(%run_scoped3A : memref<!tpu.dma_semaphore, #tpu.memory_space<semaphore_mem>>)
        %dma_wait3A_66 = tpu.memref_slice %arg3[%add3A_51] : memref<320000xi32, #tpu.memory_space<hbm>> -> memref<128xi32, #tpu.memory_space<hbm>>
        %dma_wait3A_67 = tpu.memref_slice %arg3[%add3A_51] : memref<320000xi32, #tpu.memory_space<hbm>> -> memref<128xi32, #tpu.memory_space<hbm>>
        tpu.wait_dma2 semaphore(%run_scoped3A : memref<!tpu.dma_semaphore, #tpu.memory_space<semaphore_mem>>) src(%dma_wait3A_67 : memref<128xi32, #tpu.memory_space<hbm>>) dst(%arg6 : memref<128xi32, #tpu.memory_space<vmem>>)
        tpu.yield
      }) : () -> ()
      "tpu.region"() ({
        %run_scoped3A = tpu.sem_alloc : memref<!tpu.dma_semaphore, #tpu.memory_space<semaphore_mem>>
        %dma_start3A_64 = tpu.memref_slice %arg4[%add3A_51] : memref<320000xi32, #tpu.memory_space<hbm>> -> memref<128xi32, #tpu.memory_space<hbm>>
        %dma_start3A_65 = tpu.memref_slice %arg4[%add3A_51] : memref<320000xi32, #tpu.memory_space<hbm>> -> memref<128xi32, #tpu.memory_space<hbm>>
        tpu.enqueue_dma source(%dma_start3A_65 : memref<128xi32, #tpu.memory_space<hbm>>) target(%arg7 : memref<128xi32, #tpu.memory_space<vmem>>) target_semaphore(%run_scoped3A : memref<!tpu.dma_semaphore, #tpu.memory_space<semaphore_mem>>)
        %dma_wait3A_66 = tpu.memref_slice %arg4[%add3A_51] : memref<320000xi32, #tpu.memory_space<hbm>> -> memref<128xi32, #tpu.memory_space<hbm>>
        %dma_wait3A_67 = tpu.memref_slice %arg4[%add3A_51] : memref<320000xi32, #tpu.memory_space<hbm>> -> memref<128xi32, #tpu.memory_space<hbm>>
        tpu.wait_dma2 semaphore(%run_scoped3A : memref<!tpu.dma_semaphore, #tpu.memory_space<semaphore_mem>>) src(%dma_wait3A_67 : memref<128xi32, #tpu.memory_space<hbm>>) dst(%arg7 : memref<128xi32, #tpu.memory_space<vmem>>)
        tpu.yield
      }) : () -> ()
      %dma_start3A = arith.constant 0 : i32
      %dma_start3A_54 = arith.constant 0 : i32
      %dma_start3A_55 = tpu.memref_slice %arg2[%dma_start3A, %dma_start3A_54] : memref<10000x128xf32, #tpu.memory_space<hbm>> -> memref<10000x128xf32, #tpu.memory_space<hbm>>
      tpu.enqueue_indirect_dma source(%dma_start3A_55 : memref<10000x128xf32, #tpu.memory_space<hbm>>) target(%arg10 : memref<128x128xf32, #tpu.memory_space<vmem>>) offsets(%arg6 : memref<128xi32, #tpu.memory_space<vmem>>) semaphore(%arg13 : memref<!tpu.dma_semaphore, #tpu.memory_space<semaphore_mem>>)
      "tpu.region"() ({
        %run_scoped3A = tpu.sem_alloc : memref<!tpu.dma_semaphore, #tpu.memory_space<semaphore_mem>>
        %dma_start3A_64 = tpu.memref_slice %arg3[%add3A_53] : memref<320000xi32, #tpu.memory_space<hbm>> -> memref<128xi32, #tpu.memory_space<hbm>>
        %dma_start3A_65 = tpu.memref_slice %arg3[%add3A_53] : memref<320000xi32, #tpu.memory_space<hbm>> -> memref<128xi32, #tpu.memory_space<hbm>>
        tpu.enqueue_dma source(%dma_start3A_65 : memref<128xi32, #tpu.memory_space<hbm>>) target(%arg8 : memref<128xi32, #tpu.memory_space<vmem>>) target_semaphore(%run_scoped3A : memref<!tpu.dma_semaphore, #tpu.memory_space<semaphore_mem>>)
        %dma_wait3A_66 = tpu.memref_slice %arg3[%add3A_53] : memref<320000xi32, #tpu.memory_space<hbm>> -> memref<128xi32, #tpu.memory_space<hbm>>
        %dma_wait3A_67 = tpu.memref_slice %arg3[%add3A_53] : memref<320000xi32, #tpu.memory_space<hbm>> -> memref<128xi32, #tpu.memory_space<hbm>>
        tpu.wait_dma2 semaphore(%run_scoped3A : memref<!tpu.dma_semaphore, #tpu.memory_space<semaphore_mem>>) src(%dma_wait3A_67 : memref<128xi32, #tpu.memory_space<hbm>>) dst(%arg8 : memref<128xi32, #tpu.memory_space<vmem>>)
        tpu.yield
      }) : () -> ()
      "tpu.region"() ({
        %run_scoped3A = tpu.sem_alloc : memref<!tpu.dma_semaphore, #tpu.memory_space<semaphore_mem>>
        %dma_start3A_64 = tpu.memref_slice %arg4[%add3A_53] : memref<320000xi32, #tpu.memory_space<hbm>> -> memref<128xi32, #tpu.memory_space<hbm>>
        %dma_start3A_65 = tpu.memref_slice %arg4[%add3A_53] : memref<320000xi32, #tpu.memory_space<hbm>> -> memref<128xi32, #tpu.memory_space<hbm>>
        tpu.enqueue_dma source(%dma_start3A_65 : memref<128xi32, #tpu.memory_space<hbm>>) target(%arg9 : memref<128xi32, #tpu.memory_space<vmem>>) target_semaphore(%run_scoped3A : memref<!tpu.dma_semaphore, #tpu.memory_space<semaphore_mem>>)
        %dma_wait3A_66 = tpu.memref_slice %arg4[%add3A_53] : memref<320000xi32, #tpu.memory_space<hbm>> -> memref<128xi32, #tpu.memory_space<hbm>>
        %dma_wait3A_67 = tpu.memref_slice %arg4[%add3A_53] : memref<320000xi32, #tpu.memory_space<hbm>> -> memref<128xi32, #tpu.memory_space<hbm>>
        tpu.wait_dma2 semaphore(%run_scoped3A : memref<!tpu.dma_semaphore, #tpu.memory_space<semaphore_mem>>) src(%dma_wait3A_67 : memref<128xi32, #tpu.memory_space<hbm>>) dst(%arg9 : memref<128xi32, #tpu.memory_space<vmem>>)
        tpu.yield
      }) : () -> ()
      %dma_start3A_56 = arith.constant 0 : i32
      %dma_start3A_57 = arith.constant 0 : i32
      %dma_start3A_58 = tpu.memref_slice %arg2[%dma_start3A_56, %dma_start3A_57] : memref<10000x128xf32, #tpu.memory_space<hbm>> -> memref<10000x128xf32, #tpu.memory_space<hbm>>
      tpu.enqueue_indirect_dma source(%dma_start3A_58 : memref<10000x128xf32, #tpu.memory_space<hbm>>) target(%arg11 : memref<128x128xf32, #tpu.memory_space<vmem>>) offsets(%arg8 : memref<128xi32, #tpu.memory_space<vmem>>) semaphore(%arg14 : memref<!tpu.dma_semaphore, #tpu.memory_space<semaphore_mem>>)
      %dma_wait3A = arith.constant 0 : i32
      %dma_wait3A_59 = arith.constant 0 : i32
      %dma_wait3A_60 = tpu.memref_slice %arg2[%dma_wait3A, %dma_wait3A_59] : memref<10000x128xf32, #tpu.memory_space<hbm>> -> memref<10000x128xf32, #tpu.memory_space<hbm>>
      tpu.wait_indirect_dma semaphore(%arg13 : memref<!tpu.dma_semaphore, #tpu.memory_space<semaphore_mem>>) src(%dma_wait3A_60 : memref<10000x128xf32, #tpu.memory_space<hbm>>) dst(%arg10 : memref<128x128xf32, #tpu.memory_space<vmem>>)
      "tpu.region"() ({
        %run_scoped3A = tpu.sem_alloc : memref<!tpu.dma_semaphore, #tpu.memory_space<semaphore_mem>>
        %dma_start3A_64 = arith.constant 0 : i32
        %dma_start3A_65 = arith.constant 0 : i32
        %dma_start3A_66 = tpu.memref_slice %arg12[%dma_start3A_64, %dma_start3A_65] : memref<10112x128xf32, #tpu.memory_space<vmem_shared>> -> memref<10112x128xf32, #tpu.memory_space<vmem_shared>>
        tpu.enqueue_indirect_dma source(%arg10 : memref<128x128xf32, #tpu.memory_space<vmem>>) target(%dma_start3A_66 : memref<10112x128xf32, #tpu.memory_space<vmem_shared>>) offsets(%arg7 : memref<128xi32, #tpu.memory_space<vmem>>) semaphore(%run_scoped3A : memref<!tpu.dma_semaphore, #tpu.memory_space<semaphore_mem>>) {add = true}
        %dma_wait3A_67 = arith.constant 0 : i32
        %dma_wait3A_68 = arith.constant 0 : i32
        %dma_wait3A_69 = tpu.memref_slice %arg12[%dma_wait3A_67, %dma_wait3A_68] : memref<10112x128xf32, #tpu.memory_space<vmem_shared>> -> memref<10112x128xf32, #tpu.memory_space<vmem_shared>>
        tpu.wait_indirect_dma semaphore(%run_scoped3A : memref<!tpu.dma_semaphore, #tpu.memory_space<semaphore_mem>>) src(%arg10 : memref<128x128xf32, #tpu.memory_space<vmem>>) dst(%dma_wait3A_69 : memref<10112x128xf32, #tpu.memory_space<vmem_shared>>)
        tpu.yield
      }) : () -> ()
      %dma_wait3A_61 = arith.constant 0 : i32
      %dma_wait3A_62 = arith.constant 0 : i32
      %dma_wait3A_63 = tpu.memref_slice %arg2[%dma_wait3A_61, %dma_wait3A_62] : memref<10000x128xf32, #tpu.memory_space<hbm>> -> memref<10000x128xf32, #tpu.memory_space<hbm>>
      tpu.wait_indirect_dma semaphore(%arg14 : memref<!tpu.dma_semaphore, #tpu.memory_space<semaphore_mem>>) src(%dma_wait3A_63 : memref<10000x128xf32, #tpu.memory_space<hbm>>) dst(%arg11 : memref<128x128xf32, #tpu.memory_space<vmem>>)
      "tpu.region"() ({
        %run_scoped3A = tpu.sem_alloc : memref<!tpu.dma_semaphore, #tpu.memory_space<semaphore_mem>>
        %dma_start3A_64 = arith.constant 0 : i32
        %dma_start3A_65 = arith.constant 0 : i32
        %dma_start3A_66 = tpu.memref_slice %arg12[%dma_start3A_64, %dma_start3A_65] : memref<10112x128xf32, #tpu.memory_space<vmem_shared>> -> memref<10112x128xf32, #tpu.memory_space<vmem_shared>>
        tpu.enqueue_indirect_dma source(%arg11 : memref<128x128xf32, #tpu.memory_space<vmem>>) target(%dma_start3A_66 : memref<10112x128xf32, #tpu.memory_space<vmem_shared>>) offsets(%arg9 : memref<128xi32, #tpu.memory_space<vmem>>) semaphore(%run_scoped3A : memref<!tpu.dma_semaphore, #tpu.memory_space<semaphore_mem>>) {add = true}
        %dma_wait3A_67 = arith.constant 0 : i32
        %dma_wait3A_68 = arith.constant 0 : i32
        %dma_wait3A_69 = tpu.memref_slice %arg12[%dma_wait3A_67, %dma_wait3A_68] : memref<10112x128xf32, #tpu.memory_space<vmem_shared>> -> memref<10112x128xf32, #tpu.memory_space<vmem_shared>>
        tpu.wait_indirect_dma semaphore(%run_scoped3A : memref<!tpu.dma_semaphore, #tpu.memory_space<semaphore_mem>>) src(%arg11 : memref<128x128xf32, #tpu.memory_space<vmem>>) dst(%dma_wait3A_69 : memref<10112x128xf32, #tpu.memory_space<vmem_shared>>)
        tpu.yield
      }) : () -> ()
    }
    %barrier3A_38 = arith.constant 0 : index
    tpu.barrier barrier_id(%barrier3A_38)
    %add3A_39 = arith.constant 632 : i32
    %add3A_40 = arith.addi %mul3A_6, %add3A_39 : i32
    %le3A = arith.constant 10000 : i32
    %le3A_41 = arith.cmpi sle, %add3A_40, %le3A : i32
    %convert_element_type3A = arith.extui %le3A_41 : i1 to i32
    %cond3A = arith.constant 0 : i32
    %cond3A_42 = arith.cmpi ne, %convert_element_type3A, %cond3A : i32
    scf.if %cond3A_42 {
      "tpu.region"() ({
        %run_scoped3A = tpu.sem_alloc : memref<!tpu.dma_semaphore, #tpu.memory_space<semaphore_mem>>
        %dma_start3A = arith.constant 0 : i32
        %dma_start3A_49 = tpu.memref_slice %arg5[%arg0, %mul3A_6, %dma_start3A] : memref<2x10000x128xf32, #tpu.memory_space<hbm>> -> memref<1x632x128xf32, #tpu.memory_space<hbm>>
        %dma_start3A_50 = tpu.memref_squeeze %dma_start3A_49 : memref<1x632x128xf32, #tpu.memory_space<hbm>> -> memref<632x128xf32, #tpu.memory_space<hbm>>
        %dma_start3A_51 = arith.constant 0 : i32
        %dma_start3A_52 = tpu.memref_slice %arg12[%mul3A_6, %dma_start3A_51] : memref<10112x128xf32, #tpu.memory_space<vmem_shared>> -> memref<632x128xf32, #tpu.memory_space<vmem_shared>>
        tpu.enqueue_dma source(%dma_start3A_52 : memref<632x128xf32, #tpu.memory_space<vmem_shared>>) target(%dma_start3A_50 : memref<632x128xf32, #tpu.memory_space<hbm>>) target_semaphore(%run_scoped3A : memref<!tpu.dma_semaphore, #tpu.memory_space<semaphore_mem>>)
        %dma_wait3A = arith.constant 0 : i32
        %dma_wait3A_53 = tpu.memref_slice %arg5[%arg0, %mul3A_6, %dma_wait3A] : memref<2x10000x128xf32, #tpu.memory_space<hbm>> -> memref<1x632x128xf32, #tpu.memory_space<hbm>>
        %dma_wait3A_54 = tpu.memref_squeeze %dma_wait3A_53 : memref<1x632x128xf32, #tpu.memory_space<hbm>> -> memref<632x128xf32, #tpu.memory_space<hbm>>
        %dma_wait3A_55 = arith.constant 0 : i32
        %dma_wait3A_56 = tpu.memref_slice %arg12[%mul3A_6, %dma_wait3A_55] : memref<10112x128xf32, #tpu.memory_space<vmem_shared>> -> memref<632x128xf32, #tpu.memory_space<vmem_shared>>
        tpu.wait_dma2 semaphore(%run_scoped3A : memref<!tpu.dma_semaphore, #tpu.memory_space<semaphore_mem>>) src(%dma_wait3A_56 : memref<632x128xf32, #tpu.memory_space<vmem_shared>>) dst(%dma_wait3A_54 : memref<632x128xf32, #tpu.memory_space<hbm>>)
        tpu.yield
      }) : () -> ()
    } else {
    }
    %add3A_43 = arith.constant 632 : i32
    %add3A_44 = arith.addi %mul3A_6, %add3A_43 : i32
    %gt3A = arith.constant 10000 : i32
    %gt3A_45 = arith.cmpi sgt, %add3A_44, %gt3A : i32
    %convert_element_type3A_46 = arith.extui %gt3A_45 : i1 to i32
    %cond3A_47 = arith.constant 0 : i32
    %cond3A_48 = arith.cmpi ne, %convert_element_type3A_46, %cond3A_47 : i32
    scf.if %cond3A_48 {
      "tpu.region"() ({
        %run_scoped3A = tpu.sem_alloc : memref<!tpu.dma_semaphore, #tpu.memory_space<semaphore_mem>>
        %dma_start3A = arith.constant 0 : i32
        %dma_start3A_49 = tpu.memref_slice %arg5[%arg0, %mul3A_6, %dma_start3A] : memref<2x10000x128xf32, #tpu.memory_space<hbm>> -> memref<1x520x128xf32, #tpu.memory_space<hbm>>
        %dma_start3A_50 = tpu.memref_squeeze %dma_start3A_49 : memref<1x520x128xf32, #tpu.memory_space<hbm>> -> memref<520x128xf32, #tpu.memory_space<hbm>>
        %dma_start3A_51 = arith.constant 0 : i32
        %dma_start3A_52 = tpu.memref_slice %arg12[%mul3A_6, %dma_start3A_51] : memref<10112x128xf32, #tpu.memory_space<vmem_shared>> -> memref<520x128xf32, #tpu.memory_space<vmem_shared>>
        tpu.enqueue_dma source(%dma_start3A_52 : memref<520x128xf32, #tpu.memory_space<vmem_shared>>) target(%dma_start3A_50 : memref<520x128xf32, #tpu.memory_space<hbm>>) target_semaphore(%run_scoped3A : memref<!tpu.dma_semaphore, #tpu.memory_space<semaphore_mem>>)
        %dma_wait3A = arith.constant 0 : i32
        %dma_wait3A_53 = tpu.memref_slice %arg5[%arg0, %mul3A_6, %dma_wait3A] : memref<2x10000x128xf32, #tpu.memory_space<hbm>> -> memref<1x520x128xf32, #tpu.memory_space<hbm>>
        %dma_wait3A_54 = tpu.memref_squeeze %dma_wait3A_53 : memref<1x520x128xf32, #tpu.memory_space<hbm>> -> memref<520x128xf32, #tpu.memory_space<hbm>>
        %dma_wait3A_55 = arith.constant 0 : i32
        %dma_wait3A_56 = tpu.memref_slice %arg12[%mul3A_6, %dma_wait3A_55] : memref<10112x128xf32, #tpu.memory_space<vmem_shared>> -> memref<520x128xf32, #tpu.memory_space<vmem_shared>>
        tpu.wait_dma2 semaphore(%run_scoped3A : memref<!tpu.dma_semaphore, #tpu.memory_space<semaphore_mem>>) src(%dma_wait3A_56 : memref<520x128xf32, #tpu.memory_space<vmem_shared>>) dst(%dma_wait3A_54 : memref<520x128xf32, #tpu.memory_space<hbm>>)
        tpu.yield
      }) : () -> ()
    } else {
    }
    return
  }
}

#map = affine_map<(d0, d1) -> (0, 0)>
#map1 = affine_map<(d0, d1) -> (0)>
#map2 = affine_map<(d0, d1) -> (0, 0, 0)>
module attributes {stable_mosaic.version = 14 : i64} {
  func.func @seg_kernel(%arg0: i32, %arg1: i32, %arg2: memref<10000x128xf32, #tpu.memory_space<hbm>>, %arg3: memref<320000xi32, #tpu.memory_space<hbm>>, %arg4: memref<320000xi32, #tpu.memory_space<hbm>>, %arg5: memref<2x10000x128xf32, #tpu.memory_space<hbm>>, %arg6: memref<128xi32, #tpu.memory_space<vmem>>, %arg7: memref<128xi32, #tpu.memory_space<vmem>>, %arg8: memref<128xi32, #tpu.memory_space<vmem>>, %arg9: memref<128xi32, #tpu.memory_space<vmem>>, %arg10: memref<128x128xf32, #tpu.memory_space<vmem>>, %arg11: memref<128x128xf32, #tpu.memory_space<vmem>>, %arg12: memref<10112x128xf32, #tpu.memory_space<vmem_shared>>, %arg13: memref<!tpu.dma_semaphore, #tpu.memory_space<semaphore_mem>>, %arg14: memref<!tpu.dma_semaphore, #tpu.memory_space<semaphore_mem>>) attributes {dimension_semantics = [#tpu.dimension_semantics<core_parallel>, #tpu.dimension_semantics<subcore_parallel>], iteration_bounds = array<i64: 2, 16>, scalar_prefetch = 0 : i64, scratch_operands = 9 : i64, tpu.core_type = #tpu.core_type<sc_vector_subcore>, window_params = [{transform_indices = #map}, {transform_indices = #map1}, {transform_indices = #map1}, {transform_indices = #map2}]} {
    %mul3A = arith.constant 2 : i32
    %mul3A_0 = arith.muli %arg1, %mul3A : i32
    %add3A = arith.addi %mul3A_0, %arg0 : i32
    %scan3A = arith.constant 0 : i32
    %scan3A_1 = arith.constant 128 : i32
    %scan3A_2 = arith.addi %scan3A, %scan3A_1 : i32
    %scan3A_3 = arith.constant 1 : i32
    scf.for %scan3A_49 = %scan3A to %scan3A_2 step %scan3A_3  : i32 {
      %mul3A_50 = arith.constant 1 : i32
      %mul3A_51 = arith.muli %scan3A_49, %mul3A_50 : i32
      %add3A_52 = arith.constant 0 : i32
      %add3A_53 = arith.addi %add3A_52, %mul3A_51 : i32
      %scan3A_54 = arith.constant 0 : i32
      %scan3A_55 = arith.constant 8 : i32
      %scan3A_56 = arith.addi %scan3A_54, %scan3A_55 : i32
      %scan3A_57 = arith.constant 1 : i32
      scf.for %scan3A_59 = %scan3A_54 to %scan3A_56 step %scan3A_57  : i32 {
        %mul3A_60 = arith.constant 16 : i32
        %mul3A_61 = arith.muli %scan3A_59, %mul3A_60 : i32
        %add3A_62 = arith.constant 0 : i32
        %add3A_63 = arith.addi %add3A_62, %mul3A_61 : i32
        %broadcast_in_dim3A = arith.constant 0.000000e+00 : f32
        %broadcast_in_dim3A_64 = vector.broadcast %broadcast_in_dim3A : f32 to vector<16xf32>
        %swap3A = arith.index_cast %add3A_53 : i32 to index
        %swap3A_65 = arith.index_cast %add3A_63 : i32 to index
        %swap3A_66 = tpu.vector_load %arg10[%swap3A, %swap3A_65] {strides = array<i32>} : memref<128x128xf32, #tpu.memory_space<vmem>>, vector<1x16xf32>,
        %swap3A_67 = vector.shape_cast %swap3A_66 : vector<1x16xf32> to vector<16xf32>
        %swap3A_68 = vector.shape_cast %broadcast_in_dim3A_64 : vector<16xf32> to vector<1x16xf32>
        tpu.vector_store %arg10[%swap3A, %swap3A_65], %swap3A_68 {strides = array<i32>} : memref<128x128xf32, #tpu.memory_space<vmem>>, vector<1x16xf32>,
      }
      %scan3A_58 = arith.constant 8 : i32
    }
    %scan3A_4 = arith.constant 128 : i32
    %mul3A_5 = arith.constant 632 : i32
    %mul3A_6 = arith.muli %arg1, %mul3A_5 : i32
    %add3A_7 = arith.constant 0 : i32
    %add3A_8 = arith.addi %mul3A_6, %add3A_7 : i32
    "tpu.region"() ({
      %run_scoped3A = tpu.sem_alloc : memref<!tpu.dma_semaphore, #tpu.memory_space<semaphore_mem>>
      %dma_start3A = arith.constant 0 : i32
      %dma_start3A_49 = tpu.memref_slice %arg12[%add3A_8, %dma_start3A] : memref<10112x128xf32, #tpu.memory_space<vmem_shared>> -> memref<128x128xf32, #tpu.memory_space<vmem_shared>>
      %dma_start3A_50 = arith.constant 0 : i32
      %dma_start3A_51 = tpu.memref_slice %arg12[%add3A_8, %dma_start3A_50] : memref<10112x128xf32, #tpu.memory_space<vmem_shared>> -> memref<128x128xf32, #tpu.memory_space<vmem_shared>>
      tpu.enqueue_dma source(%arg10 : memref<128x128xf32, #tpu.memory_space<vmem>>) target(%dma_start3A_51 : memref<128x128xf32, #tpu.memory_space<vmem_shared>>) target_semaphore(%run_scoped3A : memref<!tpu.dma_semaphore, #tpu.memory_space<semaphore_mem>>)
      %dma_wait3A = arith.constant 0 : i32
      %dma_wait3A_52 = tpu.memref_slice %arg12[%add3A_8, %dma_wait3A] : memref<10112x128xf32, #tpu.memory_space<vmem_shared>> -> memref<128x128xf32, #tpu.memory_space<vmem_shared>>
      %dma_wait3A_53 = arith.constant 0 : i32
      %dma_wait3A_54 = tpu.memref_slice %arg12[%add3A_8, %dma_wait3A_53] : memref<10112x128xf32, #tpu.memory_space<vmem_shared>> -> memref<128x128xf32, #tpu.memory_space<vmem_shared>>
      tpu.wait_dma2 semaphore(%run_scoped3A : memref<!tpu.dma_semaphore, #tpu.memory_space<semaphore_mem>>) src(%arg10 : memref<128x128xf32, #tpu.memory_space<vmem>>) dst(%dma_wait3A_54 : memref<128x128xf32, #tpu.memory_space<vmem_shared>>)
      tpu.yield
    }) : () -> ()
    %add3A_9 = arith.constant 128 : i32
    %add3A_10 = arith.addi %mul3A_6, %add3A_9 : i32
    "tpu.region"() ({
      %run_scoped3A = tpu.sem_alloc : memref<!tpu.dma_semaphore, #tpu.memory_space<semaphore_mem>>
      %dma_start3A = arith.constant 0 : i32
      %dma_start3A_49 = tpu.memref_slice %arg12[%add3A_10, %dma_start3A] : memref<10112x128xf32, #tpu.memory_space<vmem_shared>> -> memref<128x128xf32, #tpu.memory_space<vmem_shared>>
      %dma_start3A_50 = arith.constant 0 : i32
      %dma_start3A_51 = tpu.memref_slice %arg12[%add3A_10, %dma_start3A_50] : memref<10112x128xf32, #tpu.memory_space<vmem_shared>> -> memref<128x128xf32, #tpu.memory_space<vmem_shared>>
      tpu.enqueue_dma source(%arg10 : memref<128x128xf32, #tpu.memory_space<vmem>>) target(%dma_start3A_51 : memref<128x128xf32, #tpu.memory_space<vmem_shared>>) target_semaphore(%run_scoped3A : memref<!tpu.dma_semaphore, #tpu.memory_space<semaphore_mem>>)
      %dma_wait3A = arith.constant 0 : i32
      %dma_wait3A_52 = tpu.memref_slice %arg12[%add3A_10, %dma_wait3A] : memref<10112x128xf32, #tpu.memory_space<vmem_shared>> -> memref<128x128xf32, #tpu.memory_space<vmem_shared>>
      %dma_wait3A_53 = arith.constant 0 : i32
      %dma_wait3A_54 = tpu.memref_slice %arg12[%add3A_10, %dma_wait3A_53] : memref<10112x128xf32, #tpu.memory_space<vmem_shared>> -> memref<128x128xf32, #tpu.memory_space<vmem_shared>>
      tpu.wait_dma2 semaphore(%run_scoped3A : memref<!tpu.dma_semaphore, #tpu.memory_space<semaphore_mem>>) src(%arg10 : memref<128x128xf32, #tpu.memory_space<vmem>>) dst(%dma_wait3A_54 : memref<128x128xf32, #tpu.memory_space<vmem_shared>>)
      tpu.yield
    }) : () -> ()
    %add3A_11 = arith.constant 256 : i32
    %add3A_12 = arith.addi %mul3A_6, %add3A_11 : i32
    "tpu.region"() ({
      %run_scoped3A = tpu.sem_alloc : memref<!tpu.dma_semaphore, #tpu.memory_space<semaphore_mem>>
      %dma_start3A = arith.constant 0 : i32
      %dma_start3A_49 = tpu.memref_slice %arg12[%add3A_12, %dma_start3A] : memref<10112x128xf32, #tpu.memory_space<vmem_shared>> -> memref<128x128xf32, #tpu.memory_space<vmem_shared>>
      %dma_start3A_50 = arith.constant 0 : i32
      %dma_start3A_51 = tpu.memref_slice %arg12[%add3A_12, %dma_start3A_50] : memref<10112x128xf32, #tpu.memory_space<vmem_shared>> -> memref<128x128xf32, #tpu.memory_space<vmem_shared>>
      tpu.enqueue_dma source(%arg10 : memref<128x128xf32, #tpu.memory_space<vmem>>) target(%dma_start3A_51 : memref<128x128xf32, #tpu.memory_space<vmem_shared>>) target_semaphore(%run_scoped3A : memref<!tpu.dma_semaphore, #tpu.memory_space<semaphore_mem>>)
      %dma_wait3A = arith.constant 0 : i32
      %dma_wait3A_52 = tpu.memref_slice %arg12[%add3A_12, %dma_wait3A] : memref<10112x128xf32, #tpu.memory_space<vmem_shared>> -> memref<128x128xf32, #tpu.memory_space<vmem_shared>>
      %dma_wait3A_53 = arith.constant 0 : i32
      %dma_wait3A_54 = tpu.memref_slice %arg12[%add3A_12, %dma_wait3A_53] : memref<10112x128xf32, #tpu.memory_space<vmem_shared>> -> memref<128x128xf32, #tpu.memory_space<vmem_shared>>
      tpu.wait_dma2 semaphore(%run_scoped3A : memref<!tpu.dma_semaphore, #tpu.memory_space<semaphore_mem>>) src(%arg10 : memref<128x128xf32, #tpu.memory_space<vmem>>) dst(%dma_wait3A_54 : memref<128x128xf32, #tpu.memory_space<vmem_shared>>)
      tpu.yield
    }) : () -> ()
    %add3A_13 = arith.constant 384 : i32
    %add3A_14 = arith.addi %mul3A_6, %add3A_13 : i32
    "tpu.region"() ({
      %run_scoped3A = tpu.sem_alloc : memref<!tpu.dma_semaphore, #tpu.memory_space<semaphore_mem>>
      %dma_start3A = arith.constant 0 : i32
      %dma_start3A_49 = tpu.memref_slice %arg12[%add3A_14, %dma_start3A] : memref<10112x128xf32, #tpu.memory_space<vmem_shared>> -> memref<128x128xf32, #tpu.memory_space<vmem_shared>>
      %dma_start3A_50 = arith.constant 0 : i32
      %dma_start3A_51 = tpu.memref_slice %arg12[%add3A_14, %dma_start3A_50] : memref<10112x128xf32, #tpu.memory_space<vmem_shared>> -> memref<128x128xf32, #tpu.memory_space<vmem_shared>>
      tpu.enqueue_dma source(%arg10 : memref<128x128xf32, #tpu.memory_space<vmem>>) target(%dma_start3A_51 : memref<128x128xf32, #tpu.memory_space<vmem_shared>>) target_semaphore(%run_scoped3A : memref<!tpu.dma_semaphore, #tpu.memory_space<semaphore_mem>>)
      %dma_wait3A = arith.constant 0 : i32
      %dma_wait3A_52 = tpu.memref_slice %arg12[%add3A_14, %dma_wait3A] : memref<10112x128xf32, #tpu.memory_space<vmem_shared>> -> memref<128x128xf32, #tpu.memory_space<vmem_shared>>
      %dma_wait3A_53 = arith.constant 0 : i32
      %dma_wait3A_54 = tpu.memref_slice %arg12[%add3A_14, %dma_wait3A_53] : memref<10112x128xf32, #tpu.memory_space<vmem_shared>> -> memref<128x128xf32, #tpu.memory_space<vmem_shared>>
      tpu.wait_dma2 semaphore(%run_scoped3A : memref<!tpu.dma_semaphore, #tpu.memory_space<semaphore_mem>>) src(%arg10 : memref<128x128xf32, #tpu.memory_space<vmem>>) dst(%dma_wait3A_54 : memref<128x128xf32, #tpu.memory_space<vmem_shared>>)
      tpu.yield
    }) : () -> ()
    %add3A_15 = arith.constant 632 : i32
    %add3A_16 = arith.addi %mul3A_6, %add3A_15 : i32
    %sub3A = arith.constant 120 : i32
    %sub3A_17 = arith.subi %add3A_16, %sub3A : i32
    "tpu.region"() ({
      %run_scoped3A = tpu.sem_alloc : memref<!tpu.dma_semaphore, #tpu.memory_space<semaphore_mem>>
      %dma_start3A = arith.constant 0 : i32
      %dma_start3A_49 = arith.constant 0 : i32
      %dma_start3A_50 = tpu.memref_slice %arg10[%dma_start3A, %dma_start3A_49] : memref<128x128xf32, #tpu.memory_space<vmem>> -> memref<120x128xf32, #tpu.memory_space<vmem>>
      %dma_start3A_51 = arith.constant 0 : i32
      %dma_start3A_52 = tpu.memref_slice %arg12[%sub3A_17, %dma_start3A_51] : memref<10112x128xf32, #tpu.memory_space<vmem_shared>> -> memref<120x128xf32, #tpu.memory_space<vmem_shared>>
      %dma_start3A_53 = arith.constant 0 : i32
      %dma_start3A_54 = tpu.memref_slice %arg12[%sub3A_17, %dma_start3A_53] : memref<10112x128xf32, #tpu.memory_space<vmem_shared>> -> memref<120x128xf32, #tpu.memory_space<vmem_shared>>
      %dma_start3A_55 = arith.constant 0 : i32
      %dma_start3A_56 = arith.constant 0 : i32
      %dma_start3A_57 = tpu.memref_slice %arg10[%dma_start3A_55, %dma_start3A_56] : memref<128x128xf32, #tpu.memory_space<vmem>> -> memref<120x128xf32, #tpu.memory_space<vmem>>
      tpu.enqueue_dma source(%dma_start3A_57 : memref<120x128xf32, #tpu.memory_space<vmem>>) target(%dma_start3A_54 : memref<120x128xf32, #tpu.memory_space<vmem_shared>>) target_semaphore(%run_scoped3A : memref<!tpu.dma_semaphore, #tpu.memory_space<semaphore_mem>>)
      %dma_wait3A = arith.constant 0 : i32
      %dma_wait3A_58 = arith.constant 0 : i32
      %dma_wait3A_59 = tpu.memref_slice %arg10[%dma_wait3A, %dma_wait3A_58] : memref<128x128xf32, #tpu.memory_space<vmem>> -> memref<120x128xf32, #tpu.memory_space<vmem>>
      %dma_wait3A_60 = arith.constant 0 : i32
      %dma_wait3A_61 = tpu.memref_slice %arg12[%sub3A_17, %dma_wait3A_60] : memref<10112x128xf32, #tpu.memory_space<vmem_shared>> -> memref<120x128xf32, #tpu.memory_space<vmem_shared>>
      %dma_wait3A_62 = arith.constant 0 : i32
      %dma_wait3A_63 = tpu.memref_slice %arg12[%sub3A_17, %dma_wait3A_62] : memref<10112x128xf32, #tpu.memory_space<vmem_shared>> -> memref<120x128xf32, #tpu.memory_space<vmem_shared>>
      %dma_wait3A_64 = arith.constant 0 : i32
      %dma_wait3A_65 = arith.constant 0 : i32
      %dma_wait3A_66 = tpu.memref_slice %arg10[%dma_wait3A_64, %dma_wait3A_65] : memref<128x128xf32, #tpu.memory_space<vmem>> -> memref<120x128xf32, #tpu.memory_space<vmem>>
      tpu.wait_dma2 semaphore(%run_scoped3A : memref<!tpu.dma_semaphore, #tpu.memory_space<semaphore_mem>>) src(%dma_wait3A_66 : memref<120x128xf32, #tpu.memory_space<vmem>>) dst(%dma_wait3A_63 : memref<120x128xf32, #tpu.memory_space<vmem_shared>>)
      tpu.yield
    }) : () -> ()
    %barrier3A = arith.constant 0 : index
    tpu.barrier barrier_id(%barrier3A)
    %mul3A_18 = arith.constant 2 : i32
    %mul3A_19 = arith.muli %add3A, %mul3A_18 : i32
    %mul3A_20 = arith.constant 128 : i32
    %mul3A_21 = arith.muli %mul3A_19, %mul3A_20 : i32
    %sub3A_22 = arith.constant 320000 : i32
    %sub3A_23 = arith.subi %sub3A_22, %mul3A_21 : i32
    %sub3A_24 = arith.constant 8192 : i32
    %sub3A_25 = arith.constant 1 : i32
    %sub3A_26 = arith.subi %sub3A_24, %sub3A_25 : i32
    %add3A_27 = arith.addi %sub3A_23, %sub3A_26 : i32
    %div3A = arith.constant 8192 : i32
    %div3A_28 = arith.divsi %add3A_27, %div3A : i32
    %while3A = arith.constant 8192 : i32
    %while3A_29 = arith.constant 0 : i32
    %while3A_30 = arith.subi %div3A_28, %while3A_29 : i32
    %while3A_31 = arith.addi %while3A_29, %while3A_30 : i32
    %while3A_32 = arith.constant 1 : i32
    %while3A_33 = arith.divsi %while3A_30, %while3A_32 : i32
    %while3A_34 = arith.muli %while3A_33, %while3A_32 : i32
    %while3A_35 = arith.addi %while3A_29, %while3A_34 : i32
    %while3A_36 = arith.constant 1 : i32
    scf.for %while3A_49 = %while3A_29 to %while3A_35 step %while3A_36  : i32 {
      %mul3A_50 = arith.muli %while3A_49, %while3A : i32
      %add3A_51 = arith.addi %mul3A_21, %mul3A_50 : i32
      %add3A_52 = arith.constant 128 : i32
      %add3A_53 = arith.addi %add3A_51, %add3A_52 : i32
      "tpu.region"() ({
        %run_scoped3A = tpu.sem_alloc : memref<!tpu.dma_semaphore, #tpu.memory_space<semaphore_mem>>
        %dma_start3A_64 = tpu.memref_slice %arg3[%add3A_51] : memref<320000xi32, #tpu.memory_space<hbm>> -> memref<128xi32, #tpu.memory_space<hbm>>
        %dma_start3A_65 = tpu.memref_slice %arg3[%add3A_51] : memref<320000xi32, #tpu.memory_space<hbm>> -> memref<128xi32, #tpu.memory_space<hbm>>
        tpu.enqueue_dma source(%dma_start3A_65 : memref<128xi32, #tpu.memory_space<hbm>>) target(%arg6 : memref<128xi32, #tpu.memory_space<vmem>>) target_semaphore(%run_scoped3A : memref<!tpu.dma_semaphore, #tpu.memory_space<semaphore_mem>>)
        %dma_wait3A_66 = tpu.memref_slice %arg3[%add3A_51] : memref<320000xi32, #tpu.memory_space<hbm>> -> memref<128xi32, #tpu.memory_space<hbm>>
        %dma_wait3A_67 = tpu.memref_slice %arg3[%add3A_51] : memref<320000xi32, #tpu.memory_space<hbm>> -> memref<128xi32, #tpu.memory_space<hbm>>
        tpu.wait_dma2 semaphore(%run_scoped3A : memref<!tpu.dma_semaphore, #tpu.memory_space<semaphore_mem>>) src(%dma_wait3A_67 : memref<128xi32, #tpu.memory_space<hbm>>) dst(%arg6 : memref<128xi32, #tpu.memory_space<vmem>>)
        tpu.yield
      }) : () -> ()
      "tpu.region"() ({
        %run_scoped3A = tpu.sem_alloc : memref<!tpu.dma_semaphore, #tpu.memory_space<semaphore_mem>>
        %dma_start3A_64 = tpu.memref_slice %arg4[%add3A_51] : memref<320000xi32, #tpu.memory_space<hbm>> -> memref<128xi32, #tpu.memory_space<hbm>>
        %dma_start3A_65 = tpu.memref_slice %arg4[%add3A_51] : memref<320000xi32, #tpu.memory_space<hbm>> -> memref<128xi32, #tpu.memory_space<hbm>>
        tpu.enqueue_dma source(%dma_start3A_65 : memref<128xi32, #tpu.memory_space<hbm>>) target(%arg7 : memref<128xi32, #tpu.memory_space<vmem>>) target_semaphore(%run_scoped3A : memref<!tpu.dma_semaphore, #tpu.memory_space<semaphore_mem>>)
        %dma_wait3A_66 = tpu.memref_slice %arg4[%add3A_51] : memref<320000xi32, #tpu.memory_space<hbm>> -> memref<128xi32, #tpu.memory_space<hbm>>
        %dma_wait3A_67 = tpu.memref_slice %arg4[%add3A_51] : memref<320000xi32, #tpu.memory_space<hbm>> -> memref<128xi32, #tpu.memory_space<hbm>>
        tpu.wait_dma2 semaphore(%run_scoped3A : memref<!tpu.dma_semaphore, #tpu.memory_space<semaphore_mem>>) src(%dma_wait3A_67 : memref<128xi32, #tpu.memory_space<hbm>>) dst(%arg7 : memref<128xi32, #tpu.memory_space<vmem>>)
        tpu.yield
      }) : () -> ()
      %dma_start3A = arith.constant 0 : i32
      %dma_start3A_54 = arith.constant 0 : i32
      %dma_start3A_55 = tpu.memref_slice %arg2[%dma_start3A, %dma_start3A_54] : memref<10000x128xf32, #tpu.memory_space<hbm>> -> memref<10000x128xf32, #tpu.memory_space<hbm>>
      tpu.enqueue_indirect_dma source(%dma_start3A_55 : memref<10000x128xf32, #tpu.memory_space<hbm>>) target(%arg10 : memref<128x128xf32, #tpu.memory_space<vmem>>) offsets(%arg6 : memref<128xi32, #tpu.memory_space<vmem>>) semaphore(%arg13 : memref<!tpu.dma_semaphore, #tpu.memory_space<semaphore_mem>>)
      "tpu.region"() ({
        %run_scoped3A = tpu.sem_alloc : memref<!tpu.dma_semaphore, #tpu.memory_space<semaphore_mem>>
        %dma_start3A_64 = tpu.memref_slice %arg3[%add3A_53] : memref<320000xi32, #tpu.memory_space<hbm>> -> memref<128xi32, #tpu.memory_space<hbm>>
        %dma_start3A_65 = tpu.memref_slice %arg3[%add3A_53] : memref<320000xi32, #tpu.memory_space<hbm>> -> memref<128xi32, #tpu.memory_space<hbm>>
        tpu.enqueue_dma source(%dma_start3A_65 : memref<128xi32, #tpu.memory_space<hbm>>) target(%arg8 : memref<128xi32, #tpu.memory_space<vmem>>) target_semaphore(%run_scoped3A : memref<!tpu.dma_semaphore, #tpu.memory_space<semaphore_mem>>)
        %dma_wait3A_66 = tpu.memref_slice %arg3[%add3A_53] : memref<320000xi32, #tpu.memory_space<hbm>> -> memref<128xi32, #tpu.memory_space<hbm>>
        %dma_wait3A_67 = tpu.memref_slice %arg3[%add3A_53] : memref<320000xi32, #tpu.memory_space<hbm>> -> memref<128xi32, #tpu.memory_space<hbm>>
        tpu.wait_dma2 semaphore(%run_scoped3A : memref<!tpu.dma_semaphore, #tpu.memory_space<semaphore_mem>>) src(%dma_wait3A_67 : memref<128xi32, #tpu.memory_space<hbm>>) dst(%arg8 : memref<128xi32, #tpu.memory_space<vmem>>)
        tpu.yield
      }) : () -> ()
      "tpu.region"() ({
        %run_scoped3A = tpu.sem_alloc : memref<!tpu.dma_semaphore, #tpu.memory_space<semaphore_mem>>
        %dma_start3A_64 = tpu.memref_slice %arg4[%add3A_53] : memref<320000xi32, #tpu.memory_space<hbm>> -> memref<128xi32, #tpu.memory_space<hbm>>
        %dma_start3A_65 = tpu.memref_slice %arg4[%add3A_53] : memref<320000xi32, #tpu.memory_space<hbm>> -> memref<128xi32, #tpu.memory_space<hbm>>
        tpu.enqueue_dma source(%dma_start3A_65 : memref<128xi32, #tpu.memory_space<hbm>>) target(%arg9 : memref<128xi32, #tpu.memory_space<vmem>>) target_semaphore(%run_scoped3A : memref<!tpu.dma_semaphore, #tpu.memory_space<semaphore_mem>>)
        %dma_wait3A_66 = tpu.memref_slice %arg4[%add3A_53] : memref<320000xi32, #tpu.memory_space<hbm>> -> memref<128xi32, #tpu.memory_space<hbm>>
        %dma_wait3A_67 = tpu.memref_slice %arg4[%add3A_53] : memref<320000xi32, #tpu.memory_space<hbm>> -> memref<128xi32, #tpu.memory_space<hbm>>
        tpu.wait_dma2 semaphore(%run_scoped3A : memref<!tpu.dma_semaphore, #tpu.memory_space<semaphore_mem>>) src(%dma_wait3A_67 : memref<128xi32, #tpu.memory_space<hbm>>) dst(%arg9 : memref<128xi32, #tpu.memory_space<vmem>>)
        tpu.yield
      }) : () -> ()
      %dma_start3A_56 = arith.constant 0 : i32
      %dma_start3A_57 = arith.constant 0 : i32
      %dma_start3A_58 = tpu.memref_slice %arg2[%dma_start3A_56, %dma_start3A_57] : memref<10000x128xf32, #tpu.memory_space<hbm>> -> memref<10000x128xf32, #tpu.memory_space<hbm>>
      tpu.enqueue_indirect_dma source(%dma_start3A_58 : memref<10000x128xf32, #tpu.memory_space<hbm>>) target(%arg11 : memref<128x128xf32, #tpu.memory_space<vmem>>) offsets(%arg8 : memref<128xi32, #tpu.memory_space<vmem>>) semaphore(%arg14 : memref<!tpu.dma_semaphore, #tpu.memory_space<semaphore_mem>>)
      %dma_wait3A = arith.constant 0 : i32
      %dma_wait3A_59 = arith.constant 0 : i32
      %dma_wait3A_60 = tpu.memref_slice %arg2[%dma_wait3A, %dma_wait3A_59] : memref<10000x128xf32, #tpu.memory_space<hbm>> -> memref<10000x128xf32, #tpu.memory_space<hbm>>
      tpu.wait_indirect_dma semaphore(%arg13 : memref<!tpu.dma_semaphore, #tpu.memory_space<semaphore_mem>>) src(%dma_wait3A_60 : memref<10000x128xf32, #tpu.memory_space<hbm>>) dst(%arg10 : memref<128x128xf32, #tpu.memory_space<vmem>>)
      "tpu.region"() ({
        %run_scoped3A = tpu.sem_alloc : memref<!tpu.dma_semaphore, #tpu.memory_space<semaphore_mem>>
        %dma_start3A_64 = arith.constant 0 : i32
        %dma_start3A_65 = arith.constant 0 : i32
        %dma_start3A_66 = tpu.memref_slice %arg12[%dma_start3A_64, %dma_start3A_65] : memref<10112x128xf32, #tpu.memory_space<vmem_shared>> -> memref<10112x128xf32, #tpu.memory_space<vmem_shared>>
        tpu.enqueue_indirect_dma source(%arg10 : memref<128x128xf32, #tpu.memory_space<vmem>>) target(%dma_start3A_66 : memref<10112x128xf32, #tpu.memory_space<vmem_shared>>) offsets(%arg7 : memref<128xi32, #tpu.memory_space<vmem>>) semaphore(%run_scoped3A : memref<!tpu.dma_semaphore, #tpu.memory_space<semaphore_mem>>) {add = true}
        %dma_wait3A_67 = arith.constant 0 : i32
        %dma_wait3A_68 = arith.constant 0 : i32
        %dma_wait3A_69 = tpu.memref_slice %arg12[%dma_wait3A_67, %dma_wait3A_68] : memref<10112x128xf32, #tpu.memory_space<vmem_shared>> -> memref<10112x128xf32, #tpu.memory_space<vmem_shared>>
        tpu.wait_indirect_dma semaphore(%run_scoped3A : memref<!tpu.dma_semaphore, #tpu.memory_space<semaphore_mem>>) src(%arg10 : memref<128x128xf32, #tpu.memory_space<vmem>>) dst(%dma_wait3A_69 : memref<10112x128xf32, #tpu.memory_space<vmem_shared>>)
        tpu.yield
      }) : () -> ()
      %dma_wait3A_61 = arith.constant 0 : i32
      %dma_wait3A_62 = arith.constant 0 : i32
      %dma_wait3A_63 = tpu.memref_slice %arg2[%dma_wait3A_61, %dma_wait3A_62] : memref<10000x128xf32, #tpu.memory_space<hbm>> -> memref<10000x128xf32, #tpu.memory_space<hbm>>
      tpu.wait_indirect_dma semaphore(%arg14 : memref<!tpu.dma_semaphore, #tpu.memory_space<semaphore_mem>>) src(%dma_wait3A_63 : memref<10000x128xf32, #tpu.memory_space<hbm>>) dst(%arg11 : memref<128x128xf32, #tpu.memory_space<vmem>>)
      "tpu.region"() ({
        %run_scoped3A = tpu.sem_alloc : memref<!tpu.dma_semaphore, #tpu.memory_space<semaphore_mem>>
        %dma_start3A_64 = arith.constant 0 : i32
        %dma_start3A_65 = arith.constant 0 : i32
        %dma_start3A_66 = tpu.memref_slice %arg12[%dma_start3A_64, %dma_start3A_65] : memref<10112x128xf32, #tpu.memory_space<vmem_shared>> -> memref<10112x128xf32, #tpu.memory_space<vmem_shared>>
        tpu.enqueue_indirect_dma source(%arg11 : memref<128x128xf32, #tpu.memory_space<vmem>>) target(%dma_start3A_66 : memref<10112x128xf32, #tpu.memory_space<vmem_shared>>) offsets(%arg9 : memref<128xi32, #tpu.memory_space<vmem>>) semaphore(%run_scoped3A : memref<!tpu.dma_semaphore, #tpu.memory_space<semaphore_mem>>) {add = true}
        %dma_wait3A_67 = arith.constant 0 : i32
        %dma_wait3A_68 = arith.constant 0 : i32
        %dma_wait3A_69 = tpu.memref_slice %arg12[%dma_wait3A_67, %dma_wait3A_68] : memref<10112x128xf32, #tpu.memory_space<vmem_shared>> -> memref<10112x128xf32, #tpu.memory_space<vmem_shared>>
        tpu.wait_indirect_dma semaphore(%run_scoped3A : memref<!tpu.dma_semaphore, #tpu.memory_space<semaphore_mem>>) src(%arg11 : memref<128x128xf32, #tpu.memory_space<vmem>>) dst(%dma_wait3A_69 : memref<10112x128xf32, #tpu.memory_space<vmem_shared>>)
        tpu.yield
      }) : () -> ()
    }
    %while3A_37 = arith.constant 1 : i32
    scf.for %while3A_49 = %while3A_35 to %while3A_31 step %while3A_37  : i32 {
      %mul3A_50 = arith.muli %while3A_49, %while3A : i32
      %add3A_51 = arith.addi %mul3A_21, %mul3A_50 : i32
      %add3A_52 = arith.constant 128 : i32
      %add3A_53 = arith.addi %add3A_51, %add3A_52 : i32
      "tpu.region"() ({
        %run_scoped3A = tpu.sem_alloc : memref<!tpu.dma_semaphore, #tpu.memory_space<semaphore_mem>>
        %dma_start3A_64 = tpu.memref_slice %arg3[%add3A_51] : memref<320000xi32, #tpu.memory_space<hbm>> -> memref<128xi32, #tpu.memory_space<hbm>>
        %dma_start3A_65 = tpu.memref_slice %arg3[%add3A_51] : memref<320000xi32, #tpu.memory_space<hbm>> -> memref<128xi32, #tpu.memory_space<hbm>>
        tpu.enqueue_dma source(%dma_start3A_65 : memref<128xi32, #tpu.memory_space<hbm>>) target(%arg6 : memref<128xi32, #tpu.memory_space<vmem>>) target_semaphore(%run_scoped3A : memref<!tpu.dma_semaphore, #tpu.memory_space<semaphore_mem>>)
        %dma_wait3A_66 = tpu.memref_slice %arg3[%add3A_51] : memref<320000xi32, #tpu.memory_space<hbm>> -> memref<128xi32, #tpu.memory_space<hbm>>
        %dma_wait3A_67 = tpu.memref_slice %arg3[%add3A_51] : memref<320000xi32, #tpu.memory_space<hbm>> -> memref<128xi32, #tpu.memory_space<hbm>>
        tpu.wait_dma2 semaphore(%run_scoped3A : memref<!tpu.dma_semaphore, #tpu.memory_space<semaphore_mem>>) src(%dma_wait3A_67 : memref<128xi32, #tpu.memory_space<hbm>>) dst(%arg6 : memref<128xi32, #tpu.memory_space<vmem>>)
        tpu.yield
      }) : () -> ()
      "tpu.region"() ({
        %run_scoped3A = tpu.sem_alloc : memref<!tpu.dma_semaphore, #tpu.memory_space<semaphore_mem>>
        %dma_start3A_64 = tpu.memref_slice %arg4[%add3A_51] : memref<320000xi32, #tpu.memory_space<hbm>> -> memref<128xi32, #tpu.memory_space<hbm>>
        %dma_start3A_65 = tpu.memref_slice %arg4[%add3A_51] : memref<320000xi32, #tpu.memory_space<hbm>> -> memref<128xi32, #tpu.memory_space<hbm>>
        tpu.enqueue_dma source(%dma_start3A_65 : memref<128xi32, #tpu.memory_space<hbm>>) target(%arg7 : memref<128xi32, #tpu.memory_space<vmem>>) target_semaphore(%run_scoped3A : memref<!tpu.dma_semaphore, #tpu.memory_space<semaphore_mem>>)
        %dma_wait3A_66 = tpu.memref_slice %arg4[%add3A_51] : memref<320000xi32, #tpu.memory_space<hbm>> -> memref<128xi32, #tpu.memory_space<hbm>>
        %dma_wait3A_67 = tpu.memref_slice %arg4[%add3A_51] : memref<320000xi32, #tpu.memory_space<hbm>> -> memref<128xi32, #tpu.memory_space<hbm>>
        tpu.wait_dma2 semaphore(%run_scoped3A : memref<!tpu.dma_semaphore, #tpu.memory_space<semaphore_mem>>) src(%dma_wait3A_67 : memref<128xi32, #tpu.memory_space<hbm>>) dst(%arg7 : memref<128xi32, #tpu.memory_space<vmem>>)
        tpu.yield
      }) : () -> ()
      %dma_start3A = arith.constant 0 : i32
      %dma_start3A_54 = arith.constant 0 : i32
      %dma_start3A_55 = tpu.memref_slice %arg2[%dma_start3A, %dma_start3A_54] : memref<10000x128xf32, #tpu.memory_space<hbm>> -> memref<10000x128xf32, #tpu.memory_space<hbm>>
      tpu.enqueue_indirect_dma source(%dma_start3A_55 : memref<10000x128xf32, #tpu.memory_space<hbm>>) target(%arg10 : memref<128x128xf32, #tpu.memory_space<vmem>>) offsets(%arg6 : memref<128xi32, #tpu.memory_space<vmem>>) semaphore(%arg13 : memref<!tpu.dma_semaphore, #tpu.memory_space<semaphore_mem>>)
      "tpu.region"() ({
        %run_scoped3A = tpu.sem_alloc : memref<!tpu.dma_semaphore, #tpu.memory_space<semaphore_mem>>
        %dma_start3A_64 = tpu.memref_slice %arg3[%add3A_53] : memref<320000xi32, #tpu.memory_space<hbm>> -> memref<128xi32, #tpu.memory_space<hbm>>
        %dma_start3A_65 = tpu.memref_slice %arg3[%add3A_53] : memref<320000xi32, #tpu.memory_space<hbm>> -> memref<128xi32, #tpu.memory_space<hbm>>
        tpu.enqueue_dma source(%dma_start3A_65 : memref<128xi32, #tpu.memory_space<hbm>>) target(%arg8 : memref<128xi32, #tpu.memory_space<vmem>>) target_semaphore(%run_scoped3A : memref<!tpu.dma_semaphore, #tpu.memory_space<semaphore_mem>>)
        %dma_wait3A_66 = tpu.memref_slice %arg3[%add3A_53] : memref<320000xi32, #tpu.memory_space<hbm>> -> memref<128xi32, #tpu.memory_space<hbm>>
        %dma_wait3A_67 = tpu.memref_slice %arg3[%add3A_53] : memref<320000xi32, #tpu.memory_space<hbm>> -> memref<128xi32, #tpu.memory_space<hbm>>
        tpu.wait_dma2 semaphore(%run_scoped3A : memref<!tpu.dma_semaphore, #tpu.memory_space<semaphore_mem>>) src(%dma_wait3A_67 : memref<128xi32, #tpu.memory_space<hbm>>) dst(%arg8 : memref<128xi32, #tpu.memory_space<vmem>>)
        tpu.yield
      }) : () -> ()
      "tpu.region"() ({
        %run_scoped3A = tpu.sem_alloc : memref<!tpu.dma_semaphore, #tpu.memory_space<semaphore_mem>>
        %dma_start3A_64 = tpu.memref_slice %arg4[%add3A_53] : memref<320000xi32, #tpu.memory_space<hbm>> -> memref<128xi32, #tpu.memory_space<hbm>>
        %dma_start3A_65 = tpu.memref_slice %arg4[%add3A_53] : memref<320000xi32, #tpu.memory_space<hbm>> -> memref<128xi32, #tpu.memory_space<hbm>>
        tpu.enqueue_dma source(%dma_start3A_65 : memref<128xi32, #tpu.memory_space<hbm>>) target(%arg9 : memref<128xi32, #tpu.memory_space<vmem>>) target_semaphore(%run_scoped3A : memref<!tpu.dma_semaphore, #tpu.memory_space<semaphore_mem>>)
        %dma_wait3A_66 = tpu.memref_slice %arg4[%add3A_53] : memref<320000xi32, #tpu.memory_space<hbm>> -> memref<128xi32, #tpu.memory_space<hbm>>
        %dma_wait3A_67 = tpu.memref_slice %arg4[%add3A_53] : memref<320000xi32, #tpu.memory_space<hbm>> -> memref<128xi32, #tpu.memory_space<hbm>>
        tpu.wait_dma2 semaphore(%run_scoped3A : memref<!tpu.dma_semaphore, #tpu.memory_space<semaphore_mem>>) src(%dma_wait3A_67 : memref<128xi32, #tpu.memory_space<hbm>>) dst(%arg9 : memref<128xi32, #tpu.memory_space<vmem>>)
        tpu.yield
      }) : () -> ()
      %dma_start3A_56 = arith.constant 0 : i32
      %dma_start3A_57 = arith.constant 0 : i32
      %dma_start3A_58 = tpu.memref_slice %arg2[%dma_start3A_56, %dma_start3A_57] : memref<10000x128xf32, #tpu.memory_space<hbm>> -> memref<10000x128xf32, #tpu.memory_space<hbm>>
      tpu.enqueue_indirect_dma source(%dma_start3A_58 : memref<10000x128xf32, #tpu.memory_space<hbm>>) target(%arg11 : memref<128x128xf32, #tpu.memory_space<vmem>>) offsets(%arg8 : memref<128xi32, #tpu.memory_space<vmem>>) semaphore(%arg14 : memref<!tpu.dma_semaphore, #tpu.memory_space<semaphore_mem>>)
      %dma_wait3A = arith.constant 0 : i32
      %dma_wait3A_59 = arith.constant 0 : i32
      %dma_wait3A_60 = tpu.memref_slice %arg2[%dma_wait3A, %dma_wait3A_59] : memref<10000x128xf32, #tpu.memory_space<hbm>> -> memref<10000x128xf32, #tpu.memory_space<hbm>>
      tpu.wait_indirect_dma semaphore(%arg13 : memref<!tpu.dma_semaphore, #tpu.memory_space<semaphore_mem>>) src(%dma_wait3A_60 : memref<10000x128xf32, #tpu.memory_space<hbm>>) dst(%arg10 : memref<128x128xf32, #tpu.memory_space<vmem>>)
      "tpu.region"() ({
        %run_scoped3A = tpu.sem_alloc : memref<!tpu.dma_semaphore, #tpu.memory_space<semaphore_mem>>
        %dma_start3A_64 = arith.constant 0 : i32
        %dma_start3A_65 = arith.constant 0 : i32
        %dma_start3A_66 = tpu.memref_slice %arg12[%dma_start3A_64, %dma_start3A_65] : memref<10112x128xf32, #tpu.memory_space<vmem_shared>> -> memref<10112x128xf32, #tpu.memory_space<vmem_shared>>
        tpu.enqueue_indirect_dma source(%arg10 : memref<128x128xf32, #tpu.memory_space<vmem>>) target(%dma_start3A_66 : memref<10112x128xf32, #tpu.memory_space<vmem_shared>>) offsets(%arg7 : memref<128xi32, #tpu.memory_space<vmem>>) semaphore(%run_scoped3A : memref<!tpu.dma_semaphore, #tpu.memory_space<semaphore_mem>>) {add = true}
        %dma_wait3A_67 = arith.constant 0 : i32
        %dma_wait3A_68 = arith.constant 0 : i32
        %dma_wait3A_69 = tpu.memref_slice %arg12[%dma_wait3A_67, %dma_wait3A_68] : memref<10112x128xf32, #tpu.memory_space<vmem_shared>> -> memref<10112x128xf32, #tpu.memory_space<vmem_shared>>
        tpu.wait_indirect_dma semaphore(%run_scoped3A : memref<!tpu.dma_semaphore, #tpu.memory_space<semaphore_mem>>) src(%arg10 : memref<128x128xf32, #tpu.memory_space<vmem>>) dst(%dma_wait3A_69 : memref<10112x128xf32, #tpu.memory_space<vmem_shared>>)
        tpu.yield
      }) : () -> ()
      %dma_wait3A_61 = arith.constant 0 : i32
      %dma_wait3A_62 = arith.constant 0 : i32
      %dma_wait3A_63 = tpu.memref_slice %arg2[%dma_wait3A_61, %dma_wait3A_62] : memref<10000x128xf32, #tpu.memory_space<hbm>> -> memref<10000x128xf32, #tpu.memory_space<hbm>>
      tpu.wait_indirect_dma semaphore(%arg14 : memref<!tpu.dma_semaphore, #tpu.memory_space<semaphore_mem>>) src(%dma_wait3A_63 : memref<10000x128xf32, #tpu.memory_space<hbm>>) dst(%arg11 : memref<128x128xf32, #tpu.memory_space<vmem>>)
      "tpu.region"() ({
        %run_scoped3A = tpu.sem_alloc : memref<!tpu.dma_semaphore, #tpu.memory_space<semaphore_mem>>
        %dma_start3A_64 = arith.constant 0 : i32
        %dma_start3A_65 = arith.constant 0 : i32
        %dma_start3A_66 = tpu.memref_slice %arg12[%dma_start3A_64, %dma_start3A_65] : memref<10112x128xf32, #tpu.memory_space<vmem_shared>> -> memref<10112x128xf32, #tpu.memory_space<vmem_shared>>
        tpu.enqueue_indirect_dma source(%arg11 : memref<128x128xf32, #tpu.memory_space<vmem>>) target(%dma_start3A_66 : memref<10112x128xf32, #tpu.memory_space<vmem_shared>>) offsets(%arg9 : memref<128xi32, #tpu.memory_space<vmem>>) semaphore(%run_scoped3A : memref<!tpu.dma_semaphore, #tpu.memory_space<semaphore_mem>>) {add = true}
        %dma_wait3A_67 = arith.constant 0 : i32
        %dma_wait3A_68 = arith.constant 0 : i32
        %dma_wait3A_69 = tpu.memref_slice %arg12[%dma_wait3A_67, %dma_wait3A_68] : memref<10112x128xf32, #tpu.memory_space<vmem_shared>> -> memref<10112x128xf32, #tpu.memory_space<vmem_shared>>
        tpu.wait_indirect_dma semaphore(%run_scoped3A : memref<!tpu.dma_semaphore, #tpu.memory_space<semaphore_mem>>) src(%arg11 : memref<128x128xf32, #tpu.memory_space<vmem>>) dst(%dma_wait3A_69 : memref<10112x128xf32, #tpu.memory_space<vmem_shared>>)
        tpu.yield
      }) : () -> ()
    }
    %barrier3A_38 = arith.constant 0 : index
    tpu.barrier barrier_id(%barrier3A_38)
    %add3A_39 = arith.constant 632 : i32
    %add3A_40 = arith.addi %mul3A_6, %add3A_39 : i32
    %le3A = arith.constant 10000 : i32
    %le3A_41 = arith.cmpi sle, %add3A_40, %le3A : i32
    %convert_element_type3A = arith.extui %le3A_41 : i1 to i32
    %cond3A = arith.constant 0 : i32
    %cond3A_42 = arith.cmpi ne, %convert_element_type3A, %cond3A : i32
    scf.if %cond3A_42 {
      "tpu.region"() ({
        %run_scoped3A = tpu.sem_alloc : memref<!tpu.dma_semaphore, #tpu.memory_space<semaphore_mem>>
        %dma_start3A = arith.constant 0 : i32
        %dma_start3A_49 = tpu.memref_slice %arg5[%arg0, %mul3A_6, %dma_start3A] : memref<2x10000x128xf32, #tpu.memory_space<hbm>> -> memref<1x632x128xf32, #tpu.memory_space<hbm>>
        %dma_start3A_50 = tpu.memref_squeeze %dma_start3A_49 : memref<1x632x128xf32, #tpu.memory_space<hbm>> -> memref<632x128xf32, #tpu.memory_space<hbm>>
        %dma_start3A_51 = arith.constant 0 : i32
        %dma_start3A_52 = tpu.memref_slice %arg12[%mul3A_6, %dma_start3A_51] : memref<10112x128xf32, #tpu.memory_space<vmem_shared>> -> memref<632x128xf32, #tpu.memory_space<vmem_shared>>
        tpu.enqueue_dma source(%dma_start3A_52 : memref<632x128xf32, #tpu.memory_space<vmem_shared>>) target(%dma_start3A_50 : memref<632x128xf32, #tpu.memory_space<hbm>>) target_semaphore(%run_scoped3A : memref<!tpu.dma_semaphore, #tpu.memory_space<semaphore_mem>>)
        %dma_wait3A = arith.constant 0 : i32
        %dma_wait3A_53 = tpu.memref_slice %arg5[%arg0, %mul3A_6, %dma_wait3A] : memref<2x10000x128xf32, #tpu.memory_space<hbm>> -> memref<1x632x128xf32, #tpu.memory_space<hbm>>
        %dma_wait3A_54 = tpu.memref_squeeze %dma_wait3A_53 : memref<1x632x128xf32, #tpu.memory_space<hbm>> -> memref<632x128xf32, #tpu.memory_space<hbm>>
        %dma_wait3A_55 = arith.constant 0 : i32
        %dma_wait3A_56 = tpu.memref_slice %arg12[%mul3A_6, %dma_wait3A_55] : memref<10112x128xf32, #tpu.memory_space<vmem_shared>> -> memref<632x128xf32, #tpu.memory_space<vmem_shared>>
        tpu.wait_dma2 semaphore(%run_scoped3A : memref<!tpu.dma_semaphore, #tpu.memory_space<semaphore_mem>>) src(%dma_wait3A_56 : memref<632x128xf32, #tpu.memory_space<vmem_shared>>) dst(%dma_wait3A_54 : memref<632x128xf32, #tpu.memory_space<hbm>>)
        tpu.yield
      }) : () -> ()
    } else {
    }
    %add3A_43 = arith.constant 632 : i32
    %add3A_44 = arith.addi %mul3A_6, %add3A_43 : i32
    %gt3A = arith.constant 10000 : i32
    %gt3A_45 = arith.cmpi sgt, %add3A_44, %gt3A : i32
    %convert_element_type3A_46 = arith.extui %gt3A_45 : i1 to i32
    %cond3A_47 = arith.constant 0 : i32
    %cond3A_48 = arith.cmpi ne, %convert_element_type3A_46, %cond3A_47 : i32
    scf.if %cond3A_48 {
      "tpu.region"() ({
        %run_scoped3A = tpu.sem_alloc : memref<!tpu.dma_semaphore, #tpu.memory_space<semaphore_mem>>
        %dma_start3A = arith.constant 0 : i32
        %dma_start3A_49 = tpu.memref_slice %arg5[%arg0, %mul3A_6, %dma_start3A] : memref<2x10000x128xf32, #tpu.memory_space<hbm>> -> memref<1x520x128xf32, #tpu.memory_space<hbm>>
        %dma_start3A_50 = tpu.memref_squeeze %dma_start3A_49 : memref<1x520x128xf32, #tpu.memory_space<hbm>> -> memref<520x128xf32, #tpu.memory_space<hbm>>
        %dma_start3A_51 = arith.constant 0 : i32
        %dma_start3A_52 = tpu.memref_slice %arg12[%mul3A_6, %dma_start3A_51] : memref<10112x128xf32, #tpu.memory_space<vmem_shared>> -> memref<520x128xf32, #tpu.memory_space<vmem_shared>>
        tpu.enqueue_dma source(%dma_start3A_52 : memref<520x128xf32, #tpu.memory_space<vmem_shared>>) target(%dma_start3A_50 : memref<520x128xf32, #tpu.memory_space<hbm>>) target_semaphore(%run_scoped3A : memref<!tpu.dma_semaphore, #tpu.memory_space<semaphore_mem>>)
        %dma_wait3A = arith.constant 0 : i32
        %dma_wait3A_53 = tpu.memref_slice %arg5[%arg0, %mul3A_6, %dma_wait3A] : memref<2x10000x128xf32, #tpu.memory_space<hbm>> -> memref<1x520x128xf32, #tpu.memory_space<hbm>>
        %dma_wait3A_54 = tpu.memref_squeeze %dma_wait3A_53 : memref<1x520x128xf32, #tpu.memory_space<hbm>> -> memref<520x128xf32, #tpu.memory_space<hbm>>
        %dma_wait3A_55 = arith.constant 0 : i32
        %dma_wait3A_56 = tpu.memref_slice %arg12[%mul3A_6, %dma_wait3A_55] : memref<10112x128xf32, #tpu.memory_space<vmem_shared>> -> memref<520x128xf32, #tpu.memory_space<vmem_shared>>
        tpu.wait_dma2 semaphore(%run_scoped3A : memref<!tpu.dma_semaphore, #tpu.memory_space<semaphore_mem>>) src(%dma_wait3A_56 : memref<520x128xf32, #tpu.memory_space<vmem_shared>>) dst(%dma_wait3A_54 : memref<520x128xf32, #tpu.memory_space<hbm>>)
        tpu.yield
      }) : () -> ()
    } else {
    }
    return
  }
}

module attributes {stable_mosaic.version = 14 : i64} {
  func.func @_final_body(%arg0: i32, %arg1: memref<1000x128xf32, #tpu.memory_space<vmem>>, %arg2: memref<1000x128xf32, #tpu.memory_space<vmem>>, %arg3: memref<1000x128xf32, #tpu.memory_space<vmem>>, %arg4: memref<1000x128xf32, #tpu.memory_space<vmem>>, %arg5: memref<512x128xf32, #tpu.memory_space<vmem>>, %arg6: memref<1x128xf32, #tpu.memory_space<vmem>>, %arg7: memref<1000x128xf32, #tpu.memory_space<vmem>>) attributes {dimension_semantics = [#tpu.dimension_semantics<arbitrary>], iteration_bounds = array<i64: 10>, scalar_prefetch = 0 : i64, scratch_operands = 0 : i64, tpu.core_type = #tpu.core_type<tc>, window_params = [{transform_indices = @transform_0, window_bounds = array<i64: 1000, 128>}, {transform_indices = @transform_1, window_bounds = array<i64: 1000, 128>}, {transform_indices = @transform_2, window_bounds = array<i64: 1000, 128>}, {transform_indices = @transform_3, window_bounds = array<i64: 1000, 128>}, {pipeline_mode = #tpu.pipeline_mode<synchronous>, transform_indices = @transform_4, window_bounds = array<i64: 512, 128>}, {pipeline_mode = #tpu.pipeline_mode<synchronous>, transform_indices = @transform_5, window_bounds = array<i64: 1, 128>}, {transform_indices = @transform_6, window_bounds = array<i64: 1000, 128>}]} {
    %get3A = arith.constant 0 : index
    %get3A_0 = arith.constant 0 : index
    %get3A_1 = vector.load %arg5[%get3A, %get3A_0] : memref<512x128xf32, #tpu.memory_space<vmem>>, vector<512x128xf32>
    %get3A_2 = arith.constant 0 : index
    %get3A_3 = arith.constant 0 : index
    %get3A_4 = vector.load %arg1[%get3A_2, %get3A_3] : memref<1000x128xf32, #tpu.memory_space<vmem>>, vector<1000x128xf32>
    %slice3A = vector.extract_strided_slice %get3A_1 {offsets = [0, 0], sizes = [128, 128], strides = [1, 1]} : vector<512x128xf32> to vector<128x128xf32>
    %dot_general3A = arith.constant dense<0.000000e+00> : vector<1000x128xf32>
    %dot_general3A_5 = tpu.matmul %get3A_4, %slice3A, %dot_general3A {dimension_numbers = #tpu.dot_dimension_numbers<[1], [0], [0], [1], [0, 0, 1, 1], [], []>, transpose_lhs_hint = false} : vector<1000x128xf32>, vector<128x128xf32>, vector<1000x128xf32> -> vector<1000x128xf32>
    %get3A_6 = arith.constant 0 : index
    %get3A_7 = arith.constant 0 : index
    %get3A_8 = vector.load %arg2[%get3A_6, %get3A_7] : memref<1000x128xf32, #tpu.memory_space<vmem>>, vector<1000x128xf32>
    %slice3A_9 = vector.extract_strided_slice %get3A_1 {offsets = [128, 0], sizes = [128, 128], strides = [1, 1]} : vector<512x128xf32> to vector<128x128xf32>
    %dot_general3A_10 = arith.constant dense<0.000000e+00> : vector<1000x128xf32>
    %dot_general3A_11 = tpu.matmul %get3A_8, %slice3A_9, %dot_general3A_10 {dimension_numbers = #tpu.dot_dimension_numbers<[1], [0], [0], [1], [0, 0, 1, 1], [], []>, transpose_lhs_hint = false} : vector<1000x128xf32>, vector<128x128xf32>, vector<1000x128xf32> -> vector<1000x128xf32>
    %add3A = arith.addf %dot_general3A_5, %dot_general3A_11 : vector<1000x128xf32>
    %get3A_12 = arith.constant 0 : index
    %get3A_13 = arith.constant 0 : index
    %get3A_14 = vector.load %arg3[%get3A_12, %get3A_13] : memref<1000x128xf32, #tpu.memory_space<vmem>>, vector<1000x128xf32>
    %slice3A_15 = vector.extract_strided_slice %get3A_1 {offsets = [256, 0], sizes = [128, 128], strides = [1, 1]} : vector<512x128xf32> to vector<128x128xf32>
    %dot_general3A_16 = arith.constant dense<0.000000e+00> : vector<1000x128xf32>
    %dot_general3A_17 = tpu.matmul %get3A_14, %slice3A_15, %dot_general3A_16 {dimension_numbers = #tpu.dot_dimension_numbers<[1], [0], [0], [1], [0, 0, 1, 1], [], []>, transpose_lhs_hint = false} : vector<1000x128xf32>, vector<128x128xf32>, vector<1000x128xf32> -> vector<1000x128xf32>
    %add3A_18 = arith.addf %add3A, %dot_general3A_17 : vector<1000x128xf32>
    %get3A_19 = arith.constant 0 : index
    %get3A_20 = arith.constant 0 : index
    %get3A_21 = vector.load %arg4[%get3A_19, %get3A_20] : memref<1000x128xf32, #tpu.memory_space<vmem>>, vector<1000x128xf32>
    %slice3A_22 = vector.extract_strided_slice %get3A_1 {offsets = [384, 0], sizes = [128, 128], strides = [1, 1]} : vector<512x128xf32> to vector<128x128xf32>
    %dot_general3A_23 = arith.constant dense<0.000000e+00> : vector<1000x128xf32>
    %dot_general3A_24 = tpu.matmul %get3A_21, %slice3A_22, %dot_general3A_23 {dimension_numbers = #tpu.dot_dimension_numbers<[1], [0], [0], [1], [0, 0, 1, 1], [], []>, transpose_lhs_hint = false} : vector<1000x128xf32>, vector<128x128xf32>, vector<1000x128xf32> -> vector<1000x128xf32>
    %add3A_25 = arith.addf %add3A_18, %dot_general3A_24 : vector<1000x128xf32>
    %get3A_26 = arith.constant 0 : index
    %get3A_27 = arith.constant 0 : index
    %get3A_28 = vector.load %arg6[%get3A_26, %get3A_27] : memref<1x128xf32, #tpu.memory_space<vmem>>, vector<1x128xf32>
    %add3A_29 = vector.broadcast %get3A_28 : vector<1x128xf32> to vector<1000x128xf32>
    %add3A_30 = arith.addf %add3A_25, %add3A_29 : vector<1000x128xf32>
    %swap3A = arith.constant 0 : index
    %swap3A_31 = arith.constant 0 : index
    %swap3A_32 = vector.load %arg7[%swap3A, %swap3A_31] : memref<1000x128xf32, #tpu.memory_space<vmem>>, vector<1000x128xf32>
    tpu.vector_store %arg7[%swap3A, %swap3A_31], %add3A_30 {strides = array<i32>} : memref<1000x128xf32, #tpu.memory_space<vmem>>, vector<1000x128xf32>,
    return
  }
  func.func @transform_0(%arg0: i32) -> (i32, i32) {
    %c0_i32 = arith.constant 0 : i32
    %c0_i32_0 = arith.constant 0 : i32
    return %arg0, %c0_i32 : i32, i32
  }
  func.func @transform_1(%arg0: i32) -> (i32, i32) {
    %c0_i32 = arith.constant 0 : i32
    %c0_i32_0 = arith.constant 0 : i32
    return %arg0, %c0_i32 : i32, i32
  }
  func.func @transform_2(%arg0: i32) -> (i32, i32) {
    %c0_i32 = arith.constant 0 : i32
    %c0_i32_0 = arith.constant 0 : i32
    return %arg0, %c0_i32 : i32, i32
  }
  func.func @transform_3(%arg0: i32) -> (i32, i32) {
    %c0_i32 = arith.constant 0 : i32
    %c0_i32_0 = arith.constant 0 : i32
    return %arg0, %c0_i32 : i32, i32
  }
  func.func @transform_4(%arg0: i32) -> (i32, i32) {
    %c0_i32 = arith.constant 0 : i32
    %c0_i32_0 = arith.constant 0 : i32
    %c0_i32_1 = arith.constant 0 : i32
    return %c0_i32, %c0_i32_0 : i32, i32
  }
  func.func @transform_5(%arg0: i32) -> (i32, i32) {
    %c0_i32 = arith.constant 0 : i32
    %c0_i32_0 = arith.constant 0 : i32
    %c0_i32_1 = arith.constant 0 : i32
    return %c0_i32, %c0_i32_0 : i32, i32
  }
  func.func @transform_6(%arg0: i32) -> (i32, i32) {
    %c0_i32 = arith.constant 0 : i32
    %c0_i32_0 = arith.constant 0 : i32
    return %arg0, %c0_i32 : i32, i32
  }
}

module attributes {stable_mosaic.version = 14 : i64} {
  func.func @_mlp_body(%arg0: i32, %arg1: memref<1xf32, #tpu.memory_space<smem>>, %arg2: memref<1000x128xf32, #tpu.memory_space<vmem>>, %arg3: memref<2x1000x128xf32, #tpu.memory_space<vmem>>, %arg4: memref<128x256xf32, #tpu.memory_space<vmem>>, %arg5: memref<1x256xf32, #tpu.memory_space<vmem>>, %arg6: memref<256x128xf32, #tpu.memory_space<vmem>>, %arg7: memref<1x128xf32, #tpu.memory_space<vmem>>, %arg8: memref<1000x128xf32, #tpu.memory_space<vmem>>) attributes {dimension_semantics = [#tpu.dimension_semantics<arbitrary>], iteration_bounds = array<i64: 10>, scalar_prefetch = 0 : i64, scratch_operands = 0 : i64, tpu.core_type = #tpu.core_type<tc>, window_params = [{transform_indices = @transform_0, window_bounds = array<i64: 1>}, {transform_indices = @transform_1, window_bounds = array<i64: 1000, 128>}, {transform_indices = @transform_2, window_bounds = array<i64: 2, 1000, 128>}, {pipeline_mode = #tpu.pipeline_mode<synchronous>, transform_indices = @transform_3, window_bounds = array<i64: 128, 256>}, {pipeline_mode = #tpu.pipeline_mode<synchronous>, transform_indices = @transform_4, window_bounds = array<i64: 1, 256>}, {pipeline_mode = #tpu.pipeline_mode<synchronous>, transform_indices = @transform_5, window_bounds = array<i64: 256, 128>}, {pipeline_mode = #tpu.pipeline_mode<synchronous>, transform_indices = @transform_6, window_bounds = array<i64: 1, 128>}, {transform_indices = @transform_7, window_bounds = array<i64: 1000, 128>}]} {
    %get3A = arith.constant 0 : index
    %get3A_0 = memref.load %arg1[%get3A] : memref<1xf32, #tpu.memory_space<smem>>
    %add3A = arith.constant 1.000000e+00 : f32
    %add3A_1 = arith.addf %add3A, %get3A_0 : f32
    %get3A_2 = arith.constant 0 : index
    %get3A_3 = arith.constant 0 : index
    %get3A_4 = vector.load %arg2[%get3A_2, %get3A_3] : memref<1000x128xf32, #tpu.memory_space<vmem>>, vector<1000x128xf32>
    %mul3A = vector.broadcast %add3A_1 : f32 to vector<1000x128xf32>
    %mul3A_5 = arith.mulf %mul3A, %get3A_4 : vector<1000x128xf32>
    %get3A_6 = arith.constant 0 : index
    %get3A_7 = arith.constant 0 : index
    %get3A_8 = arith.constant 0 : index
    %get3A_9 = vector.load %arg3[%get3A_6, %get3A_7, %get3A_8] : memref<2x1000x128xf32, #tpu.memory_space<vmem>>, vector<1x1000x128xf32>
    %get3A_10 = vector.shape_cast %get3A_9 : vector<1x1000x128xf32> to vector<1000x128xf32>
    %add3A_11 = arith.addf %mul3A_5, %get3A_10 : vector<1000x128xf32>
    %get3A_12 = arith.constant 1 : index
    %get3A_13 = arith.constant 0 : index
    %get3A_14 = arith.constant 0 : index
    %get3A_15 = vector.load %arg3[%get3A_12, %get3A_13, %get3A_14] : memref<2x1000x128xf32, #tpu.memory_space<vmem>>, vector<1x1000x128xf32>
    %get3A_16 = vector.shape_cast %get3A_15 : vector<1x1000x128xf32> to vector<1000x128xf32>
    %add3A_17 = arith.addf %add3A_11, %get3A_16 : vector<1000x128xf32>
    %get3A_18 = arith.constant 0 : index
    %get3A_19 = arith.constant 0 : index
    %get3A_20 = vector.load %arg4[%get3A_18, %get3A_19] : memref<128x256xf32, #tpu.memory_space<vmem>>, vector<128x256xf32>
    %dot_general3A = arith.constant dense<0.000000e+00> : vector<1000x256xf32>
    %dot_general3A_21 = tpu.matmul %add3A_17, %get3A_20, %dot_general3A {dimension_numbers = #tpu.dot_dimension_numbers<[1], [0], [0], [1], [0, 0, 1, 1], [], []>, transpose_lhs_hint = false} : vector<1000x128xf32>, vector<128x256xf32>, vector<1000x256xf32> -> vector<1000x256xf32>
    %get3A_22 = arith.constant 0 : index
    %get3A_23 = arith.constant 0 : index
    %get3A_24 = vector.load %arg5[%get3A_22, %get3A_23] : memref<1x256xf32, #tpu.memory_space<vmem>>, vector<1x256xf32>
    %add3A_25 = vector.broadcast %get3A_24 : vector<1x256xf32> to vector<1000x256xf32>
    %add3A_26 = arith.addf %dot_general3A_21, %add3A_25 : vector<1000x256xf32>
    %max3A = arith.constant 0.000000e+00 : f32
    %max3A_27 = vector.broadcast %max3A : f32 to vector<1000x256xf32>
    %max3A_28 = arith.maximumf %add3A_26, %max3A_27 : vector<1000x256xf32>
    %get3A_29 = arith.constant 0 : index
    %get3A_30 = arith.constant 0 : index
    %get3A_31 = vector.load %arg6[%get3A_29, %get3A_30] : memref<256x128xf32, #tpu.memory_space<vmem>>, vector<256x128xf32>
    %dot_general3A_32 = arith.constant dense<0.000000e+00> : vector<1000x128xf32>
    %dot_general3A_33 = tpu.matmul %max3A_28, %get3A_31, %dot_general3A_32 {dimension_numbers = #tpu.dot_dimension_numbers<[1], [0], [0], [1], [0, 0, 1, 1], [], []>, transpose_lhs_hint = false} : vector<1000x256xf32>, vector<256x128xf32>, vector<1000x128xf32> -> vector<1000x128xf32>
    %get3A_34 = arith.constant 0 : index
    %get3A_35 = arith.constant 0 : index
    %get3A_36 = vector.load %arg7[%get3A_34, %get3A_35] : memref<1x128xf32, #tpu.memory_space<vmem>>, vector<1x128xf32>
    %add3A_37 = vector.broadcast %get3A_36 : vector<1x128xf32> to vector<1000x128xf32>
    %add3A_38 = arith.addf %dot_general3A_33, %add3A_37 : vector<1000x128xf32>
    %max3A_39 = arith.constant 0.000000e+00 : f32
    %max3A_40 = vector.broadcast %max3A_39 : f32 to vector<1000x128xf32>
    %max3A_41 = arith.maximumf %add3A_38, %max3A_40 : vector<1000x128xf32>
    %swap3A = arith.constant 0 : index
    %swap3A_42 = arith.constant 0 : index
    %swap3A_43 = vector.load %arg8[%swap3A, %swap3A_42] : memref<1000x128xf32, #tpu.memory_space<vmem>>, vector<1000x128xf32>
    tpu.vector_store %arg8[%swap3A, %swap3A_42], %max3A_41 {strides = array<i32>} : memref<1000x128xf32, #tpu.memory_space<vmem>>, vector<1000x128xf32>,
    return
  }
  func.func @transform_0(%arg0: i32) -> i32 {
    %c0_i32 = arith.constant 0 : i32
    %c0_i32_0 = arith.constant 0 : i32
    return %c0_i32 : i32
  }
  func.func @transform_1(%arg0: i32) -> (i32, i32) {
    %c0_i32 = arith.constant 0 : i32
    %c0_i32_0 = arith.constant 0 : i32
    return %arg0, %c0_i32 : i32, i32
  }
  func.func @transform_2(%arg0: i32) -> (i32, i32, i32) {
    %c0_i32 = arith.constant 0 : i32
    %c0_i32_0 = arith.constant 0 : i32
    %c0_i32_1 = arith.constant 0 : i32
    return %c0_i32, %arg0, %c0_i32_0 : i32, i32, i32
  }
  func.func @transform_3(%arg0: i32) -> (i32, i32) {
    %c0_i32 = arith.constant 0 : i32
    %c0_i32_0 = arith.constant 0 : i32
    %c0_i32_1 = arith.constant 0 : i32
    return %c0_i32, %c0_i32_0 : i32, i32
  }
  func.func @transform_4(%arg0: i32) -> (i32, i32) {
    %c0_i32 = arith.constant 0 : i32
    %c0_i32_0 = arith.constant 0 : i32
    %c0_i32_1 = arith.constant 0 : i32
    return %c0_i32, %c0_i32_0 : i32, i32
  }
  func.func @transform_5(%arg0: i32) -> (i32, i32) {
    %c0_i32 = arith.constant 0 : i32
    %c0_i32_0 = arith.constant 0 : i32
    %c0_i32_1 = arith.constant 0 : i32
    return %c0_i32, %c0_i32_0 : i32, i32
  }
  func.func @transform_6(%arg0: i32) -> (i32, i32) {
    %c0_i32 = arith.constant 0 : i32
    %c0_i32_0 = arith.constant 0 : i32
    %c0_i32_1 = arith.constant 0 : i32
    return %c0_i32, %c0_i32_0 : i32, i32
  }
  func.func @transform_7(%arg0: i32) -> (i32, i32) {
    %c0_i32 = arith.constant 0 : i32
    %c0_i32_0 = arith.constant 0 : i32
    return %arg0, %c0_i32 : i32, i32
  }
}

</mosaic_0001>

<sc_bundles>
// kernel: kernel.12.cloned.1.call-start
scs
__scs_entry_jumppad:
0x0: {  	(pc) =	sbr.rel $0x88, $3  }
0x1: {  	(tag) =	ssettag $0x0;
	lr =	simm.s32 $0x1  }
0x2: {  	[smem:$0x3F8E] =	sst lr;
	_ =	strace $0xD0000000  }
0x3: {  	_ = 	snop  }
0x4: {  	_ = 	snop  }
0x5: {  	_ = 	snop  }
0x6: {  	_ = 	snop  }
0x7: {  	_ = 	snop  }
__scs_overlays_trampoline_lowered:
0x8: {  	[smem:$0x3F9D] =	sst s0  }
0x9: {  	[smem:$0x3F9E] =	sst s1  }
0xa: {  	[smem:$0x3F9F] =	sst s2  }
0xb: {  	[smem:$0x3FA0] =	sst s3  }
0xc: {  	[smem:$0x3FA1] =	sst s4  }
0xd: {  	[smem:$0x3FA2] =	sst s5  }
0xe: {  	[smem:$0x3FA3] =	sst s6  }
0xf: {  	[smem:$0x3FA4] =	sst s7  }
0x10: {  	[smem:$0x3FA5] =	sst s8  }
0x11: {  	[smem:$0x3FA6] =	sst s9;
	s0 =	simm.s32 @!p0 $0x0  }
0x12: {  	s1 =	sld [smem:$0x3F8C];
	s0 =	simm.s32 @p0 $0x1  }
0x13: {  	[smem:$0x3FA7] =	sst s0;
	s0 =	simm.s32 @!p1 $0x0  }
0x14: {  	s2 =	sld [smem:$0x3F8B];
	s0 =	simm.s32 @p1 $0x1  }
0x15: {  	[smem:$0x3FA8] =	sst s0;
	s0 =	simm.s32 @!p2 $0x0  }
0x16: {  	s3 =	sld [smem:$0x3FDB];
	s0 =	simm.s32 @p2 $0x1  }
0x17: {  	s4 =	simm.s32 $0x1BF5;
	[smem:$0x3FAA] =	sst s0  }
0x18: {  	s0 =	sld [smem:$0x3F8D];
	_ =	swait.ge [sflag:s4], $0x0  }
0x19: {  	s7 =	sld [smem:$0x3F8E]  }
0x1a: {  	s8 =	sadd.s32 $0xFFFFE003, lr  }
0x1b: {  	s9 =	sadd.s32 $0xFFFFFEF7, lr;
	s5 =	simm.s32 $0xFFFFFFFF;
	p2 =	slt.u32 s8, $0xFFFFF086  }
0x1c: {  	p1 =	slt.u32 s9, $0xF7A;
	s5 =	simm.s32 @!p2 $0x0  }
0x1d: {  	s5 =	simm.s32 @p1 $0x1;
	p0 =	seq.s32 s7, s2  }
0x1e: {  	s7 =	smul.u32 @!p0 $0xF7A, s2;
	p2 =	seq.s32 @!p0 s5, $0x0  }
0x1f: {  	s9 =	smul.u32 $0xF7A, s1;
	s8 =	simm.s32 @!p0 $0x1BF5;
	p2 =	por !p2, p0  }
0x20: {  	[sflag:s8] =	ssyncset.s32 @!p0 $0xFFFFF086;
	s6 =	sadd.s32 @!p0 s3, s7;
	s7 =	simm.s32 @!p0 $0x108  }
0x21: {  	s3 =	sadd.s32 s3, s9;
	s6 =	sadd.s32 @!p0 $0x88, s6;
	s7 =	simm.s32 @p2 $0x1082  }
0x22: {  	[simem:s7], [sflag:s8] =	dma.local @!p0 [hbm:s6], $0xF7A  }
0x23: {  	s9 =	sor.u32 $0xD0000000, s2;
	s6 =	simm.s32 $0x108;
	_ =	swait.ge @!p0 [sflag:s8], $0x0  }
0x24: {  	s3 =	sadd.s32 $0x88, s3;
	s6 =	simm.s32 @!p1 $0x1082;
	[sflag:s4] =	ssyncset.s32 $0xFFFFF086  }
0x25: {  	[simem:s6], [sflag:s4] =	dma.local [hbm:s3], $0xF7A  }
0x26: {  	[smem:$0x3F8E] =	sst s1;
	(tag) =	ssettag s2;
	_ =	strace s9  }
0x27: {  	s1 =	sld [smem:$0x3F9E]  }
0x28: {  	s2 =	sld [smem:$0x3F9F]  }
0x29: {  	s4 =	sld [smem:$0x3FA1]  }
0x2a: {  	p0 =	seq.s32 s5, $0x0;
	s5 =	sld [smem:$0x3FA2]  }
0x2b: {  	s6 =	sld [smem:$0x3FA3]  }
0x2c: {  	s7 =	sld [smem:$0x3FA4]  }
0x2d: {  	s3 =	simm.s32 $0x108;
	s8 =	sld [smem:$0x3FA5]  }
0x2e: {  	s3 =	simm.s32 @!p0 $0x1082;
	s9 =	sld [smem:$0x3FA6]  }
0x2f: {  	lr =	sadd.s32 s0, s3;
	s0 =	sld [smem:$0x3F9D]  }
0x30: {  	s3 =	sld [smem:$0x3FA0]  }
0x31: {  	[smem:$0x3FA9] =	sst s10  }
0x32: {  	s10 =	sld [smem:$0x3FA7];
	_ =	sdelay $0x3  }
0x33: {  	p0 =	seq.s32 s10, $0x1;
	s10 =	sld [smem:$0x3FA9];
	_ =	sdelay $0x3  }
0x34: {  	[smem:$0x3FA9] =	sst s10  }
0x35: {  	s10 =	sld [smem:$0x3FA8];
	_ =	sdelay $0x3  }
0x36: {  	p1 =	seq.s32 s10, $0x1;
	s10 =	sld [smem:$0x3FA9];
	_ =	sdelay $0x3  }
0x37: {  	[smem:$0x3FA9] =	sst s10  }
0x38: {  	s10 =	sld [smem:$0x3FAA]  }
0x39: {  	_ = 	snop;
	(pc) =	sbr.ind lr, $3  }
0x3a: {  	_ = 	snop  }
0x3b: {  	_ = 	snop  }
0x3c: {  	p2 =	seq.s32 s10, $0x1;
	s10 =	sld [smem:$0x3FA9]  }
0x3d: {  	_ =	shalt  }
0x3e: {  	_ =	shalt  }
0x3f: {  	_ =	shalt  }
0x40: {  	_ =	shalt  }
0x41: {  	_ =	shalt  }
0x42: {  	_ =	shalt  }
0x43: {  	_ =	shalt  }
0x44: {  	_ =	shalt  }
0x45: {  	_ =	shalt  }
0x46: {  	_ =	shalt  }
0x47: {  	_ =	shalt  }
0x48: {  	_ =	shalt  }
0x49: {  	_ =	shalt  }
0x4a: {  	_ =	shalt  }
0x4b: {  	_ =	shalt  }
0x4c: {  	_ =	shalt  }
0x4d: {  	_ =	shalt  }
0x4e: {  	_ =	shalt  }
0x4f: {  	_ =	shalt  }
0x50: {  	_ =	shalt  }
0x51: {  	_ =	shalt  }
0x52: {  	_ =	shalt  }
0x53: {  	_ =	shalt  }
0x54: {  	_ =	shalt  }
0x55: {  	_ =	shalt  }
0x56: {  	_ =	shalt  }
0x57: {  	_ =	shalt  }
0x58: {  	_ =	shalt  }
0x59: {  	_ =	shalt  }
0x5a: {  	_ =	shalt  }
0x5b: {  	_ =	shalt  }
0x5c: {  	_ =	shalt  }
0x5d: {  	_ =	shalt  }
0x5e: {  	_ =	shalt  }
0x5f: {  	_ =	shalt  }
0x60: {  	_ =	shalt  }
0x61: {  	_ =	shalt  }
0x62: {  	_ =	shalt  }
0x63: {  	_ =	shalt  }
0x64: {  	_ =	shalt  }
0x65: {  	_ =	shalt  }
0x66: {  	_ =	shalt  }
0x67: {  	_ =	shalt  }
0x68: {  	_ =	shalt  }
0x69: {  	_ =	shalt  }
0x6a: {  	_ =	shalt  }
0x6b: {  	_ =	shalt  }
0x6c: {  	_ =	shalt  }
0x6d: {  	_ =	shalt  }
0x6e: {  	_ =	shalt  }
0x6f: {  	_ =	shalt  }
0x70: {  	_ =	shalt  }
0x71: {  	_ =	shalt  }
0x72: {  	_ =	shalt  }
0x73: {  	_ =	shalt  }
0x74: {  	_ =	shalt  }
0x75: {  	_ =	shalt  }
0x76: {  	_ =	shalt  }
0x77: {  	_ =	shalt  }
0x78: {  	_ =	shalt  }
0x79: {  	_ =	shalt  }
0x7a: {  	_ =	shalt  }
0x7b: {  	_ =	shalt  }
0x7c: {  	_ =	shalt  }
0x7d: {  	_ =	shalt  }
0x7e: {  	_ =	shalt  }
0x7f: {  	_ =	shalt  }
0x80: {  	_ =	shalt  }
0x81: {  	_ =	shalt  }
0x82: {  	_ =	shalt  }
0x83: {  	_ =	shalt  }
0x84: {  	_ =	shalt  }
0x85: {  	_ =	shalt  }
0x86: {  	_ =	shalt  }
0x87: {  	_ =	shalt  }
.Lfunc_end0:
.L_simem_size_0:
called_computation.1_lowered:
.L_overlay_start_0:
0x88: {  	s2 =	sld [smem:$0x3FD9]  }
0x89: {  	s3 =	sld [smem:$0x3FFE];
	_ =	sdelay $0x1  }
0x8a: {  	s1 =	srdreg.scid  }
0x8b: {  	s0 =	sand.u32 $0x1, s1  }
0x8c: {  	s17 =	sshll.u32 s0, $0xA;
	s2 =	sadd.s32 s3, s2  }
0x8d: {  	s2 =	sadd.s32 s2, s17  }
0x8e: {  	[smem:$0x3FB5] =	sst s2  }
0x8f: {  	_ = 	snop  }
0x90: {  	s2 =	sld [smem:$0x3FD0];
	(tm) =	ssettm $0x1  }
0x91: {  	s18 =	sld [smem:$0x3FFB];
	_ =	sdelay $0x3  }
0x92: {  	_ =	strace s18  }
0x93: {  	s3 =	sld [smem:$0x3FFC];
	_ =	sdelay $0x3  }
0x94: {  	_ =	strace s3  }
0x95: {  	s3 =	sld [smem:$0x3FFD];
	_ =	sdelay $0x3  }
0x96: {  	_ =	strace s3  }
0x97: {  	_ =	strace $0x8FFFFFFF  }
0x98: {  	s19 =	sld [smem:$0x3FDB];
	_ =	sdelay $0x1  }
0x99: {  	s4 =	simm.s32 $_scs_section_size  }
0x9a: {  	s5 =	simm.s32 $_size__tile_overlayer_lowered;
	s6 =	simm.s32 $_tile_overlayer_lowered  }
0x9b: {  	s22 =	simm.s32 $0x1BFF;
	s21 =	sshll.u32 s6, $0x1;
	s3 =	sadd.s32 s4, s19  }
0x9c: {  	s7 =	simm.s32 $0x0;
	s20 =	sshll.u32 s5, $0x1;
	s5 =	sadd.s32 s21, s3  }
0x9d: {  	[timem:s7], [sflag:s22] =	dma.local [hbm:s5], s20  }
0x9e: {  	_ =	swait.ge [sflag:s22], s20  }
0x9f: {  	s4 =	ssub.s32 $0x0, s20;
	[sflag:s22] =	ssyncset.done $0x0  }
0xa0: {  	[sflag:s22] =	ssyncadd.s32 s4;
	_ =	sdelay $0x1  }
0xa1: {  	s23 =	simm.s32 $0x1B8B  }
0xa2: {  	_ =	swait.ge [sflag:s23], $0x1  }
0xa3: {  	[sflag:s23] =	ssyncset.done $0x0  }
0xa4: {  	s25 =	simm.s32 $0x1B8E;
	s24 =	sld [smem:$0x3FFE];
	[sflag:s23] =	ssyncadd.s32 $0xFFFFFFFF  }
0xa5: {  	s26 =	simm.s32 $execute0_lowered;
	[smem:$0x3FD2] =	sst s25  }
0xa6: {  	s5 =	sshll.u32 s26, $0x1;
	_ =	strace $0x80000049;
	[dreg:$0x1] =	wrdreg $0xFFFFFFFF  }
0xa7: {  	s28 =	simm.s32 $_size_execute0_lowered;
	s3 =	sadd.s32 s3, s5;
	[dreg:$0x0] =	wrdreg $0x0  }
0xa8: {  	s5 =	sshll.u32 s28, $0x1;
	[dreg:$0x2] =	wrdreg s3  }
0xa9: {  	[dreg:$0x3] =	wrdreg s5  }
0xaa: {  	[dreg:$0x4] =	wrdreg $0xC0  }
0xab: {  	_ =	task [dreg:s7], $0x5FFFF  }
0xac: {  	[dreg:$0x1] =	wrdreg $0xFFFFFFFF  }
0xad: {  	[dreg:$0x0] =	wrdreg $0x60  }
0xae: {  	[dreg:$0x2] =	wrdreg s2  }
0xaf: {  	[dreg:$0x3] =	wrdreg s24  }
0xb0: {  	[dreg:$0x4] =	wrdreg $0x82000  }
0xb1: {  	[dreg:$0x5] =	wrdreg $0x9  }
0xb2: {  	_ =	task.clear_ibuf [dreg:s7], $0x6FFFF;
	_ =	strace $0x90000049  }
0xb3: {  	s29 =	simm.s32 $0x9;
	_ =	strace $0x8000004B  }
0xb4: {  	_ =	swait.ge [sflag:s29], $0x1  }
0xb5: {  	[sflag:s29] =	ssyncadd.s32 $0xFFFFFFFF  }
0xb6: {  	_ =	strace $0x9000004B  }
0xb7: {  	_ =	sfence  }
0xb8: {  	s30 =	sld [smem:$0x0];
	_ =	sdelay $0x2  }
0xb9: {  	s31 =	sshll.u32 s1, $0xD;
	s1 =	sshrl.u32 s1, $0x2  }
0xba: {  	s3 =	sand.u32 $0x4000, s31;
	s1 =	sadd.s32 s1, s30  }
0xbb: {  	s0 =	sor.u32 s3, s0;
	s1 =	sshll.u32 s1, $0x11  }
0xbc: {  	s0 =	sor.u32 s1, s0  }
0xbd: {  	s0 =	sadd.s32 $0x8F2B, s0  }
0xbe: {  	[sflag:s0] =	ssyncadd.remote.s32 $0x1  }
0xbf: {  	_ =	sfence.sel $0xFFFF  }
0xc0: {  	[dreg:$0x0] =	wrdreg $0xFFFFFFFF;
	(pc) =	sbr.abs _section_cstart, $3  }
0xc1: {  	[dreg:$0x1] =	wrdreg $0xFFFFFFFF  }
0xc2: {  	_ =	task.clear_ibuf [dreg:s7], $0x2FFFF;
	_ =	strace $0x9FFFFFFF  }
0xc3: {  	(tm) =	ssettm $0x7FFFFFFF  }
tec
execute0_lowered:
.L_overlay_start_1:
0x0: {  	(tag) =	ssettag $0x1  }
0x1: {  	s1 =	rddreg [dreg:$0x0];
	s2 =	srdreg.scid  }
0x2: {  	s6 =	rddreg [dreg:$0x1];
	s0 =	stileid.u32  }
0x3: {  	s3 =	rddreg [dreg:$0x2];
	s4 =	simm.s32 $0x0;
	s17 =	simm.s32 $0x3  }
0x4: {  	s18 =	simm.s32 $0x80;
	s19 =	simm.s32 $0x100;
	s20 =	simm.s32 $0x180  }
0x5: {  	s21 =	simm.s32 $0x4200;
	s22 =	simm.s32 $0x1;
	s23 =	simm.s32 $0x2  }
0x6: {  	s24 =	simm.s32 $0x0;
	s5 =	sand.u32 $0x1, s2;
	s2 =	rddreg [dreg:$0x3]  }
0x7: {  	s7 =	sshll.u32 s0, $0x9;
	[smem:$0x7FF] =	sst s4;
	s28 =	smul.u32 $0x4F000, s0  }
0x8: {  	s12 =	smul.u32 $0x13C00, s0;
	s13 =	sadd.s32 $0x17400, s6;
	p0 =	seq.s32 s0, $0xF  }
0x9: {  	s8 =	sshll.u32 s5, $0x8;
	_ =	strace $0x8000004A;
	s29 =	ssub.s32 $0x2, s5  }
0xa: {  	s10 =	smul.u32 $0x138800, s5;
	s11 =	sor.u32 s8, s7;
	s8 =	sshrl.u32 s28, $0x2  }
0xb: {  	s9 =	sshrl.u32 s29, $0x1;
	s7 =	sshrl.u32 s11, $0x3;
	s5 =	sadd.s32 s8, s3  }
0xc: {  	s14 =	ssub.s32 s29, s9;
	s12 =	sadd.s32 s12, s10;
	s16 =	sshrl.u32 s10, $0x3  }
0xd: {  	s31 =	ssub.s32 $0x50100, s11;
	s15 =	sadd.s32 s7, s6;
	s6 =	sadd.s32 $0x4000, s5  }
0xe: {  	s7 =	sadd.s32 $0x8000, s5;
	s8 =	sadd.s32 $0xC000, s5;
	s9 =	sadd.s32 $0x10000, s5  }
0xf: {  	s12 =	sshrl.u32 s12, $0x3;
	s30 =	sadd.s32 s13, s16;
	s16 =	simm.s32 $0x200  }
0x10: {  	s10 =	sadd.s32 s13, s12;
	s11 =	sadd.s32 $0x25080, s30;
	s12 =	smax.u32 s14, $0x1  }
0x11: {  	v0 =	vimm.f32 $0.0e+00;
	s13 =	sshrl.u32 s31, $0xD;
	s14 =	sadd.s32 $0xD610, s15;
	s15 =	sadd.s32 $0x3810, s15  }
.LBB2_1:
0x12: {  	s25 =	simm.s32 $0x0;
	s26 =	simm.s32 $0x200  }
.LBB2_2:
0x13: {  	p1 =	sne.s32 s26, $0xFE00;
	[tilespmem:s25+$0x270] =	vst v0  }
0x14: {  	[tilespmem:s25+$0x200] =	vst v0  }
0x15: {  	[tilespmem:s25+$0x210] =	vst v0  }
.Ltmp0:
0x16: {  	[tilespmem:s25+$0x220] =	vst v0;
	(pc) =	sbr.rel @p1 .LBB2_2-.Ltmp0, $4  }
0x17: {  	[tilespmem:s25+$0x230] =	vst v0  }
0x18: {  	[tilespmem:s25+$0x240] =	vst v0  }
0x19: {  	[tilespmem:s25+$0x250] =	vst v0  }
0x1a: {  	[tilespmem:s25+$0x260] =	vst v0;
	s25 =	sshra.s32 s26, $0x2;
	s26 =	sadd.s32 $0x200, s26  }
0x1b: {  	[tilespmem:s25+$0x270] =	vst v0  }
0x1c: {  	[tilespmem:s25+$0x200] =	vst v0  }
0x1d: {  	[tilespmem:s25+$0x210] =	vst v0  }
0x1e: {  	[tilespmem:s25+$0x220] =	vst v0  }
0x1f: {  	[tilespmem:s25+$0x230] =	vst v0  }
0x20: {  	[tilespmem:s25+$0x240] =	vst v0  }
0x21: {  	[tilespmem:s25+$0x250] =	vst v0  }
0x22: {  	[tilespmem:s25+$0x260] =	vst v0  }
0x23: {  	[spmem:s5] =	stream.linear.scatter [tilespmem:s16], [sflag:$0x3], $0x4000, $0x38;
	[tilespmem:$0x1BE00] =	vst v63  }
0x24: {  	_ =	swait.ge [sflag:s17], $0x4000  }
0x25: {  	[sflag:s17] =	ssyncset.done $0x0  }
0x26: {  	[sflag:s17] =	ssyncadd.s32 $0xFFFFC000  }
0x27: {  	[spmem:s6] =	stream.linear.scatter [tilespmem:s16], [sflag:$0x3], $0x4000, $0x38;
	[tilespmem:$0x1BE00] =	vst v63  }
0x28: {  	_ =	swait.ge [sflag:s17], $0x4000  }
0x29: {  	[sflag:s17] =	ssyncset.done $0x0  }
0x2a: {  	[sflag:s17] =	ssyncadd.s32 $0xFFFFC000  }
0x2b: {  	[spmem:s7] =	stream.linear.scatter [tilespmem:s16], [sflag:$0x3], $0x4000, $0x38;
	[tilespmem:$0x1BE00] =	vst v63  }
0x2c: {  	_ =	swait.ge [sflag:s17], $0x4000  }
0x2d: {  	[sflag:s17] =	ssyncset.done $0x0  }
0x2e: {  	[sflag:s17] =	ssyncadd.s32 $0xFFFFC000  }
0x2f: {  	[spmem:s8] =	stream.linear.scatter [tilespmem:s16], [sflag:$0x3], $0x4000, $0x38;
	[tilespmem:$0x1BE00] =	vst v63  }
0x30: {  	_ =	swait.ge [sflag:s17], $0x4000  }
0x31: {  	[sflag:s17] =	ssyncset.done $0x0  }
0x32: {  	p2 =	sne.s32 s13, $0x1;
	[sflag:s17] =	ssyncadd.s32 $0xFFFFC000  }
0x33: {  	[spmem:s9] =	stream.linear.scatter [tilespmem:s16], [sflag:$0x3], $0x3C00, $0x38;
	[tilespmem:$0x1BE00] =	vst v63  }
.Ltmp1:
0x34: {  	_ =	swait.ge [sflag:s17], $0x3C00;
	(pc) =	sbr.rel @!p2 .LBB2_7-.Ltmp1, $4  }
0x35: {  	[sflag:s17] =	ssyncset.done $0x0  }
0x36: {  	[sflag:s17] =	ssyncadd.s32 $0xFFFFC400  }
0x37: {  	s28 =	sadd.s32 $0xFFFFFFFF, s13;
	[bflag:$0x0] =	sbarrier.arrive $0xFFFF  }
0x38: {  	p1 =	por $0x0, $0x0;
	s25 =	smov.u32 s14;
	s26 =	smov.u32 s15  }
0x39: {  	s25 =	sadd.s32 $0xFFFFFFF0, s14  }
0x3a: {  	[tilespmem:s4], [sflag:$0x3] =	stream.linear.gather [hbm4b:s25+s4], $0x80, $0x38;
	[tilespmem:$0x1BE00] =	vst v63  }
0x3b: {  	_ =	swait.ge [sflag:s17], $0x80  }
0x3c: {  	[sflag:s17] =	ssyncset.done $0x0  }
0x3d: {  	s31 =	sadd.s32 $0xFFFFFFF0, s15;
	[sflag:s17] =	ssyncadd.s32 $0xFFFFFF80  }
0x3e: {  	[tilespmem:s18], [sflag:$0x3] =	stream.linear.gather [hbm4b:s31+s4], $0x80, $0x38;
	[tilespmem:$0x1BE00] =	vst v63  }
0x3f: {  	_ =	swait.ge [sflag:s17], $0x80  }
0x40: {  	[sflag:s17] =	ssyncset.done $0x0  }
0x41: {  	[sflag:s17] =	ssyncadd.s32 $0xFFFFFF80  }
0x42: {  	[tilespmem:s16], [sflag:$0x1] =	stream.indirect.gather [hbm4b:s1+s18], $0x80, s4, s18, $0xb8;
	[tilespmem:$0x1BE00] =	vst v63  }
0x43: {  	_ = 	snop  }
0x44: {  	[tilespmem:s19], [sflag:$0x3] =	stream.linear.gather [hbm4b:s14+s4], $0x80, $0x38;
	[tilespmem:$0x1BE00] =	vst v63  }
0x45: {  	_ =	swait.ge [sflag:s17], $0x80  }
0x46: {  	[sflag:s17] =	ssyncset.done $0x0  }
0x47: {  	[sflag:s17] =	ssyncadd.s32 $0xFFFFFF80  }
0x48: {  	[tilespmem:s20], [sflag:$0x3] =	stream.linear.gather [hbm4b:s15+s4], $0x80, $0x38;
	[tilespmem:$0x1BE00] =	vst v63  }
0x49: {  	_ =	swait.ge [sflag:s17], $0x80  }
0x4a: {  	[sflag:s17] =	ssyncset.done $0x0  }
0x4b: {  	[sflag:s17] =	ssyncadd.s32 $0xFFFFFF80  }
0x4c: {  	[tilespmem:s21], [sflag:$0x2] =	stream.indirect.gather [hbm4b:s1+s18], $0x80, s19, s18, $0xb8;
	[tilespmem:$0x1BE00] =	vst v63  }
0x4d: {  	_ =	swait.ge [sflag:s22], $0x4000  }
0x4e: {  	[sflag:s22] =	ssyncset.done $0x0  }
0x4f: {  	[sflag:s22] =	ssyncadd.s32 $0xFFFFC000  }
0x50: {  	[spmem:s3] =	stream.indirect.scatter.add.f32 [tilespmem:s16], [sflag:$0x3], $0x80, s18, s18, $0xb8;
	[tilespmem:$0x1BE00] =	vst v63  }
0x51: {  	_ =	swait.ge [sflag:s17], $0x4000  }
0x52: {  	[sflag:s17] =	ssyncset.done $0x0  }
0x53: {  	[sflag:s17] =	ssyncadd.s32 $0xFFFFC000  }
0x54: {  	p2 =	sne.s32 s28, $0x1;
	_ =	swait.ge [sflag:s23], $0x4000  }
.Ltmp2:
0x55: {  	[sflag:s23] =	ssyncset.done $0x0;
	(pc) =	sbr.rel @!p2 .LBB2_5-.Ltmp2, $4  }
0x56: {  	[sflag:s23] =	ssyncadd.s32 $0xFFFFC000  }
0x57: {  	[spmem:s3] =	stream.indirect.scatter.add.f32 [tilespmem:s21], [sflag:$0x3], $0x80, s20, s18, $0xb8;
	[tilespmem:$0x1BE00] =	vst v63  }
0x58: {  	s28 =	sadd.s32 $0xFFFFFFFF, s28;
	p1 =	por $0x1, $0x1;
	_ =	swait.ge [sflag:s17], $0x4000  }
0x59: {  	s26 =	smov.u32 s15;
	s25 =	sadd.s32 $0x400, s14;
	[sflag:s17] =	ssyncset.done $0x0  }
.LBB2_6:
0x5a: {  	s29 =	sadd.s32 $0xFFFFFFF0, s25;
	[sflag:s17] =	ssyncadd.s32 $0xFFFFC000;
	s26 =	sadd.s32 $0x400, s26  }
0x5b: {  	[tilespmem:s4], [sflag:$0x3] =	stream.linear.gather [hbm4b:s29+s4], $0x80, $0x38;
	[tilespmem:$0x1BE00] =	vst v63  }
0x5c: {  	p2 =	sne.s32 s28, $0x1;
	s28 =	sadd.s32 $0xFFFFFFFF, s28;
	_ =	swait.ge [sflag:s17], $0x80  }
0x5d: {  	[sflag:s17] =	ssyncset.done $0x0  }
0x5e: {  	s29 =	sadd.s32 $0xFFFFFFF0, s26;
	[sflag:s17] =	ssyncadd.s32 $0xFFFFFF80  }
0x5f: {  	[tilespmem:s18], [sflag:$0x3] =	stream.linear.gather [hbm4b:s29+s4], $0x80, $0x38;
	[tilespmem:$0x1BE00] =	vst v63  }
0x60: {  	_ =	swait.ge [sflag:s17], $0x80  }
0x61: {  	[sflag:s17] =	ssyncset.done $0x0  }
0x62: {  	[sflag:s17] =	ssyncadd.s32 $0xFFFFFF80  }
0x63: {  	[tilespmem:s16], [sflag:$0x1] =	stream.indirect.gather [hbm4b:s1+s18], $0x80, s4, s18, $0xb8;
	[tilespmem:$0x1BE00] =	vst v63  }
0x64: {  	_ = 	snop  }
0x65: {  	[tilespmem:s19], [sflag:$0x3] =	stream.linear.gather [hbm4b:s25+s4], $0x80, $0x38;
	[tilespmem:$0x1BE00] =	vst v63  }
0x66: {  	_ =	swait.ge [sflag:s17], $0x80  }
0x67: {  	[sflag:s17] =	ssyncset.done $0x0  }
0x68: {  	[sflag:s17] =	ssyncadd.s32 $0xFFFFFF80  }
0x69: {  	[tilespmem:s20], [sflag:$0x3] =	stream.linear.gather [hbm4b:s26+s4], $0x80, $0x38;
	[tilespmem:$0x1BE00] =	vst v63  }
0x6a: {  	_ =	swait.ge [sflag:s17], $0x80  }
0x6b: {  	[sflag:s17] =	ssyncset.done $0x0  }
0x6c: {  	[sflag:s17] =	ssyncadd.s32 $0xFFFFFF80  }
0x6d: {  	[tilespmem:s21], [sflag:$0x2] =	stream.indirect.gather [hbm4b:s1+s18], $0x80, s19, s18, $0xb8;
	[tilespmem:$0x1BE00] =	vst v63  }
0x6e: {  	_ =	swait.ge [sflag:s22], $0x4000  }
0x6f: {  	[sflag:s22] =	ssyncset.done $0x0  }
0x70: {  	[sflag:s22] =	ssyncadd.s32 $0xFFFFC000  }
0x71: {  	[spmem:s3] =	stream.indirect.scatter.add.f32 [tilespmem:s16], [sflag:$0x3], $0x80, s18, s18, $0xb8;
	[tilespmem:$0x1BE00] =	vst v63  }
0x72: {  	_ =	swait.ge [sflag:s17], $0x4000  }
0x73: {  	[sflag:s17] =	ssyncset.done $0x0  }
0x74: {  	[sflag:s17] =	ssyncadd.s32 $0xFFFFC000  }
0x75: {  	_ =	swait.ge [sflag:s23], $0x4000  }
.Ltmp3:
0x76: {  	[sflag:s23] =	ssyncset.done $0x0;
	(pc) =	sbr.rel @p2 .LBB2_6-.Ltmp3, $4  }
0x77: {  	[sflag:s23] =	ssyncadd.s32 $0xFFFFC000  }
0x78: {  	[spmem:s3] =	stream.indirect.scatter.add.f32 [tilespmem:s21], [sflag:$0x3], $0x80, s20, s18, $0xb8;
	[tilespmem:$0x1BE00] =	vst v63  }
0x79: {  	_ =	swait.ge [sflag:s17], $0x4000  }
0x7a: {  	s25 =	sadd.s32 $0x400, s25;
	[sflag:s17] =	ssyncset.done $0x0  }
.LBB2_7:
0x7b: {  	s28 =	sadd.s32 $0xFFFFFFF0, s25;
	[sflag:s17] =	ssyncadd.s32 @p1 $0xFFFFC000  }
0x7c: {  	[tilespmem:s4], [sflag:$0x3] =	stream.linear.gather [hbm4b:s28+s4], $0x80, $0x38;
	[tilespmem:$0x1BE00] =	vst v63  }
0x7d: {  	s26 =	sadd.s32 @p1 $0x400, s26;
	s28 =	smov.u32 s15;
	_ =	swait.ge [sflag:s17], $0x80  }
0x7e: {  	s28 =	smov.u32 @p1 s26;
	[sflag:s17] =	ssyncset.done $0x0  }
0x7f: {  	s26 =	sadd.s32 $0xFFFFFFF0, s28;
	[sflag:s17] =	ssyncadd.s32 $0xFFFFFF80  }
0x80: {  	[tilespmem:s18], [sflag:$0x3] =	stream.linear.gather [hbm4b:s26+s4], $0x80, $0x38;
	[tilespmem:$0x1BE00] =	vst v63  }
0x81: {  	_ =	swait.ge [sflag:s17], $0x80  }
0x82: {  	[sflag:s17] =	ssyncset.done $0x0  }
0x83: {  	[sflag:s17] =	ssyncadd.s32 $0xFFFFFF80  }
0x84: {  	[tilespmem:s16], [sflag:$0x1] =	stream.indirect.gather [hbm4b:s1+s18], $0x80, s4, s18, $0xb8;
	[tilespmem:$0x1BE00] =	vst v63  }
0x85: {  	_ = 	snop  }
0x86: {  	[tilespmem:s19], [sflag:$0x3] =	stream.linear.gather [hbm4b:s25+s4], $0x80, $0x38;
	[tilespmem:$0x1BE00] =	vst v63  }
0x87: {  	_ =	swait.ge [sflag:s17], $0x80  }
0x88: {  	[sflag:s17] =	ssyncset.done $0x0  }
0x89: {  	[sflag:s17] =	ssyncadd.s32 $0xFFFFFF80  }
0x8a: {  	[tilespmem:s20], [sflag:$0x3] =	stream.linear.gather [hbm4b:s28+s4], $0x80, $0x38;
	[tilespmem:$0x1BE00] =	vst v63  }
0x8b: {  	_ =	swait.ge [sflag:s17], $0x80  }
0x8c: {  	[sflag:s17] =	ssyncset.done $0x0  }
0x8d: {  	[sflag:s17] =	ssyncadd.s32 $0xFFFFFF80  }
0x8e: {  	[tilespmem:s21], [sflag:$0x2] =	stream.indirect.gather [hbm4b:s1+s18], $0x80, s19, s18, $0xb8;
	[tilespmem:$0x1BE00] =	vst v63  }
0x8f: {  	_ =	swait.ge [sflag:s22], $0x4000  }
0x90: {  	[sflag:s22] =	ssyncset.done $0x0  }
0x91: {  	[sflag:s22] =	ssyncadd.s32 $0xFFFFC000  }
0x92: {  	[spmem:s3] =	stream.indirect.scatter.add.f32 [tilespmem:s16], [sflag:$0x3], $0x80, s18, s18, $0xb8;
	[tilespmem:$0x1BE00] =	vst v63  }
0x93: {  	_ =	swait.ge [sflag:s17], $0x4000  }
0x94: {  	[sflag:s17] =	ssyncset.done $0x0  }
0x95: {  	[sflag:s17] =	ssyncadd.s32 $0xFFFFC000  }
0x96: {  	_ =	swait.ge [sflag:s23], $0x4000  }
0x97: {  	[sflag:s23] =	ssyncset.done $0x0  }
0x98: {  	[sflag:s23] =	ssyncadd.s32 $0xFFFFC000  }
0x99: {  	[spmem:s3] =	stream.indirect.scatter.add.f32 [tilespmem:s21], [sflag:$0x3], $0x80, s20, s18, $0xb8;
	[tilespmem:$0x1BE00] =	vst v63  }
0x9a: {  	_ =	swait.ge [sflag:s17], $0x4000  }
0x9b: {  	[sflag:s17] =	ssyncset.done $0x0  }
0x9c: {  	[sflag:s17] =	ssyncadd.s32 $0xFFFFC000  }
0x9d: {  	s26 =	simm.s32 @p0 $0x1FC3;
	s25 =	sshrl.u32 @p0 s5, $0x3;
	[bflag:$0x0] =	sbarrier.arrive $0xFFFF  }
0x9e: {  	[hbm:s11], [sflag:s26] =	dma.local @p0 [spmem:s25], $0x2080  }
0x9f: {  	s25 =	simm.s32 @p0 $0x3  }
0xa0: {  	s24 =	sadd.s32 $0x1, s24;
	_ =	swait.ge @p0 [sflag:s25], $0x2080  }
0xa1: {  	p1 =	sne.s32 s24, s12;
	s26 =	sshll.u32 @!p0 s0, $0x6;
	[sflag:s25] =	ssyncset.done @p0 $0x0  }
0xa2: {  	[sflag:s25] =	ssyncadd.s32 @p0 $0xFFFFDF80;
	s25 =	sor.u32 @!p0 $0x1C03, s26;
	s26 =	sshrl.u32 @!p0 s5, $0x3  }
0xa3: {  	[hbm:s10], [sflag:s25] =	dma.local @!p0 [spmem:s26], $0x2780  }
.Ltmp4:
0xa4: {  	_ = 	snop;
	(pc) =	sbr.rel @p1 .LBB2_1-.Ltmp4, $4  }
.Ltmp5:
0xa5: {  	s25 =	simm.s32 @!p0 $0x3;
	(pc) =	sbr.rel @!p1 .LBB2_8-.Ltmp5, $4  }
0xa6: {  	_ =	swait.ge @!p0 [sflag:s25], $0x2780  }
0xa7: {  	[sflag:s25] =	ssyncset.done @!p0 $0x0  }
0xa8: {  	[sflag:s25] =	ssyncadd.s32 @!p0 $0xFFFFD880  }
0xa9: {  	_ = 	snop  }
.LBB2_5:
.Ltmp6:
0xaa: {  	(pc) =	sbr.rel .LBB2_7-.Ltmp6, $2  }
0xab: {  	_ =	sdelay $0x2  }
0xac: {  	s26 =	smov.u32 s15  }
.LBB2_8:
0xad: {  	_ =	sfence.sel $0x180000  }
0xae: {  	[bflag:$0x0] =	sbarrier.arrive $0xFFFF  }
0xaf: {  	p0 =	sne.s32 s0, $0x0;
	_ =	strace $0x9000004A  }
0xb0: {  	s0 =	sadd.s32 @!p0 $0x100000, s2;
	[bflag:$0x2] =	sbarrier.arrive $0xFFFF  }
0xb1: {  	[sflag:s0] =	ssyncadd.tile.s32 @!p0 $0x1;
	_ =	shalt  }
.Lfunc_end2:
_tile_overlayer_lowered:
.L_overlay_start_2:
0xb2: {  	(tag) =	ssettag $0x2  }
0xb3: {  	s0 =	rddreg [dreg:$0x0];
	s2 =	stileid.u32  }
0xb4: {  	s1 =	rddreg [dreg:$0x1];
	p0 =	sne.s32 s2, $0x0  }
0xb5: {  	s3 =	rddreg [dreg:$0x2];
	[bflag:$0x3] =	sbarrier.arrive $0xFFFF;
	s2 =	simm.s32 @!p0 $0x1C03  }
0xb6: {  	[timem:s3], [sflag:s2] =	dma.local @!p0 [hbm:s0], s1  }
0xb7: {  	s0 =	simm.s32 @!p0 $0x3  }
0xb8: {  	_ =	swait.ge @!p0 [sflag:s0], s1  }
0xb9: {  	s1 =	ssub.s32 @!p0 $0x0, s1;
	[sflag:s0] =	ssyncset.done @!p0 $0x0  }
0xba: {  	[sflag:s0] =	ssyncadd.s32 @!p0 s1  }
0xbb: {  	[bflag:$0x3] =	sbarrier.arrive $0xFFFF  }
0xbc: {  	_ =	shalt  }

// kernel: kernel.15.cloned.1.call-start
scs
__scs_entry_jumppad:
0x0: {  	(pc) =	sbr.rel $0x88, $3  }
0x1: {  	(tag) =	ssettag $0x0;
	lr =	simm.s32 $0x1  }
0x2: {  	[smem:$0x3F8E] =	sst lr;
	_ =	strace $0xD0000000  }
0x3: {  	_ = 	snop  }
0x4: {  	_ = 	snop  }
0x5: {  	_ = 	snop  }
0x6: {  	_ = 	snop  }
0x7: {  	_ = 	snop  }
__scs_overlays_trampoline_lowered:
0x8: {  	[smem:$0x3F9D] =	sst s0  }
0x9: {  	[smem:$0x3F9E] =	sst s1  }
0xa: {  	[smem:$0x3F9F] =	sst s2  }
0xb: {  	[smem:$0x3FA0] =	sst s3  }
0xc: {  	[smem:$0x3FA1] =	sst s4  }
0xd: {  	[smem:$0x3FA2] =	sst s5  }
0xe: {  	[smem:$0x3FA3] =	sst s6  }
0xf: {  	[smem:$0x3FA4] =	sst s7  }
0x10: {  	[smem:$0x3FA5] =	sst s8  }
0x11: {  	[smem:$0x3FA6] =	sst s9;
	s0 =	simm.s32 @!p0 $0x0  }
0x12: {  	s1 =	sld [smem:$0x3F8C];
	s0 =	simm.s32 @p0 $0x1  }
0x13: {  	[smem:$0x3FA7] =	sst s0;
	s0 =	simm.s32 @!p1 $0x0  }
0x14: {  	s2 =	sld [smem:$0x3F8B];
	s0 =	simm.s32 @p1 $0x1  }
0x15: {  	[smem:$0x3FA8] =	sst s0;
	s0 =	simm.s32 @!p2 $0x0  }
0x16: {  	s3 =	sld [smem:$0x3FDB];
	s0 =	simm.s32 @p2 $0x1  }
0x17: {  	s4 =	simm.s32 $0x1BF5;
	[smem:$0x3FAA] =	sst s0  }
0x18: {  	s0 =	sld [smem:$0x3F8D];
	_ =	swait.ge [sflag:s4], $0x0  }
0x19: {  	s7 =	sld [smem:$0x3F8E]  }
0x1a: {  	s8 =	sadd.s32 $0xFFFFE003, lr  }
0x1b: {  	s9 =	sadd.s32 $0xFFFFFEF7, lr;
	s5 =	simm.s32 $0xFFFFFFFF;
	p2 =	slt.u32 s8, $0xFFFFF086  }
0x1c: {  	p1 =	slt.u32 s9, $0xF7A;
	s5 =	simm.s32 @!p2 $0x0  }
0x1d: {  	s5 =	simm.s32 @p1 $0x1;
	p0 =	seq.s32 s7, s2  }
0x1e: {  	s7 =	smul.u32 @!p0 $0xF7A, s2;
	p2 =	seq.s32 @!p0 s5, $0x0  }
0x1f: {  	s9 =	smul.u32 $0xF7A, s1;
	s8 =	simm.s32 @!p0 $0x1BF5;
	p2 =	por !p2, p0  }
0x20: {  	[sflag:s8] =	ssyncset.s32 @!p0 $0xFFFFF086;
	s6 =	sadd.s32 @!p0 s3, s7;
	s7 =	simm.s32 @!p0 $0x108  }
0x21: {  	s3 =	sadd.s32 s3, s9;
	s6 =	sadd.s32 @!p0 $0x88, s6;
	s7 =	simm.s32 @p2 $0x1082  }
0x22: {  	[simem:s7], [sflag:s8] =	dma.local @!p0 [hbm:s6], $0xF7A  }
0x23: {  	s9 =	sor.u32 $0xD0000000, s2;
	s6 =	simm.s32 $0x108;
	_ =	swait.ge @!p0 [sflag:s8], $0x0  }
0x24: {  	s3 =	sadd.s32 $0x88, s3;
	s6 =	simm.s32 @!p1 $0x1082;
	[sflag:s4] =	ssyncset.s32 $0xFFFFF086  }
0x25: {  	[simem:s6], [sflag:s4] =	dma.local [hbm:s3], $0xF7A  }
0x26: {  	[smem:$0x3F8E] =	sst s1;
	(tag) =	ssettag s2;
	_ =	strace s9  }
0x27: {  	s1 =	sld [smem:$0x3F9E]  }
0x28: {  	s2 =	sld [smem:$0x3F9F]  }
0x29: {  	s4 =	sld [smem:$0x3FA1]  }
0x2a: {  	p0 =	seq.s32 s5, $0x0;
	s5 =	sld [smem:$0x3FA2]  }
0x2b: {  	s6 =	sld [smem:$0x3FA3]  }
0x2c: {  	s7 =	sld [smem:$0x3FA4]  }
0x2d: {  	s3 =	simm.s32 $0x108;
	s8 =	sld [smem:$0x3FA5]  }
0x2e: {  	s3 =	simm.s32 @!p0 $0x1082;
	s9 =	sld [smem:$0x3FA6]  }
0x2f: {  	lr =	sadd.s32 s0, s3;
	s0 =	sld [smem:$0x3F9D]  }
0x30: {  	s3 =	sld [smem:$0x3FA0]  }
0x31: {  	[smem:$0x3FA9] =	sst s10  }
0x32: {  	s10 =	sld [smem:$0x3FA7];
	_ =	sdelay $0x3  }
0x33: {  	p0 =	seq.s32 s10, $0x1;
	s10 =	sld [smem:$0x3FA9];
	_ =	sdelay $0x3  }
0x34: {  	[smem:$0x3FA9] =	sst s10  }
0x35: {  	s10 =	sld [smem:$0x3FA8];
	_ =	sdelay $0x3  }
0x36: {  	p1 =	seq.s32 s10, $0x1;
	s10 =	sld [smem:$0x3FA9];
	_ =	sdelay $0x3  }
0x37: {  	[smem:$0x3FA9] =	sst s10  }
0x38: {  	s10 =	sld [smem:$0x3FAA]  }
0x39: {  	_ = 	snop;
	(pc) =	sbr.ind lr, $3  }
0x3a: {  	_ = 	snop  }
0x3b: {  	_ = 	snop  }
0x3c: {  	p2 =	seq.s32 s10, $0x1;
	s10 =	sld [smem:$0x3FA9]  }
0x3d: {  	_ =	shalt  }
0x3e: {  	_ =	shalt  }
0x3f: {  	_ =	shalt  }
0x40: {  	_ =	shalt  }
0x41: {  	_ =	shalt  }
0x42: {  	_ =	shalt  }
0x43: {  	_ =	shalt  }
0x44: {  	_ =	shalt  }
0x45: {  	_ =	shalt  }
0x46: {  	_ =	shalt  }
0x47: {  	_ =	shalt  }
0x48: {  	_ =	shalt  }
0x49: {  	_ =	shalt  }
0x4a: {  	_ =	shalt  }
0x4b: {  	_ =	shalt  }
0x4c: {  	_ =	shalt  }
0x4d: {  	_ =	shalt  }
0x4e: {  	_ =	shalt  }
0x4f: {  	_ =	shalt  }
0x50: {  	_ =	shalt  }
0x51: {  	_ =	shalt  }
0x52: {  	_ =	shalt  }
0x53: {  	_ =	shalt  }
0x54: {  	_ =	shalt  }
0x55: {  	_ =	shalt  }
0x56: {  	_ =	shalt  }
0x57: {  	_ =	shalt  }
0x58: {  	_ =	shalt  }
0x59: {  	_ =	shalt  }
0x5a: {  	_ =	shalt  }
0x5b: {  	_ =	shalt  }
0x5c: {  	_ =	shalt  }
0x5d: {  	_ =	shalt  }
0x5e: {  	_ =	shalt  }
0x5f: {  	_ =	shalt  }
0x60: {  	_ =	shalt  }
0x61: {  	_ =	shalt  }
0x62: {  	_ =	shalt  }
0x63: {  	_ =	shalt  }
0x64: {  	_ =	shalt  }
0x65: {  	_ =	shalt  }
0x66: {  	_ =	shalt  }
0x67: {  	_ =	shalt  }
0x68: {  	_ =	shalt  }
0x69: {  	_ =	shalt  }
0x6a: {  	_ =	shalt  }
0x6b: {  	_ =	shalt  }
0x6c: {  	_ =	shalt  }
0x6d: {  	_ =	shalt  }
0x6e: {  	_ =	shalt  }
0x6f: {  	_ =	shalt  }
0x70: {  	_ =	shalt  }
0x71: {  	_ =	shalt  }
0x72: {  	_ =	shalt  }
0x73: {  	_ =	shalt  }
0x74: {  	_ =	shalt  }
0x75: {  	_ =	shalt  }
0x76: {  	_ =	shalt  }
0x77: {  	_ =	shalt  }
0x78: {  	_ =	shalt  }
0x79: {  	_ =	shalt  }
0x7a: {  	_ =	shalt  }
0x7b: {  	_ =	shalt  }
0x7c: {  	_ =	shalt  }
0x7d: {  	_ =	shalt  }
0x7e: {  	_ =	shalt  }
0x7f: {  	_ =	shalt  }
0x80: {  	_ =	shalt  }
0x81: {  	_ =	shalt  }
0x82: {  	_ =	shalt  }
0x83: {  	_ =	shalt  }
0x84: {  	_ =	shalt  }
0x85: {  	_ =	shalt  }
0x86: {  	_ =	shalt  }
0x87: {  	_ =	shalt  }
.Lfunc_end0:
.L_simem_size_0:
called_computation.2_lowered:
.L_overlay_start_0:
0x88: {  	s2 =	sld [smem:$0x3FD9]  }
0x89: {  	s3 =	sld [smem:$0x3FFE];
	_ =	sdelay $0x1  }
0x8a: {  	s1 =	srdreg.scid  }
0x8b: {  	s0 =	sand.u32 $0x1, s1  }
0x8c: {  	s17 =	sshll.u32 s0, $0xA;
	s2 =	sadd.s32 s3, s2  }
0x8d: {  	s2 =	sadd.s32 s2, s17  }
0x8e: {  	[smem:$0x3FB5] =	sst s2  }
0x8f: {  	_ = 	snop  }
0x90: {  	s2 =	sld [smem:$0x3FD0];
	(tm) =	ssettm $0x1  }
0x91: {  	s18 =	sld [smem:$0x3FFB];
	_ =	sdelay $0x3  }
0x92: {  	_ =	strace s18  }
0x93: {  	s3 =	sld [smem:$0x3FFC];
	_ =	sdelay $0x3  }
0x94: {  	_ =	strace s3  }
0x95: {  	s3 =	sld [smem:$0x3FFD];
	_ =	sdelay $0x3  }
0x96: {  	_ =	strace s3  }
0x97: {  	_ =	strace $0x8FFFFFFF  }
0x98: {  	s19 =	sld [smem:$0x3FDB];
	_ =	sdelay $0x1  }
0x99: {  	s4 =	simm.s32 $_scs_section_size  }
0x9a: {  	s5 =	simm.s32 $_size__tile_overlayer_lowered;
	s6 =	simm.s32 $_tile_overlayer_lowered  }
0x9b: {  	s22 =	simm.s32 $0x1BFF;
	s21 =	sshll.u32 s6, $0x1;
	s3 =	sadd.s32 s4, s19  }
0x9c: {  	s7 =	simm.s32 $0x0;
	s20 =	sshll.u32 s5, $0x1;
	s5 =	sadd.s32 s21, s3  }
0x9d: {  	[timem:s7], [sflag:s22] =	dma.local [hbm:s5], s20  }
0x9e: {  	_ =	swait.ge [sflag:s22], s20  }
0x9f: {  	s4 =	ssub.s32 $0x0, s20;
	[sflag:s22] =	ssyncset.done $0x0  }
0xa0: {  	[sflag:s22] =	ssyncadd.s32 s4;
	_ =	sdelay $0x1  }
0xa1: {  	s23 =	simm.s32 $0x1B8B  }
0xa2: {  	_ =	swait.ge [sflag:s23], $0x1  }
0xa3: {  	[sflag:s23] =	ssyncset.done $0x0  }
0xa4: {  	s25 =	simm.s32 $0x1B8E;
	s24 =	sld [smem:$0x3FFE];
	[sflag:s23] =	ssyncadd.s32 $0xFFFFFFFF  }
0xa5: {  	s26 =	simm.s32 $execute0_lowered;
	[smem:$0x3FD2] =	sst s25  }
0xa6: {  	s5 =	sshll.u32 s26, $0x1;
	_ =	strace $0x8000004C;
	[dreg:$0x1] =	wrdreg $0xFFFFFFFF  }
0xa7: {  	s28 =	simm.s32 $_size_execute0_lowered;
	s3 =	sadd.s32 s3, s5;
	[dreg:$0x0] =	wrdreg $0x0  }
0xa8: {  	s5 =	sshll.u32 s28, $0x1;
	[dreg:$0x2] =	wrdreg s3  }
0xa9: {  	[dreg:$0x3] =	wrdreg s5  }
0xaa: {  	[dreg:$0x4] =	wrdreg $0xC0  }
0xab: {  	_ =	task [dreg:s7], $0x5FFFF  }
0xac: {  	[dreg:$0x1] =	wrdreg $0xFFFFFFFF  }
0xad: {  	[dreg:$0x0] =	wrdreg $0x60  }
0xae: {  	[dreg:$0x2] =	wrdreg s2  }
0xaf: {  	[dreg:$0x3] =	wrdreg s24  }
0xb0: {  	[dreg:$0x4] =	wrdreg $0x82000  }
0xb1: {  	[dreg:$0x5] =	wrdreg $0x9  }
0xb2: {  	_ =	task.clear_ibuf [dreg:s7], $0x6FFFF;
	_ =	strace $0x9000004C  }
0xb3: {  	s29 =	simm.s32 $0x9;
	_ =	strace $0x8000004E  }
0xb4: {  	_ =	swait.ge [sflag:s29], $0x1  }
0xb5: {  	[sflag:s29] =	ssyncadd.s32 $0xFFFFFFFF  }
0xb6: {  	_ =	strace $0x9000004E  }
0xb7: {  	_ =	sfence  }
0xb8: {  	s30 =	sld [smem:$0x0];
	_ =	sdelay $0x2  }
0xb9: {  	s31 =	sshll.u32 s1, $0xD;
	s1 =	sshrl.u32 s1, $0x2  }
0xba: {  	s3 =	sand.u32 $0x4000, s31;
	s1 =	sadd.s32 s1, s30  }
0xbb: {  	s0 =	sor.u32 s3, s0;
	s1 =	sshll.u32 s1, $0x11  }
0xbc: {  	s0 =	sor.u32 s1, s0  }
0xbd: {  	s0 =	sadd.s32 $0x8F2B, s0  }
0xbe: {  	[sflag:s0] =	ssyncadd.remote.s32 $0x1  }
0xbf: {  	_ =	sfence.sel $0xFFFF  }
0xc0: {  	[dreg:$0x0] =	wrdreg $0xFFFFFFFF;
	(pc) =	sbr.abs _section_cstart, $3  }
0xc1: {  	[dreg:$0x1] =	wrdreg $0xFFFFFFFF  }
0xc2: {  	_ =	task.clear_ibuf [dreg:s7], $0x2FFFF;
	_ =	strace $0x9FFFFFFF  }
0xc3: {  	(tm) =	ssettm $0x7FFFFFFF  }
tec
execute0_lowered:
.L_overlay_start_1:
0x0: {  	(tag) =	ssettag $0x1  }
0x1: {  	s1 =	rddreg [dreg:$0x0];
	s2 =	srdreg.scid  }
0x2: {  	s6 =	rddreg [dreg:$0x1];
	s0 =	stileid.u32  }
0x3: {  	s3 =	rddreg [dreg:$0x2];
	s4 =	simm.s32 $0x0;
	s17 =	simm.s32 $0x3  }
0x4: {  	s18 =	simm.s32 $0x80;
	s19 =	simm.s32 $0x100;
	s20 =	simm.s32 $0x180  }
0x5: {  	s21 =	simm.s32 $0x4200;
	s22 =	simm.s32 $0x1;
	s23 =	simm.s32 $0x2  }
0x6: {  	s24 =	simm.s32 $0x0;
	s5 =	sand.u32 $0x1, s2;
	s2 =	rddreg [dreg:$0x3]  }
0x7: {  	s7 =	sshll.u32 s0, $0x9;
	[smem:$0x7FF] =	sst s4;
	s28 =	smul.u32 $0x4F000, s0  }
0x8: {  	s12 =	smul.u32 $0x13C00, s0;
	s13 =	sadd.s32 $0x17400, s6;
	p0 =	seq.s32 s0, $0xF  }
0x9: {  	s8 =	sshll.u32 s5, $0x8;
	_ =	strace $0x8000004D;
	s29 =	ssub.s32 $0x2, s5  }
0xa: {  	s10 =	smul.u32 $0x138800, s5;
	s11 =	sor.u32 s8, s7;
	s8 =	sshrl.u32 s28, $0x2  }
0xb: {  	s9 =	sshrl.u32 s29, $0x1;
	s7 =	sshrl.u32 s11, $0x3;
	s5 =	sadd.s32 s8, s3  }
0xc: {  	s14 =	ssub.s32 s29, s9;
	s12 =	sadd.s32 s12, s10;
	s16 =	sshrl.u32 s10, $0x3  }
0xd: {  	s31 =	ssub.s32 $0x50100, s11;
	s15 =	sadd.s32 s7, s6;
	s6 =	sadd.s32 $0x4000, s5  }
0xe: {  	s7 =	sadd.s32 $0x8000, s5;
	s8 =	sadd.s32 $0xC000, s5;
	s9 =	sadd.s32 $0x10000, s5  }
0xf: {  	s12 =	sshrl.u32 s12, $0x3;
	s30 =	sadd.s32 s13, s16;
	s16 =	simm.s32 $0x200  }
0x10: {  	s10 =	sadd.s32 s13, s12;
	s11 =	sadd.s32 $0x25080, s30;
	s12 =	smax.u32 s14, $0x1  }
0x11: {  	v0 =	vimm.f32 $0.0e+00;
	s13 =	sshrl.u32 s31, $0xD;
	s14 =	sadd.s32 $0xD610, s15;
	s15 =	sadd.s32 $0x3810, s15  }
.LBB2_1:
0x12: {  	s25 =	simm.s32 $0x0;
	s26 =	simm.s32 $0x200  }
.LBB2_2:
0x13: {  	p1 =	sne.s32 s26, $0xFE00;
	[tilespmem:s25+$0x270] =	vst v0  }
0x14: {  	[tilespmem:s25+$0x200] =	vst v0  }
0x15: {  	[tilespmem:s25+$0x210] =	vst v0  }
.Ltmp0:
0x16: {  	[tilespmem:s25+$0x220] =	vst v0;
	(pc) =	sbr.rel @p1 .LBB2_2-.Ltmp0, $4  }
0x17: {  	[tilespmem:s25+$0x230] =	vst v0  }
0x18: {  	[tilespmem:s25+$0x240] =	vst v0  }
0x19: {  	[tilespmem:s25+$0x250] =	vst v0  }
0x1a: {  	[tilespmem:s25+$0x260] =	vst v0;
	s25 =	sshra.s32 s26, $0x2;
	s26 =	sadd.s32 $0x200, s26  }
0x1b: {  	[tilespmem:s25+$0x270] =	vst v0  }
0x1c: {  	[tilespmem:s25+$0x200] =	vst v0  }
0x1d: {  	[tilespmem:s25+$0x210] =	vst v0  }
0x1e: {  	[tilespmem:s25+$0x220] =	vst v0  }
0x1f: {  	[tilespmem:s25+$0x230] =	vst v0  }
0x20: {  	[tilespmem:s25+$0x240] =	vst v0  }
0x21: {  	[tilespmem:s25+$0x250] =	vst v0  }
0x22: {  	[tilespmem:s25+$0x260] =	vst v0  }
0x23: {  	[spmem:s5] =	stream.linear.scatter [tilespmem:s16], [sflag:$0x3], $0x4000, $0x38;
	[tilespmem:$0x1BE00] =	vst v63  }
0x24: {  	_ =	swait.ge [sflag:s17], $0x4000  }
0x25: {  	[sflag:s17] =	ssyncset.done $0x0  }
0x26: {  	[sflag:s17] =	ssyncadd.s32 $0xFFFFC000  }
0x27: {  	[spmem:s6] =	stream.linear.scatter [tilespmem:s16], [sflag:$0x3], $0x4000, $0x38;
	[tilespmem:$0x1BE00] =	vst v63  }
0x28: {  	_ =	swait.ge [sflag:s17], $0x4000  }
0x29: {  	[sflag:s17] =	ssyncset.done $0x0  }
0x2a: {  	[sflag:s17] =	ssyncadd.s32 $0xFFFFC000  }
0x2b: {  	[spmem:s7] =	stream.linear.scatter [tilespmem:s16], [sflag:$0x3], $0x4000, $0x38;
	[tilespmem:$0x1BE00] =	vst v63  }
0x2c: {  	_ =	swait.ge [sflag:s17], $0x4000  }
0x2d: {  	[sflag:s17] =	ssyncset.done $0x0  }
0x2e: {  	[sflag:s17] =	ssyncadd.s32 $0xFFFFC000  }
0x2f: {  	[spmem:s8] =	stream.linear.scatter [tilespmem:s16], [sflag:$0x3], $0x4000, $0x38;
	[tilespmem:$0x1BE00] =	vst v63  }
0x30: {  	_ =	swait.ge [sflag:s17], $0x4000  }
0x31: {  	[sflag:s17] =	ssyncset.done $0x0  }
0x32: {  	p2 =	sne.s32 s13, $0x1;
	[sflag:s17] =	ssyncadd.s32 $0xFFFFC000  }
0x33: {  	[spmem:s9] =	stream.linear.scatter [tilespmem:s16], [sflag:$0x3], $0x3C00, $0x38;
	[tilespmem:$0x1BE00] =	vst v63  }
.Ltmp1:
0x34: {  	_ =	swait.ge [sflag:s17], $0x3C00;
	(pc) =	sbr.rel @!p2 .LBB2_7-.Ltmp1, $4  }
0x35: {  	[sflag:s17] =	ssyncset.done $0x0  }
0x36: {  	[sflag:s17] =	ssyncadd.s32 $0xFFFFC400  }
0x37: {  	s28 =	sadd.s32 $0xFFFFFFFF, s13;
	[bflag:$0x0] =	sbarrier.arrive $0xFFFF  }
0x38: {  	p1 =	por $0x0, $0x0;
	s25 =	smov.u32 s14;
	s26 =	smov.u32 s15  }
0x39: {  	s25 =	sadd.s32 $0xFFFFFFF0, s14  }
0x3a: {  	[tilespmem:s4], [sflag:$0x3] =	stream.linear.gather [hbm4b:s25+s4], $0x80, $0x38;
	[tilespmem:$0x1BE00] =	vst v63  }
0x3b: {  	_ =	swait.ge [sflag:s17], $0x80  }
0x3c: {  	[sflag:s17] =	ssyncset.done $0x0  }
0x3d: {  	s31 =	sadd.s32 $0xFFFFFFF0, s15;
	[sflag:s17] =	ssyncadd.s32 $0xFFFFFF80  }
0x3e: {  	[tilespmem:s18], [sflag:$0x3] =	stream.linear.gather [hbm4b:s31+s4], $0x80, $0x38;
	[tilespmem:$0x1BE00] =	vst v63  }
0x3f: {  	_ =	swait.ge [sflag:s17], $0x80  }
0x40: {  	[sflag:s17] =	ssyncset.done $0x0  }
0x41: {  	[sflag:s17] =	ssyncadd.s32 $0xFFFFFF80  }
0x42: {  	[tilespmem:s16], [sflag:$0x1] =	stream.indirect.gather [hbm4b:s1+s18], $0x80, s4, s18, $0xb8;
	[tilespmem:$0x1BE00] =	vst v63  }
0x43: {  	_ = 	snop  }
0x44: {  	[tilespmem:s19], [sflag:$0x3] =	stream.linear.gather [hbm4b:s14+s4], $0x80, $0x38;
	[tilespmem:$0x1BE00] =	vst v63  }
0x45: {  	_ =	swait.ge [sflag:s17], $0x80  }
0x46: {  	[sflag:s17] =	ssyncset.done $0x0  }
0x47: {  	[sflag:s17] =	ssyncadd.s32 $0xFFFFFF80  }
0x48: {  	[tilespmem:s20], [sflag:$0x3] =	stream.linear.gather [hbm4b:s15+s4], $0x80, $0x38;
	[tilespmem:$0x1BE00] =	vst v63  }
0x49: {  	_ =	swait.ge [sflag:s17], $0x80  }
0x4a: {  	[sflag:s17] =	ssyncset.done $0x0  }
0x4b: {  	[sflag:s17] =	ssyncadd.s32 $0xFFFFFF80  }
0x4c: {  	[tilespmem:s21], [sflag:$0x2] =	stream.indirect.gather [hbm4b:s1+s18], $0x80, s19, s18, $0xb8;
	[tilespmem:$0x1BE00] =	vst v63  }
0x4d: {  	_ =	swait.ge [sflag:s22], $0x4000  }
0x4e: {  	[sflag:s22] =	ssyncset.done $0x0  }
0x4f: {  	[sflag:s22] =	ssyncadd.s32 $0xFFFFC000  }
0x50: {  	[spmem:s3] =	stream.indirect.scatter.add.f32 [tilespmem:s16], [sflag:$0x3], $0x80, s18, s18, $0xb8;
	[tilespmem:$0x1BE00] =	vst v63  }
0x51: {  	_ =	swait.ge [sflag:s17], $0x4000  }
0x52: {  	[sflag:s17] =	ssyncset.done $0x0  }
0x53: {  	[sflag:s17] =	ssyncadd.s32 $0xFFFFC000  }
0x54: {  	p2 =	sne.s32 s28, $0x1;
	_ =	swait.ge [sflag:s23], $0x4000  }
.Ltmp2:
0x55: {  	[sflag:s23] =	ssyncset.done $0x0;
	(pc) =	sbr.rel @!p2 .LBB2_5-.Ltmp2, $4  }
0x56: {  	[sflag:s23] =	ssyncadd.s32 $0xFFFFC000  }
0x57: {  	[spmem:s3] =	stream.indirect.scatter.add.f32 [tilespmem:s21], [sflag:$0x3], $0x80, s20, s18, $0xb8;
	[tilespmem:$0x1BE00] =	vst v63  }
0x58: {  	s28 =	sadd.s32 $0xFFFFFFFF, s28;
	p1 =	por $0x1, $0x1;
	_ =	swait.ge [sflag:s17], $0x4000  }
0x59: {  	s26 =	smov.u32 s15;
	s25 =	sadd.s32 $0x400, s14;
	[sflag:s17] =	ssyncset.done $0x0  }
.LBB2_6:
0x5a: {  	s29 =	sadd.s32 $0xFFFFFFF0, s25;
	[sflag:s17] =	ssyncadd.s32 $0xFFFFC000;
	s26 =	sadd.s32 $0x400, s26  }
0x5b: {  	[tilespmem:s4], [sflag:$0x3] =	stream.linear.gather [hbm4b:s29+s4], $0x80, $0x38;
	[tilespmem:$0x1BE00] =	vst v63  }
0x5c: {  	p2 =	sne.s32 s28, $0x1;
	s28 =	sadd.s32 $0xFFFFFFFF, s28;
	_ =	swait.ge [sflag:s17], $0x80  }
0x5d: {  	[sflag:s17] =	ssyncset.done $0x0  }
0x5e: {  	s29 =	sadd.s32 $0xFFFFFFF0, s26;
	[sflag:s17] =	ssyncadd.s32 $0xFFFFFF80  }
0x5f: {  	[tilespmem:s18], [sflag:$0x3] =	stream.linear.gather [hbm4b:s29+s4], $0x80, $0x38;
	[tilespmem:$0x1BE00] =	vst v63  }
0x60: {  	_ =	swait.ge [sflag:s17], $0x80  }
0x61: {  	[sflag:s17] =	ssyncset.done $0x0  }
0x62: {  	[sflag:s17] =	ssyncadd.s32 $0xFFFFFF80  }
0x63: {  	[tilespmem:s16], [sflag:$0x1] =	stream.indirect.gather [hbm4b:s1+s18], $0x80, s4, s18, $0xb8;
	[tilespmem:$0x1BE00] =	vst v63  }
0x64: {  	_ = 	snop  }
0x65: {  	[tilespmem:s19], [sflag:$0x3] =	stream.linear.gather [hbm4b:s25+s4], $0x80, $0x38;
	[tilespmem:$0x1BE00] =	vst v63  }
0x66: {  	_ =	swait.ge [sflag:s17], $0x80  }
0x67: {  	[sflag:s17] =	ssyncset.done $0x0  }
0x68: {  	[sflag:s17] =	ssyncadd.s32 $0xFFFFFF80  }
0x69: {  	[tilespmem:s20], [sflag:$0x3] =	stream.linear.gather [hbm4b:s26+s4], $0x80, $0x38;
	[tilespmem:$0x1BE00] =	vst v63  }
0x6a: {  	_ =	swait.ge [sflag:s17], $0x80  }
0x6b: {  	[sflag:s17] =	ssyncset.done $0x0  }
0x6c: {  	[sflag:s17] =	ssyncadd.s32 $0xFFFFFF80  }
0x6d: {  	[tilespmem:s21], [sflag:$0x2] =	stream.indirect.gather [hbm4b:s1+s18], $0x80, s19, s18, $0xb8;
	[tilespmem:$0x1BE00] =	vst v63  }
0x6e: {  	_ =	swait.ge [sflag:s22], $0x4000  }
0x6f: {  	[sflag:s22] =	ssyncset.done $0x0  }
0x70: {  	[sflag:s22] =	ssyncadd.s32 $0xFFFFC000  }
0x71: {  	[spmem:s3] =	stream.indirect.scatter.add.f32 [tilespmem:s16], [sflag:$0x3], $0x80, s18, s18, $0xb8;
	[tilespmem:$0x1BE00] =	vst v63  }
0x72: {  	_ =	swait.ge [sflag:s17], $0x4000  }
0x73: {  	[sflag:s17] =	ssyncset.done $0x0  }
0x74: {  	[sflag:s17] =	ssyncadd.s32 $0xFFFFC000  }
0x75: {  	_ =	swait.ge [sflag:s23], $0x4000  }
.Ltmp3:
0x76: {  	[sflag:s23] =	ssyncset.done $0x0;
	(pc) =	sbr.rel @p2 .LBB2_6-.Ltmp3, $4  }
0x77: {  	[sflag:s23] =	ssyncadd.s32 $0xFFFFC000  }
0x78: {  	[spmem:s3] =	stream.indirect.scatter.add.f32 [tilespmem:s21], [sflag:$0x3], $0x80, s20, s18, $0xb8;
	[tilespmem:$0x1BE00] =	vst v63  }
0x79: {  	_ =	swait.ge [sflag:s17], $0x4000  }
0x7a: {  	s25 =	sadd.s32 $0x400, s25;
	[sflag:s17] =	ssyncset.done $0x0  }
.LBB2_7:
0x7b: {  	s28 =	sadd.s32 $0xFFFFFFF0, s25;
	[sflag:s17] =	ssyncadd.s32 @p1 $0xFFFFC000  }
0x7c: {  	[tilespmem:s4], [sflag:$0x3] =	stream.linear.gather [hbm4b:s28+s4], $0x80, $0x38;
	[tilespmem:$0x1BE00] =	vst v63  }
0x7d: {  	s26 =	sadd.s32 @p1 $0x400, s26;
	s28 =	smov.u32 s15;
	_ =	swait.ge [sflag:s17], $0x80  }
0x7e: {  	s28 =	smov.u32 @p1 s26;
	[sflag:s17] =	ssyncset.done $0x0  }
0x7f: {  	s26 =	sadd.s32 $0xFFFFFFF0, s28;
	[sflag:s17] =	ssyncadd.s32 $0xFFFFFF80  }
0x80: {  	[tilespmem:s18], [sflag:$0x3] =	stream.linear.gather [hbm4b:s26+s4], $0x80, $0x38;
	[tilespmem:$0x1BE00] =	vst v63  }
0x81: {  	_ =	swait.ge [sflag:s17], $0x80  }
0x82: {  	[sflag:s17] =	ssyncset.done $0x0  }
0x83: {  	[sflag:s17] =	ssyncadd.s32 $0xFFFFFF80  }
0x84: {  	[tilespmem:s16], [sflag:$0x1] =	stream.indirect.gather [hbm4b:s1+s18], $0x80, s4, s18, $0xb8;
	[tilespmem:$0x1BE00] =	vst v63  }
0x85: {  	_ = 	snop  }
0x86: {  	[tilespmem:s19], [sflag:$0x3] =	stream.linear.gather [hbm4b:s25+s4], $0x80, $0x38;
	[tilespmem:$0x1BE00] =	vst v63  }
0x87: {  	_ =	swait.ge [sflag:s17], $0x80  }
0x88: {  	[sflag:s17] =	ssyncset.done $0x0  }
0x89: {  	[sflag:s17] =	ssyncadd.s32 $0xFFFFFF80  }
0x8a: {  	[tilespmem:s20], [sflag:$0x3] =	stream.linear.gather [hbm4b:s28+s4], $0x80, $0x38;
	[tilespmem:$0x1BE00] =	vst v63  }
0x8b: {  	_ =	swait.ge [sflag:s17], $0x80  }
0x8c: {  	[sflag:s17] =	ssyncset.done $0x0  }
0x8d: {  	[sflag:s17] =	ssyncadd.s32 $0xFFFFFF80  }
0x8e: {  	[tilespmem:s21], [sflag:$0x2] =	stream.indirect.gather [hbm4b:s1+s18], $0x80, s19, s18, $0xb8;
	[tilespmem:$0x1BE00] =	vst v63  }
0x8f: {  	_ =	swait.ge [sflag:s22], $0x4000  }
0x90: {  	[sflag:s22] =	ssyncset.done $0x0  }
0x91: {  	[sflag:s22] =	ssyncadd.s32 $0xFFFFC000  }
0x92: {  	[spmem:s3] =	stream.indirect.scatter.add.f32 [tilespmem:s16], [sflag:$0x3], $0x80, s18, s18, $0xb8;
	[tilespmem:$0x1BE00] =	vst v63  }
0x93: {  	_ =	swait.ge [sflag:s17], $0x4000  }
0x94: {  	[sflag:s17] =	ssyncset.done $0x0  }
0x95: {  	[sflag:s17] =	ssyncadd.s32 $0xFFFFC000  }
0x96: {  	_ =	swait.ge [sflag:s23], $0x4000  }
0x97: {  	[sflag:s23] =	ssyncset.done $0x0  }
0x98: {  	[sflag:s23] =	ssyncadd.s32 $0xFFFFC000  }
0x99: {  	[spmem:s3] =	stream.indirect.scatter.add.f32 [tilespmem:s21], [sflag:$0x3], $0x80, s20, s18, $0xb8;
	[tilespmem:$0x1BE00] =	vst v63  }
0x9a: {  	_ =	swait.ge [sflag:s17], $0x4000  }
0x9b: {  	[sflag:s17] =	ssyncset.done $0x0  }
0x9c: {  	[sflag:s17] =	ssyncadd.s32 $0xFFFFC000  }
0x9d: {  	s26 =	simm.s32 @p0 $0x1FC3;
	s25 =	sshrl.u32 @p0 s5, $0x3;
	[bflag:$0x0] =	sbarrier.arrive $0xFFFF  }
0x9e: {  	[hbm:s11], [sflag:s26] =	dma.local @p0 [spmem:s25], $0x2080  }
0x9f: {  	s25 =	simm.s32 @p0 $0x3  }
0xa0: {  	s24 =	sadd.s32 $0x1, s24;
	_ =	swait.ge @p0 [sflag:s25], $0x2080  }
0xa1: {  	p1 =	sne.s32 s24, s12;
	s26 =	sshll.u32 @!p0 s0, $0x6;
	[sflag:s25] =	ssyncset.done @p0 $0x0  }
0xa2: {  	[sflag:s25] =	ssyncadd.s32 @p0 $0xFFFFDF80;
	s25 =	sor.u32 @!p0 $0x1C03, s26;
	s26 =	sshrl.u32 @!p0 s5, $0x3  }
0xa3: {  	[hbm:s10], [sflag:s25] =	dma.local @!p0 [spmem:s26], $0x2780  }
.Ltmp4:
0xa4: {  	_ = 	snop;
	(pc) =	sbr.rel @p1 .LBB2_1-.Ltmp4, $4  }
.Ltmp5:
0xa5: {  	s25 =	simm.s32 @!p0 $0x3;
	(pc) =	sbr.rel @!p1 .LBB2_8-.Ltmp5, $4  }
0xa6: {  	_ =	swait.ge @!p0 [sflag:s25], $0x2780  }
0xa7: {  	[sflag:s25] =	ssyncset.done @!p0 $0x0  }
0xa8: {  	[sflag:s25] =	ssyncadd.s32 @!p0 $0xFFFFD880  }
0xa9: {  	_ = 	snop  }
.LBB2_5:
.Ltmp6:
0xaa: {  	(pc) =	sbr.rel .LBB2_7-.Ltmp6, $2  }
0xab: {  	_ =	sdelay $0x2  }
0xac: {  	s26 =	smov.u32 s15  }
.LBB2_8:
0xad: {  	_ =	sfence.sel $0x180000  }
0xae: {  	[bflag:$0x0] =	sbarrier.arrive $0xFFFF  }
0xaf: {  	p0 =	sne.s32 s0, $0x0;
	_ =	strace $0x9000004D  }
0xb0: {  	s0 =	sadd.s32 @!p0 $0x100000, s2;
	[bflag:$0x2] =	sbarrier.arrive $0xFFFF  }
0xb1: {  	[sflag:s0] =	ssyncadd.tile.s32 @!p0 $0x1;
	_ =	shalt  }
.Lfunc_end2:
_tile_overlayer_lowered:
.L_overlay_start_2:
0xb2: {  	(tag) =	ssettag $0x2  }
0xb3: {  	s0 =	rddreg [dreg:$0x0];
	s2 =	stileid.u32  }
0xb4: {  	s1 =	rddreg [dreg:$0x1];
	p0 =	sne.s32 s2, $0x0  }
0xb5: {  	s3 =	rddreg [dreg:$0x2];
	[bflag:$0x3] =	sbarrier.arrive $0xFFFF;
	s2 =	simm.s32 @!p0 $0x1C03  }
0xb6: {  	[timem:s3], [sflag:s2] =	dma.local @!p0 [hbm:s0], s1  }
0xb7: {  	s0 =	simm.s32 @!p0 $0x3  }
0xb8: {  	_ =	swait.ge @!p0 [sflag:s0], s1  }
0xb9: {  	s1 =	ssub.s32 @!p0 $0x0, s1;
	[sflag:s0] =	ssyncset.done @!p0 $0x0  }
0xba: {  	[sflag:s0] =	ssyncadd.s32 @!p0 s1  }
0xbb: {  	[bflag:$0x3] =	sbarrier.arrive $0xFFFF  }
0xbc: {  	_ =	shalt  }

// kernel: kernel.9.cloned.1.call-start
scs
__scs_entry_jumppad:
0x0: {  	(pc) =	sbr.rel $0x88, $3  }
0x1: {  	(tag) =	ssettag $0x0;
	lr =	simm.s32 $0x1  }
0x2: {  	[smem:$0x3F8E] =	sst lr;
	_ =	strace $0xD0000000  }
0x3: {  	_ = 	snop  }
0x4: {  	_ = 	snop  }
0x5: {  	_ = 	snop  }
0x6: {  	_ = 	snop  }
0x7: {  	_ = 	snop  }
__scs_overlays_trampoline_lowered:
0x8: {  	[smem:$0x3F9D] =	sst s0  }
0x9: {  	[smem:$0x3F9E] =	sst s1  }
0xa: {  	[smem:$0x3F9F] =	sst s2  }
0xb: {  	[smem:$0x3FA0] =	sst s3  }
0xc: {  	[smem:$0x3FA1] =	sst s4  }
0xd: {  	[smem:$0x3FA2] =	sst s5  }
0xe: {  	[smem:$0x3FA3] =	sst s6  }
0xf: {  	[smem:$0x3FA4] =	sst s7  }
0x10: {  	[smem:$0x3FA5] =	sst s8  }
0x11: {  	[smem:$0x3FA6] =	sst s9;
	s0 =	simm.s32 @!p0 $0x0  }
0x12: {  	s1 =	sld [smem:$0x3F8C];
	s0 =	simm.s32 @p0 $0x1  }
0x13: {  	[smem:$0x3FA7] =	sst s0;
	s0 =	simm.s32 @!p1 $0x0  }
0x14: {  	s2 =	sld [smem:$0x3F8B];
	s0 =	simm.s32 @p1 $0x1  }
0x15: {  	[smem:$0x3FA8] =	sst s0;
	s0 =	simm.s32 @!p2 $0x0  }
0x16: {  	s3 =	sld [smem:$0x3FDB];
	s0 =	simm.s32 @p2 $0x1  }
0x17: {  	s4 =	simm.s32 $0x1BF5;
	[smem:$0x3FAA] =	sst s0  }
0x18: {  	s0 =	sld [smem:$0x3F8D];
	_ =	swait.ge [sflag:s4], $0x0  }
0x19: {  	s7 =	sld [smem:$0x3F8E]  }
0x1a: {  	s8 =	sadd.s32 $0xFFFFE003, lr  }
0x1b: {  	s9 =	sadd.s32 $0xFFFFFEF7, lr;
	s5 =	simm.s32 $0xFFFFFFFF;
	p2 =	slt.u32 s8, $0xFFFFF086  }
0x1c: {  	p1 =	slt.u32 s9, $0xF7A;
	s5 =	simm.s32 @!p2 $0x0  }
0x1d: {  	s5 =	simm.s32 @p1 $0x1;
	p0 =	seq.s32 s7, s2  }
0x1e: {  	s7 =	smul.u32 @!p0 $0xF7A, s2;
	p2 =	seq.s32 @!p0 s5, $0x0  }
0x1f: {  	s9 =	smul.u32 $0xF7A, s1;
	s8 =	simm.s32 @!p0 $0x1BF5;
	p2 =	por !p2, p0  }
0x20: {  	[sflag:s8] =	ssyncset.s32 @!p0 $0xFFFFF086;
	s6 =	sadd.s32 @!p0 s3, s7;
	s7 =	simm.s32 @!p0 $0x108  }
0x21: {  	s3 =	sadd.s32 s3, s9;
	s6 =	sadd.s32 @!p0 $0x88, s6;
	s7 =	simm.s32 @p2 $0x1082  }
0x22: {  	[simem:s7], [sflag:s8] =	dma.local @!p0 [hbm:s6], $0xF7A  }
0x23: {  	s9 =	sor.u32 $0xD0000000, s2;
	s6 =	simm.s32 $0x108;
	_ =	swait.ge @!p0 [sflag:s8], $0x0  }
0x24: {  	s3 =	sadd.s32 $0x88, s3;
	s6 =	simm.s32 @!p1 $0x1082;
	[sflag:s4] =	ssyncset.s32 $0xFFFFF086  }
0x25: {  	[simem:s6], [sflag:s4] =	dma.local [hbm:s3], $0xF7A  }
0x26: {  	[smem:$0x3F8E] =	sst s1;
	(tag) =	ssettag s2;
	_ =	strace s9  }
0x27: {  	s1 =	sld [smem:$0x3F9E]  }
0x28: {  	s2 =	sld [smem:$0x3F9F]  }
0x29: {  	s4 =	sld [smem:$0x3FA1]  }
0x2a: {  	p0 =	seq.s32 s5, $0x0;
	s5 =	sld [smem:$0x3FA2]  }
0x2b: {  	s6 =	sld [smem:$0x3FA3]  }
0x2c: {  	s7 =	sld [smem:$0x3FA4]  }
0x2d: {  	s3 =	simm.s32 $0x108;
	s8 =	sld [smem:$0x3FA5]  }
0x2e: {  	s3 =	simm.s32 @!p0 $0x1082;
	s9 =	sld [smem:$0x3FA6]  }
0x2f: {  	lr =	sadd.s32 s0, s3;
	s0 =	sld [smem:$0x3F9D]  }
0x30: {  	s3 =	sld [smem:$0x3FA0]  }
0x31: {  	[smem:$0x3FA9] =	sst s10  }
0x32: {  	s10 =	sld [smem:$0x3FA7];
	_ =	sdelay $0x3  }
0x33: {  	p0 =	seq.s32 s10, $0x1;
	s10 =	sld [smem:$0x3FA9];
	_ =	sdelay $0x3  }
0x34: {  	[smem:$0x3FA9] =	sst s10  }
0x35: {  	s10 =	sld [smem:$0x3FA8];
	_ =	sdelay $0x3  }
0x36: {  	p1 =	seq.s32 s10, $0x1;
	s10 =	sld [smem:$0x3FA9];
	_ =	sdelay $0x3  }
0x37: {  	[smem:$0x3FA9] =	sst s10  }
0x38: {  	s10 =	sld [smem:$0x3FAA]  }
0x39: {  	_ = 	snop;
	(pc) =	sbr.ind lr, $3  }
0x3a: {  	_ = 	snop  }
0x3b: {  	_ = 	snop  }
0x3c: {  	p2 =	seq.s32 s10, $0x1;
	s10 =	sld [smem:$0x3FA9]  }
0x3d: {  	_ =	shalt  }
0x3e: {  	_ =	shalt  }
0x3f: {  	_ =	shalt  }
0x40: {  	_ =	shalt  }
0x41: {  	_ =	shalt  }
0x42: {  	_ =	shalt  }
0x43: {  	_ =	shalt  }
0x44: {  	_ =	shalt  }
0x45: {  	_ =	shalt  }
0x46: {  	_ =	shalt  }
0x47: {  	_ =	shalt  }
0x48: {  	_ =	shalt  }
0x49: {  	_ =	shalt  }
0x4a: {  	_ =	shalt  }
0x4b: {  	_ =	shalt  }
0x4c: {  	_ =	shalt  }
0x4d: {  	_ =	shalt  }
0x4e: {  	_ =	shalt  }
0x4f: {  	_ =	shalt  }
0x50: {  	_ =	shalt  }
0x51: {  	_ =	shalt  }
0x52: {  	_ =	shalt  }
0x53: {  	_ =	shalt  }
0x54: {  	_ =	shalt  }
0x55: {  	_ =	shalt  }
0x56: {  	_ =	shalt  }
0x57: {  	_ =	shalt  }
0x58: {  	_ =	shalt  }
0x59: {  	_ =	shalt  }
0x5a: {  	_ =	shalt  }
0x5b: {  	_ =	shalt  }
0x5c: {  	_ =	shalt  }
0x5d: {  	_ =	shalt  }
0x5e: {  	_ =	shalt  }
0x5f: {  	_ =	shalt  }
0x60: {  	_ =	shalt  }
0x61: {  	_ =	shalt  }
0x62: {  	_ =	shalt  }
0x63: {  	_ =	shalt  }
0x64: {  	_ =	shalt  }
0x65: {  	_ =	shalt  }
0x66: {  	_ =	shalt  }
0x67: {  	_ =	shalt  }
0x68: {  	_ =	shalt  }
0x69: {  	_ =	shalt  }
0x6a: {  	_ =	shalt  }
0x6b: {  	_ =	shalt  }
0x6c: {  	_ =	shalt  }
0x6d: {  	_ =	shalt  }
0x6e: {  	_ =	shalt  }
0x6f: {  	_ =	shalt  }
0x70: {  	_ =	shalt  }
0x71: {  	_ =	shalt  }
0x72: {  	_ =	shalt  }
0x73: {  	_ =	shalt  }
0x74: {  	_ =	shalt  }
0x75: {  	_ =	shalt  }
0x76: {  	_ =	shalt  }
0x77: {  	_ =	shalt  }
0x78: {  	_ =	shalt  }
0x79: {  	_ =	shalt  }
0x7a: {  	_ =	shalt  }
0x7b: {  	_ =	shalt  }
0x7c: {  	_ =	shalt  }
0x7d: {  	_ =	shalt  }
0x7e: {  	_ =	shalt  }
0x7f: {  	_ =	shalt  }
0x80: {  	_ =	shalt  }
0x81: {  	_ =	shalt  }
0x82: {  	_ =	shalt  }
0x83: {  	_ =	shalt  }
0x84: {  	_ =	shalt  }
0x85: {  	_ =	shalt  }
0x86: {  	_ =	shalt  }
0x87: {  	_ =	shalt  }
.Lfunc_end0:
.L_simem_size_0:
called_computation_lowered:
.L_overlay_start_0:
0x88: {  	s2 =	sld [smem:$0x3FD9]  }
0x89: {  	s3 =	sld [smem:$0x3FFE];
	_ =	sdelay $0x1  }
0x8a: {  	s1 =	srdreg.scid  }
0x8b: {  	s0 =	sand.u32 $0x1, s1  }
0x8c: {  	s17 =	sshll.u32 s0, $0xA;
	s2 =	sadd.s32 s3, s2  }
0x8d: {  	s2 =	sadd.s32 s2, s17  }
0x8e: {  	[smem:$0x3FB5] =	sst s2  }
0x8f: {  	_ = 	snop  }
0x90: {  	s2 =	sld [smem:$0x3FC9];
	(tm) =	ssettm $0x1  }
0x91: {  	s18 =	sld [smem:$0x3FFB];
	_ =	sdelay $0x3  }
0x92: {  	_ =	strace s18  }
0x93: {  	s3 =	sld [smem:$0x3FFC];
	_ =	sdelay $0x3  }
0x94: {  	_ =	strace s3  }
0x95: {  	s3 =	sld [smem:$0x3FFD];
	_ =	sdelay $0x3  }
0x96: {  	_ =	strace s3  }
0x97: {  	_ =	strace $0x8FFFFFFF  }
0x98: {  	s19 =	sld [smem:$0x3FDB];
	_ =	sdelay $0x1  }
0x99: {  	s4 =	simm.s32 $_scs_section_size  }
0x9a: {  	s5 =	simm.s32 $_size__tile_overlayer_lowered;
	s6 =	simm.s32 $_tile_overlayer_lowered  }
0x9b: {  	s22 =	simm.s32 $0x1BFF;
	s21 =	sshll.u32 s6, $0x1;
	s3 =	sadd.s32 s4, s19  }
0x9c: {  	s7 =	simm.s32 $0x0;
	s20 =	sshll.u32 s5, $0x1;
	s5 =	sadd.s32 s21, s3  }
0x9d: {  	[timem:s7], [sflag:s22] =	dma.local [hbm:s5], s20  }
0x9e: {  	_ =	swait.ge [sflag:s22], s20  }
0x9f: {  	s4 =	ssub.s32 $0x0, s20;
	[sflag:s22] =	ssyncset.done $0x0  }
0xa0: {  	[sflag:s22] =	ssyncadd.s32 s4;
	_ =	sdelay $0x1  }
0xa1: {  	s23 =	simm.s32 $0x1B8B  }
0xa2: {  	_ =	swait.ge [sflag:s23], $0x1  }
0xa3: {  	[sflag:s23] =	ssyncset.done $0x0  }
0xa4: {  	s25 =	simm.s32 $0x1B8E;
	s24 =	sld [smem:$0x3FFE];
	[sflag:s23] =	ssyncadd.s32 $0xFFFFFFFF  }
0xa5: {  	s26 =	simm.s32 $execute0_lowered;
	[smem:$0x3FD2] =	sst s25  }
0xa6: {  	s5 =	sshll.u32 s26, $0x1;
	_ =	strace $0x80000046;
	[dreg:$0x1] =	wrdreg $0xFFFFFFFF  }
0xa7: {  	s28 =	simm.s32 $_size_execute0_lowered;
	s3 =	sadd.s32 s3, s5;
	[dreg:$0x0] =	wrdreg $0x0  }
0xa8: {  	s5 =	sshll.u32 s28, $0x1;
	[dreg:$0x2] =	wrdreg s3  }
0xa9: {  	[dreg:$0x3] =	wrdreg s5  }
0xaa: {  	[dreg:$0x4] =	wrdreg $0xC0  }
0xab: {  	_ =	task [dreg:s7], $0x5FFFF  }
0xac: {  	[dreg:$0x1] =	wrdreg $0xFFFFFFFF  }
0xad: {  	[dreg:$0x0] =	wrdreg $0x60  }
0xae: {  	[dreg:$0x2] =	wrdreg s2  }
0xaf: {  	[dreg:$0x3] =	wrdreg s24  }
0xb0: {  	[dreg:$0x4] =	wrdreg $0x82000  }
0xb1: {  	[dreg:$0x5] =	wrdreg $0x9  }
0xb2: {  	_ =	task.clear_ibuf [dreg:s7], $0x6FFFF;
	_ =	strace $0x90000046  }
0xb3: {  	s29 =	simm.s32 $0x9;
	_ =	strace $0x80000048  }
0xb4: {  	_ =	swait.ge [sflag:s29], $0x1  }
0xb5: {  	[sflag:s29] =	ssyncadd.s32 $0xFFFFFFFF  }
0xb6: {  	_ =	strace $0x90000048  }
0xb7: {  	_ =	sfence  }
0xb8: {  	s30 =	sld [smem:$0x0];
	_ =	sdelay $0x2  }
0xb9: {  	s31 =	sshll.u32 s1, $0xD;
	s1 =	sshrl.u32 s1, $0x2  }
0xba: {  	s3 =	sand.u32 $0x4000, s31;
	s1 =	sadd.s32 s1, s30  }
0xbb: {  	s0 =	sor.u32 s3, s0;
	s1 =	sshll.u32 s1, $0x11  }
0xbc: {  	s0 =	sor.u32 s1, s0  }
0xbd: {  	s0 =	sadd.s32 $0x8F2B, s0  }
0xbe: {  	[sflag:s0] =	ssyncadd.remote.s32 $0x1  }
0xbf: {  	_ =	sfence.sel $0xFFFF  }
0xc0: {  	[dreg:$0x0] =	wrdreg $0xFFFFFFFF;
	(pc) =	sbr.abs _section_cstart, $3  }
0xc1: {  	[dreg:$0x1] =	wrdreg $0xFFFFFFFF  }
0xc2: {  	_ =	task.clear_ibuf [dreg:s7], $0x2FFFF;
	_ =	strace $0x9FFFFFFF  }
0xc3: {  	(tm) =	ssettm $0x7FFFFFFF  }
tec
execute0_lowered:
.L_overlay_start_1:
0x0: {  	(tag) =	ssettag $0x1  }
0x1: {  	s1 =	rddreg [dreg:$0x0];
	s2 =	srdreg.scid  }
0x2: {  	s6 =	rddreg [dreg:$0x1];
	s0 =	stileid.u32  }
0x3: {  	s3 =	rddreg [dreg:$0x2];
	s4 =	simm.s32 $0x0;
	s17 =	simm.s32 $0x3  }
0x4: {  	s18 =	simm.s32 $0x80;
	s19 =	simm.s32 $0x100;
	s20 =	simm.s32 $0x180  }
0x5: {  	s21 =	simm.s32 $0x4200;
	s22 =	simm.s32 $0x1;
	s23 =	simm.s32 $0x2  }
0x6: {  	s24 =	simm.s32 $0x0;
	s5 =	sand.u32 $0x1, s2;
	s2 =	rddreg [dreg:$0x3]  }
0x7: {  	s7 =	sshll.u32 s0, $0x9;
	[smem:$0x7FF] =	sst s4;
	s28 =	smul.u32 $0x4F000, s0  }
0x8: {  	s12 =	smul.u32 $0x13C00, s0;
	s13 =	sadd.s32 $0x17400, s6;
	p0 =	seq.s32 s0, $0xF  }
0x9: {  	s8 =	sshll.u32 s5, $0x8;
	_ =	strace $0x80000047;
	s29 =	ssub.s32 $0x2, s5  }
0xa: {  	s10 =	smul.u32 $0x138800, s5;
	s11 =	sor.u32 s8, s7;
	s8 =	sshrl.u32 s28, $0x2  }
0xb: {  	s9 =	sshrl.u32 s29, $0x1;
	s7 =	sshrl.u32 s11, $0x3;
	s5 =	sadd.s32 s8, s3  }
0xc: {  	s14 =	ssub.s32 s29, s9;
	s12 =	sadd.s32 s12, s10;
	s16 =	sshrl.u32 s10, $0x3  }
0xd: {  	s31 =	ssub.s32 $0x50100, s11;
	s15 =	sadd.s32 s7, s6;
	s6 =	sadd.s32 $0x4000, s5  }
0xe: {  	s7 =	sadd.s32 $0x8000, s5;
	s8 =	sadd.s32 $0xC000, s5;
	s9 =	sadd.s32 $0x10000, s5  }
0xf: {  	s12 =	sshrl.u32 s12, $0x3;
	s30 =	sadd.s32 s13, s16;
	s16 =	simm.s32 $0x200  }
0x10: {  	s10 =	sadd.s32 s13, s12;
	s11 =	sadd.s32 $0x25080, s30;
	s12 =	smax.u32 s14, $0x1  }
0x11: {  	v0 =	vimm.f32 $0.0e+00;
	s13 =	sshrl.u32 s31, $0xD;
	s14 =	sadd.s32 $0xD610, s15;
	s15 =	sadd.s32 $0x3810, s15  }
.LBB2_1:
0x12: {  	s25 =	simm.s32 $0x0;
	s26 =	simm.s32 $0x200  }
.LBB2_2:
0x13: {  	p1 =	sne.s32 s26, $0xFE00;
	[tilespmem:s25+$0x270] =	vst v0  }
0x14: {  	[tilespmem:s25+$0x200] =	vst v0  }
0x15: {  	[tilespmem:s25+$0x210] =	vst v0  }
.Ltmp0:
0x16: {  	[tilespmem:s25+$0x220] =	vst v0;
	(pc) =	sbr.rel @p1 .LBB2_2-.Ltmp0, $4  }
0x17: {  	[tilespmem:s25+$0x230] =	vst v0  }
0x18: {  	[tilespmem:s25+$0x240] =	vst v0  }
0x19: {  	[tilespmem:s25+$0x250] =	vst v0  }
0x1a: {  	[tilespmem:s25+$0x260] =	vst v0;
	s25 =	sshra.s32 s26, $0x2;
	s26 =	sadd.s32 $0x200, s26  }
0x1b: {  	[tilespmem:s25+$0x270] =	vst v0  }
0x1c: {  	[tilespmem:s25+$0x200] =	vst v0  }
0x1d: {  	[tilespmem:s25+$0x210] =	vst v0  }
0x1e: {  	[tilespmem:s25+$0x220] =	vst v0  }
0x1f: {  	[tilespmem:s25+$0x230] =	vst v0  }
0x20: {  	[tilespmem:s25+$0x240] =	vst v0  }
0x21: {  	[tilespmem:s25+$0x250] =	vst v0  }
0x22: {  	[tilespmem:s25+$0x260] =	vst v0  }
0x23: {  	[spmem:s5] =	stream.linear.scatter [tilespmem:s16], [sflag:$0x3], $0x4000, $0x38;
	[tilespmem:$0x1BE00] =	vst v63  }
0x24: {  	_ =	swait.ge [sflag:s17], $0x4000  }
0x25: {  	[sflag:s17] =	ssyncset.done $0x0  }
0x26: {  	[sflag:s17] =	ssyncadd.s32 $0xFFFFC000  }
0x27: {  	[spmem:s6] =	stream.linear.scatter [tilespmem:s16], [sflag:$0x3], $0x4000, $0x38;
	[tilespmem:$0x1BE00] =	vst v63  }
0x28: {  	_ =	swait.ge [sflag:s17], $0x4000  }
0x29: {  	[sflag:s17] =	ssyncset.done $0x0  }
0x2a: {  	[sflag:s17] =	ssyncadd.s32 $0xFFFFC000  }
0x2b: {  	[spmem:s7] =	stream.linear.scatter [tilespmem:s16], [sflag:$0x3], $0x4000, $0x38;
	[tilespmem:$0x1BE00] =	vst v63  }
0x2c: {  	_ =	swait.ge [sflag:s17], $0x4000  }
0x2d: {  	[sflag:s17] =	ssyncset.done $0x0  }
0x2e: {  	[sflag:s17] =	ssyncadd.s32 $0xFFFFC000  }
0x2f: {  	[spmem:s8] =	stream.linear.scatter [tilespmem:s16], [sflag:$0x3], $0x4000, $0x38;
	[tilespmem:$0x1BE00] =	vst v63  }
0x30: {  	_ =	swait.ge [sflag:s17], $0x4000  }
0x31: {  	[sflag:s17] =	ssyncset.done $0x0  }
0x32: {  	p2 =	sne.s32 s13, $0x1;
	[sflag:s17] =	ssyncadd.s32 $0xFFFFC000  }
0x33: {  	[spmem:s9] =	stream.linear.scatter [tilespmem:s16], [sflag:$0x3], $0x3C00, $0x38;
	[tilespmem:$0x1BE00] =	vst v63  }
.Ltmp1:
0x34: {  	_ =	swait.ge [sflag:s17], $0x3C00;
	(pc) =	sbr.rel @!p2 .LBB2_7-.Ltmp1, $4  }
0x35: {  	[sflag:s17] =	ssyncset.done $0x0  }
0x36: {  	[sflag:s17] =	ssyncadd.s32 $0xFFFFC400  }
0x37: {  	s28 =	sadd.s32 $0xFFFFFFFF, s13;
	[bflag:$0x0] =	sbarrier.arrive $0xFFFF  }
0x38: {  	p1 =	por $0x0, $0x0;
	s25 =	smov.u32 s14;
	s26 =	smov.u32 s15  }
0x39: {  	s25 =	sadd.s32 $0xFFFFFFF0, s14  }
0x3a: {  	[tilespmem:s4], [sflag:$0x3] =	stream.linear.gather [hbm4b:s25+s4], $0x80, $0x38;
	[tilespmem:$0x1BE00] =	vst v63  }
0x3b: {  	_ =	swait.ge [sflag:s17], $0x80  }
0x3c: {  	[sflag:s17] =	ssyncset.done $0x0  }
0x3d: {  	s31 =	sadd.s32 $0xFFFFFFF0, s15;
	[sflag:s17] =	ssyncadd.s32 $0xFFFFFF80  }
0x3e: {  	[tilespmem:s18], [sflag:$0x3] =	stream.linear.gather [hbm4b:s31+s4], $0x80, $0x38;
	[tilespmem:$0x1BE00] =	vst v63  }
0x3f: {  	_ =	swait.ge [sflag:s17], $0x80  }
0x40: {  	[sflag:s17] =	ssyncset.done $0x0  }
0x41: {  	[sflag:s17] =	ssyncadd.s32 $0xFFFFFF80  }
0x42: {  	[tilespmem:s16], [sflag:$0x1] =	stream.indirect.gather [hbm4b:s1+s18], $0x80, s4, s18, $0xb8;
	[tilespmem:$0x1BE00] =	vst v63  }
0x43: {  	_ = 	snop  }
0x44: {  	[tilespmem:s19], [sflag:$0x3] =	stream.linear.gather [hbm4b:s14+s4], $0x80, $0x38;
	[tilespmem:$0x1BE00] =	vst v63  }
0x45: {  	_ =	swait.ge [sflag:s17], $0x80  }
0x46: {  	[sflag:s17] =	ssyncset.done $0x0  }
0x47: {  	[sflag:s17] =	ssyncadd.s32 $0xFFFFFF80  }
0x48: {  	[tilespmem:s20], [sflag:$0x3] =	stream.linear.gather [hbm4b:s15+s4], $0x80, $0x38;
	[tilespmem:$0x1BE00] =	vst v63  }
0x49: {  	_ =	swait.ge [sflag:s17], $0x80  }
0x4a: {  	[sflag:s17] =	ssyncset.done $0x0  }
0x4b: {  	[sflag:s17] =	ssyncadd.s32 $0xFFFFFF80  }
0x4c: {  	[tilespmem:s21], [sflag:$0x2] =	stream.indirect.gather [hbm4b:s1+s18], $0x80, s19, s18, $0xb8;
	[tilespmem:$0x1BE00] =	vst v63  }
0x4d: {  	_ =	swait.ge [sflag:s22], $0x4000  }
0x4e: {  	[sflag:s22] =	ssyncset.done $0x0  }
0x4f: {  	[sflag:s22] =	ssyncadd.s32 $0xFFFFC000  }
0x50: {  	[spmem:s3] =	stream.indirect.scatter.add.f32 [tilespmem:s16], [sflag:$0x3], $0x80, s18, s18, $0xb8;
	[tilespmem:$0x1BE00] =	vst v63  }
0x51: {  	_ =	swait.ge [sflag:s17], $0x4000  }
0x52: {  	[sflag:s17] =	ssyncset.done $0x0  }
0x53: {  	[sflag:s17] =	ssyncadd.s32 $0xFFFFC000  }
0x54: {  	p2 =	sne.s32 s28, $0x1;
	_ =	swait.ge [sflag:s23], $0x4000  }
.Ltmp2:
0x55: {  	[sflag:s23] =	ssyncset.done $0x0;
	(pc) =	sbr.rel @!p2 .LBB2_5-.Ltmp2, $4  }
0x56: {  	[sflag:s23] =	ssyncadd.s32 $0xFFFFC000  }
0x57: {  	[spmem:s3] =	stream.indirect.scatter.add.f32 [tilespmem:s21], [sflag:$0x3], $0x80, s20, s18, $0xb8;
	[tilespmem:$0x1BE00] =	vst v63  }
0x58: {  	s28 =	sadd.s32 $0xFFFFFFFF, s28;
	p1 =	por $0x1, $0x1;
	_ =	swait.ge [sflag:s17], $0x4000  }
0x59: {  	s26 =	smov.u32 s15;
	s25 =	sadd.s32 $0x400, s14;
	[sflag:s17] =	ssyncset.done $0x0  }
.LBB2_6:
0x5a: {  	s29 =	sadd.s32 $0xFFFFFFF0, s25;
	[sflag:s17] =	ssyncadd.s32 $0xFFFFC000;
	s26 =	sadd.s32 $0x400, s26  }
0x5b: {  	[tilespmem:s4], [sflag:$0x3] =	stream.linear.gather [hbm4b:s29+s4], $0x80, $0x38;
	[tilespmem:$0x1BE00] =	vst v63  }
0x5c: {  	p2 =	sne.s32 s28, $0x1;
	s28 =	sadd.s32 $0xFFFFFFFF, s28;
	_ =	swait.ge [sflag:s17], $0x80  }
0x5d: {  	[sflag:s17] =	ssyncset.done $0x0  }
0x5e: {  	s29 =	sadd.s32 $0xFFFFFFF0, s26;
	[sflag:s17] =	ssyncadd.s32 $0xFFFFFF80  }
0x5f: {  	[tilespmem:s18], [sflag:$0x3] =	stream.linear.gather [hbm4b:s29+s4], $0x80, $0x38;
	[tilespmem:$0x1BE00] =	vst v63  }
0x60: {  	_ =	swait.ge [sflag:s17], $0x80  }
0x61: {  	[sflag:s17] =	ssyncset.done $0x0  }
0x62: {  	[sflag:s17] =	ssyncadd.s32 $0xFFFFFF80  }
0x63: {  	[tilespmem:s16], [sflag:$0x1] =	stream.indirect.gather [hbm4b:s1+s18], $0x80, s4, s18, $0xb8;
	[tilespmem:$0x1BE00] =	vst v63  }
0x64: {  	_ = 	snop  }
0x65: {  	[tilespmem:s19], [sflag:$0x3] =	stream.linear.gather [hbm4b:s25+s4], $0x80, $0x38;
	[tilespmem:$0x1BE00] =	vst v63  }
0x66: {  	_ =	swait.ge [sflag:s17], $0x80  }
0x67: {  	[sflag:s17] =	ssyncset.done $0x0  }
0x68: {  	[sflag:s17] =	ssyncadd.s32 $0xFFFFFF80  }
0x69: {  	[tilespmem:s20], [sflag:$0x3] =	stream.linear.gather [hbm4b:s26+s4], $0x80, $0x38;
	[tilespmem:$0x1BE00] =	vst v63  }
0x6a: {  	_ =	swait.ge [sflag:s17], $0x80  }
0x6b: {  	[sflag:s17] =	ssyncset.done $0x0  }
0x6c: {  	[sflag:s17] =	ssyncadd.s32 $0xFFFFFF80  }
0x6d: {  	[tilespmem:s21], [sflag:$0x2] =	stream.indirect.gather [hbm4b:s1+s18], $0x80, s19, s18, $0xb8;
	[tilespmem:$0x1BE00] =	vst v63  }
0x6e: {  	_ =	swait.ge [sflag:s22], $0x4000  }
0x6f: {  	[sflag:s22] =	ssyncset.done $0x0  }
0x70: {  	[sflag:s22] =	ssyncadd.s32 $0xFFFFC000  }
0x71: {  	[spmem:s3] =	stream.indirect.scatter.add.f32 [tilespmem:s16], [sflag:$0x3], $0x80, s18, s18, $0xb8;
	[tilespmem:$0x1BE00] =	vst v63  }
0x72: {  	_ =	swait.ge [sflag:s17], $0x4000  }
0x73: {  	[sflag:s17] =	ssyncset.done $0x0  }
0x74: {  	[sflag:s17] =	ssyncadd.s32 $0xFFFFC000  }
0x75: {  	_ =	swait.ge [sflag:s23], $0x4000  }
.Ltmp3:
0x76: {  	[sflag:s23] =	ssyncset.done $0x0;
	(pc) =	sbr.rel @p2 .LBB2_6-.Ltmp3, $4  }
0x77: {  	[sflag:s23] =	ssyncadd.s32 $0xFFFFC000  }
0x78: {  	[spmem:s3] =	stream.indirect.scatter.add.f32 [tilespmem:s21], [sflag:$0x3], $0x80, s20, s18, $0xb8;
	[tilespmem:$0x1BE00] =	vst v63  }
0x79: {  	_ =	swait.ge [sflag:s17], $0x4000  }
0x7a: {  	s25 =	sadd.s32 $0x400, s25;
	[sflag:s17] =	ssyncset.done $0x0  }
.LBB2_7:
0x7b: {  	s28 =	sadd.s32 $0xFFFFFFF0, s25;
	[sflag:s17] =	ssyncadd.s32 @p1 $0xFFFFC000  }
0x7c: {  	[tilespmem:s4], [sflag:$0x3] =	stream.linear.gather [hbm4b:s28+s4], $0x80, $0x38;
	[tilespmem:$0x1BE00] =	vst v63  }
0x7d: {  	s26 =	sadd.s32 @p1 $0x400, s26;
	s28 =	smov.u32 s15;
	_ =	swait.ge [sflag:s17], $0x80  }
0x7e: {  	s28 =	smov.u32 @p1 s26;
	[sflag:s17] =	ssyncset.done $0x0  }
0x7f: {  	s26 =	sadd.s32 $0xFFFFFFF0, s28;
	[sflag:s17] =	ssyncadd.s32 $0xFFFFFF80  }
0x80: {  	[tilespmem:s18], [sflag:$0x3] =	stream.linear.gather [hbm4b:s26+s4], $0x80, $0x38;
	[tilespmem:$0x1BE00] =	vst v63  }
0x81: {  	_ =	swait.ge [sflag:s17], $0x80  }
0x82: {  	[sflag:s17] =	ssyncset.done $0x0  }
0x83: {  	[sflag:s17] =	ssyncadd.s32 $0xFFFFFF80  }
0x84: {  	[tilespmem:s16], [sflag:$0x1] =	stream.indirect.gather [hbm4b:s1+s18], $0x80, s4, s18, $0xb8;
	[tilespmem:$0x1BE00] =	vst v63  }
0x85: {  	_ = 	snop  }
0x86: {  	[tilespmem:s19], [sflag:$0x3] =	stream.linear.gather [hbm4b:s25+s4], $0x80, $0x38;
	[tilespmem:$0x1BE00] =	vst v63  }
0x87: {  	_ =	swait.ge [sflag:s17], $0x80  }
0x88: {  	[sflag:s17] =	ssyncset.done $0x0  }
0x89: {  	[sflag:s17] =	ssyncadd.s32 $0xFFFFFF80  }
0x8a: {  	[tilespmem:s20], [sflag:$0x3] =	stream.linear.gather [hbm4b:s28+s4], $0x80, $0x38;
	[tilespmem:$0x1BE00] =	vst v63  }
0x8b: {  	_ =	swait.ge [sflag:s17], $0x80  }
0x8c: {  	[sflag:s17] =	ssyncset.done $0x0  }
0x8d: {  	[sflag:s17] =	ssyncadd.s32 $0xFFFFFF80  }
0x8e: {  	[tilespmem:s21], [sflag:$0x2] =	stream.indirect.gather [hbm4b:s1+s18], $0x80, s19, s18, $0xb8;
	[tilespmem:$0x1BE00] =	vst v63  }
0x8f: {  	_ =	swait.ge [sflag:s22], $0x4000  }
0x90: {  	[sflag:s22] =	ssyncset.done $0x0  }
0x91: {  	[sflag:s22] =	ssyncadd.s32 $0xFFFFC000  }
0x92: {  	[spmem:s3] =	stream.indirect.scatter.add.f32 [tilespmem:s16], [sflag:$0x3], $0x80, s18, s18, $0xb8;
	[tilespmem:$0x1BE00] =	vst v63  }
0x93: {  	_ =	swait.ge [sflag:s17], $0x4000  }
0x94: {  	[sflag:s17] =	ssyncset.done $0x0  }
0x95: {  	[sflag:s17] =	ssyncadd.s32 $0xFFFFC000  }
0x96: {  	_ =	swait.ge [sflag:s23], $0x4000  }
0x97: {  	[sflag:s23] =	ssyncset.done $0x0  }
0x98: {  	[sflag:s23] =	ssyncadd.s32 $0xFFFFC000  }
0x99: {  	[spmem:s3] =	stream.indirect.scatter.add.f32 [tilespmem:s21], [sflag:$0x3], $0x80, s20, s18, $0xb8;
	[tilespmem:$0x1BE00] =	vst v63  }
0x9a: {  	_ =	swait.ge [sflag:s17], $0x4000  }
0x9b: {  	[sflag:s17] =	ssyncset.done $0x0  }
0x9c: {  	[sflag:s17] =	ssyncadd.s32 $0xFFFFC000  }
0x9d: {  	s26 =	simm.s32 @p0 $0x1FC3;
	s25 =	sshrl.u32 @p0 s5, $0x3;
	[bflag:$0x0] =	sbarrier.arrive $0xFFFF  }
0x9e: {  	[hbm:s11], [sflag:s26] =	dma.local @p0 [spmem:s25], $0x2080  }
0x9f: {  	s25 =	simm.s32 @p0 $0x3  }
0xa0: {  	s24 =	sadd.s32 $0x1, s24;
	_ =	swait.ge @p0 [sflag:s25], $0x2080  }
0xa1: {  	p1 =	sne.s32 s24, s12;
	s26 =	sshll.u32 @!p0 s0, $0x6;
	[sflag:s25] =	ssyncset.done @p0 $0x0  }
0xa2: {  	[sflag:s25] =	ssyncadd.s32 @p0 $0xFFFFDF80;
	s25 =	sor.u32 @!p0 $0x1C03, s26;
	s26 =	sshrl.u32 @!p0 s5, $0x3  }
0xa3: {  	[hbm:s10], [sflag:s25] =	dma.local @!p0 [spmem:s26], $0x2780  }
.Ltmp4:
0xa4: {  	_ = 	snop;
	(pc) =	sbr.rel @p1 .LBB2_1-.Ltmp4, $4  }
.Ltmp5:
0xa5: {  	s25 =	simm.s32 @!p0 $0x3;
	(pc) =	sbr.rel @!p1 .LBB2_8-.Ltmp5, $4  }
0xa6: {  	_ =	swait.ge @!p0 [sflag:s25], $0x2780  }
0xa7: {  	[sflag:s25] =	ssyncset.done @!p0 $0x0  }
0xa8: {  	[sflag:s25] =	ssyncadd.s32 @!p0 $0xFFFFD880  }
0xa9: {  	_ = 	snop  }
.LBB2_5:
.Ltmp6:
0xaa: {  	(pc) =	sbr.rel .LBB2_7-.Ltmp6, $2  }
0xab: {  	_ =	sdelay $0x2  }
0xac: {  	s26 =	smov.u32 s15  }
.LBB2_8:
0xad: {  	_ =	sfence.sel $0x180000  }
0xae: {  	[bflag:$0x0] =	sbarrier.arrive $0xFFFF  }
0xaf: {  	p0 =	sne.s32 s0, $0x0;
	_ =	strace $0x90000047  }
0xb0: {  	s0 =	sadd.s32 @!p0 $0x100000, s2;
	[bflag:$0x2] =	sbarrier.arrive $0xFFFF  }
0xb1: {  	[sflag:s0] =	ssyncadd.tile.s32 @!p0 $0x1;
	_ =	shalt  }
.Lfunc_end2:
_tile_overlayer_lowered:
.L_overlay_start_2:
0xb2: {  	(tag) =	ssettag $0x2  }
0xb3: {  	s0 =	rddreg [dreg:$0x0];
	s2 =	stileid.u32  }
0xb4: {  	s1 =	rddreg [dreg:$0x1];
	p0 =	sne.s32 s2, $0x0  }
0xb5: {  	s3 =	rddreg [dreg:$0x2];
	[bflag:$0x3] =	sbarrier.arrive $0xFFFF;
	s2 =	simm.s32 @!p0 $0x1C03  }
0xb6: {  	[timem:s3], [sflag:s2] =	dma.local @!p0 [hbm:s0], s1  }
0xb7: {  	s0 =	simm.s32 @!p0 $0x3  }
0xb8: {  	_ =	swait.ge @!p0 [sflag:s0], s1  }
0xb9: {  	s1 =	ssub.s32 @!p0 $0x0, s1;
	[sflag:s0] =	ssyncset.done @!p0 $0x0  }
0xba: {  	[sflag:s0] =	ssyncadd.s32 @!p0 s1  }
0xbb: {  	[bflag:$0x3] =	sbarrier.arrive $0xFFFF  }
0xbc: {  	_ =	shalt  }

</sc_bundles>
